<compile_context>
chip_gen: v7x
topology: tpu7x:2x2x1
jax: 0.10.2.dev20260603
libtpu: 0.0.44.dev20260713+nightly
codegen_flags: <defaults>
</compile_context>

<pallas_src>
import jax
import jax.numpy as jnp
from jax import lax
from jax.experimental import pallas as pl
from jax.experimental.pallas import tpu as pltpu
from jax.experimental.pallas import tpu_sc as plsc

PRE = 1000
IOU_T = 0.55
POST = 300
NSLOT = 1024
NCHUNK = NSLOT // 16
NC, NS = 2, 16
NW = NC * NS
NCLS = 80
QMAX = -(-NCLS // NW)
QN = QMAX * NSLOT
OUTN = 304
NEG = -3.0e38


def _wbf_sc_body(x_hbm, buf_hbm, xv, idxl, created, mcoord, wacc, sacc,
                 cacc, arena, rowv, sem):
    wid = lax.axis_index("s") * NC + lax.axis_index("c")
    lanes = lax.broadcasted_iota(jnp.int32, (16,), 0)

    pltpu.sync_copy(x_hbm, xv)

    cfs = [(wid + NW * q).astype(jnp.float32) for q in range(QMAX)]

    def part_body(ch, cnts):
        idxs = lanes + ch * 16
        cls_chunk = plsc.load_gather(xv, [idxs * 6 + 5])
        live = idxs < PRE
        out = []
        for q in range(QMAX):
            m = (cls_chunk == cfs[q]) & live
            mi = jnp.where(m, 1, 0)
            pos = jnp.where(m, q * NSLOT + cnts[q] + plsc.cumsum(mi) - 1,
                            QN + lanes)
            plsc.store_scatter(idxl, [pos], idxs)
            out.append(cnts[q] + plsc.all_reduce_population_count(m))
        return tuple(out)

    zero = jnp.zeros((16,), jnp.int32)
    cnts = lax.fori_loop(0, NCHUNK, part_body, (zero,) * QMAX)
    ms = [jnp.max(c) for c in cnts]

    for q in range(QMAX):
        Q = q * NSLOT

        def box_body(p, ncl, Q=Q):
            psp = jnp.full((16,), p, jnp.int32)
            isp = plsc.load_gather(idxl, [Q + psp])
            ia = isp * 6
            b0 = plsc.load_gather(xv, [ia])
            b1 = plsc.load_gather(xv, [ia + 1])
            b2 = plsc.load_gather(xv, [ia + 2])
            b3 = plsc.load_gather(xv, [ia + 3])
            s = plsc.load_gather(xv, [ia + 4])
            a1 = (b2 - b0) * (b3 - b1)

            def ch_body(ch, jf, Q=Q):
                base = ch * 16
                m0 = mcoord[pl.ds(0 * QN + Q + base, 16)]
                m1 = mcoord[pl.ds(1 * QN + Q + base, 16)]
                m2 = mcoord[pl.ds(2 * QN + Q + base, 16)]
                m3 = mcoord[pl.ds(3 * QN + Q + base, 16)]
                iw = jnp.maximum(jnp.minimum(b2, m2) - jnp.maximum(b0, m0), 0.0)
                ih = jnp.maximum(jnp.minimum(b3, m3) - jnp.maximum(b1, m1), 0.0)
                inter = iw * ih
                a2 = (m2 - m0) * (m3 - m1)
                iou = inter / (a1 + a2 - inter)
                hit = (iou > IOU_T) & ((lanes + base) < ncl)
                pc = plsc.all_reduce_population_count(hit)
                ff = plsc.all_reduce_ffs(hit)
                return jnp.where((jf >= 16384) & (pc > 0), base + ff, jf)

            nch = (p >> 4) + 1
            jf = lax.fori_loop(0, nch, ch_body,
                               jnp.full((16,), 16384, jnp.int32))
            anyv = jf < 16384
            ksp = jnp.where(anyv, jf, ncl)
            addr = Q + ksp
            old_ss = plsc.load_gather(sacc, [addr])
            ssc = jnp.where(anyv, old_ss + s, s)
            plsc.store_scatter(sacc, [addr], ssc)
            old_c = plsc.load_gather(cacc, [addr])
            plsc.store_scatter(cacc, [addr],
                               jnp.where(anyv, old_c + 1.0, 1.0))
            for d, bd in enumerate((b0, b1, b2, b3)):
                old_w = plsc.load_gather(wacc, [d * QN + addr])
                wc = jnp.where(anyv, old_w + s * bd, s * bd)
                plsc.store_scatter(wacc, [d * QN + addr], wc)
                plsc.store_scatter(mcoord, [d * QN + addr], wc / ssc)
            crv = jnp.where(anyv, jnp.full((16,), -1, jnp.int32), ncl)
            plsc.store_scatter(created, [Q + psp], crv)
            return ncl + jnp.where(anyv, 0, 1)

        lax.fori_loop(0, ms[q], box_body, jnp.zeros((16,), jnp.int32))

    nfired = jnp.int32(0)
    for q in range(QMAX):
        Q = q * NSLOT
        cfq = cfs[q]

        def out_body(p, apos, Q=Q, cfq=cfq):
            psp = jnp.full((16,), p, jnp.int32)
            isp = plsc.load_gather(idxl, [Q + psp])
            ksp = plsc.load_gather(created, [Q + psp])
            isnew = ksp >= 0
            addr = Q + jnp.maximum(ksp, 0)
            w0 = plsc.load_gather(wacc, [0 * QN + addr])
            w1 = plsc.load_gather(wacc, [1 * QN + addr])
            w2 = plsc.load_gather(wacc, [2 * QN + addr])
            w3 = plsc.load_gather(wacc, [3 * QN + addr])
            ssv = plsc.load_gather(sacc, [addr])
            cnv = plsc.load_gather(cacc, [addr])
            tbv = cfq * 1024.0 + isp.astype(jnp.float32)
            keyn = jnp.where(isnew, ssv, NEG)
            keyd = jnp.where(isnew, cnv, 1.0)
            num = jnp.zeros((16,), jnp.float32)
            den = jnp.ones((16,), jnp.float32)
            for li, (nv, dv) in enumerate((
                    (w0, ssv), (w1, ssv), (w2, ssv), (w3, ssv),
                    (ssv, cnv), (cfq, 1.0), (keyn, keyd), (tbv, 1.0))):
                num = jnp.where(lanes == li, nv, num)
                den = jnp.where(lanes == li, dv, den)
            ab = apos * 16
            arena[pl.ds(ab, 16)] = num / den
            i_sc = jnp.max(isp)
            pltpu.async_copy(arena.at[pl.ds(ab, 16)],
                             buf_hbm.at[pl.ds(i_sc * 16, 16)], sem)
            return apos + 1

        nfired = lax.fori_loop(0, ms[q], out_body, nfired)

    def drain_body(p, c):
        pltpu.make_async_copy(x_hbm.at[pl.ds(0, 16)], rowv, sem).wait()
        return c

    lax.fori_loop(0, nfired, drain_body, jnp.int32(0))


def _rank_tc_body(buf_ref, o_ref):
    jcol = lax.broadcasted_iota(jnp.int32, (NSLOT, 1), 0)
    vcol = jcol < PRE
    key_c = jnp.where(vcol, buf_ref[:, 6:7], NEG)
    tb_c = jnp.where(vcol, buf_ref[:, 7:8], 2.0e8 + jcol.astype(jnp.float32))
    key_r = jnp.reshape(key_c, (1, NSLOT))
    tb_r = jnp.reshape(tb_c, (1, NSLOT))
    before = (key_c > key_r) | ((key_c == key_r) & (tb_c < tb_r))
    rank = jnp.sum(before.astype(jnp.float32), axis=0, keepdims=True)
    rsel = lax.broadcasted_iota(jnp.int32, (OUTN, 1), 0).astype(jnp.float32)
    onehot = (rank == rsel).astype(jnp.float32)
    bufc = jnp.where(vcol, buf_ref[:], 0.0)
    res = lax.dot_general(
        onehot, bufc, (((1,), (0,)), ((), ())),
        precision=lax.Precision.HIGHEST,
        preferred_element_type=jnp.float32)
    o_ref[:] = res[:POST, :6]


@jax.jit
def kernel(x):
    xflat = x.astype(jnp.float32).reshape(x.shape[0] * 6)

    mesh = plsc.VectorSubcoreMesh(core_axis_name="c", subcore_axis_name="s",
                                  num_cores=NC, num_subcores=NS)
    phase1 = pl.kernel(
        _wbf_sc_body,
        out_type=jax.ShapeDtypeStruct((NSLOT * 16,), jnp.float32),
        mesh=mesh,
        compiler_params=pltpu.CompilerParams(needs_layout_passes=False),
        scratch_types=[
            pltpu.VMEM((7200,), jnp.float32),
            pltpu.VMEM((QN + 16,), jnp.int32),
            pltpu.VMEM((QN,), jnp.int32),
            pltpu.VMEM((4 * QN,), jnp.float32),
            pltpu.VMEM((4 * QN,), jnp.float32),
            pltpu.VMEM((QN,), jnp.float32),
            pltpu.VMEM((QN,), jnp.float32),
            pltpu.VMEM((NSLOT * 16,), jnp.float32),
            pltpu.VMEM((16,), jnp.float32),
            pltpu.SemaphoreType.DMA,
        ],
    )
    buf = phase1(xflat).reshape(NSLOT, 16)

    return pl.pallas_call(
        _rank_tc_body,
        out_shape=jax.ShapeDtypeStruct((POST, 6), jnp.float32),
    )(buf)

# --- scband reference (transcript-rebuilt; emitter-appended) ---
"""Pipeline reference for scband-weighted-boxes-fusion-proccessor-15461882266077 (READ-ONLY COPY).

The authoritative reference and input builder live on the scoring server;
editing this copy changes nothing except your own understanding.
"""

import jax, jax.numpy as jnp
import numpy as np

PRE = 1000
IOU_THRESH = 0.55
POST = 300


def setup_inputs(seed: int = 0) -> dict:
    key = jax.random.key(seed)
    k1, k2, k3, k4 = jax.random.split(key, 4)
    N = 1200
    cxcy = jax.random.uniform(k1, (N, 2), minval=0.0, maxval=640.0)
    wh = jax.random.uniform(k2, (N, 2), minval=8.0, maxval=96.0)
    x1y1 = cxcy - wh / 2.0
    x2y2 = cxcy + wh / 2.0
    scores = jax.random.uniform(k3, (N, 1), minval=0.05, maxval=1.0)
    classes = jax.random.randint(k4, (N, 1), 0, 80).astype(jnp.float32)
    x = jnp.concatenate([x1y1, x2y2, scores, classes], axis=1).astype(jnp.float32)
    return {"x": x}


def reference(x):
    x_t = x[:PRE]
    N = x_t.shape[0]
    boxes = x_t[:, :4]
    scores = x_t[:, 4]
    cls = x_t[:, 5]
    ids = jnp.arange(N)

    def body(i, state):
        assign, merged, wsum, ssum, ccls, ncl = state
        b = boxes[i]
        s = scores[i]
        c = cls[i]
        lt = jnp.maximum(b[:2], merged[:, :2])
        rb = jnp.minimum(b[2:], merged[:, 2:])
        wh = jnp.clip(rb - lt, 0.0, None)
        inter = wh[:, 0] * wh[:, 1]
        a1 = (b[2] - b[0]) * (b[3] - b[1])
        a2 = (merged[:, 2] - merged[:, 0]) * (merged[:, 3] - merged[:, 1])
        iou = inter / (a1 + a2 - inter)
        hit = (ids < ncl) & (ccls == c) & (iou > IOU_THRESH)
        any_hit = jnp.any(hit)
        j = jnp.where(any_hit, jnp.argmax(hit).astype(jnp.int32), ncl)
        assign = assign.at[i].set(j)
        wsum = wsum.at[j].add(b * s)
        ssum = ssum.at[j].add(s)
        merged = merged.at[j].set(jnp.where(any_hit, wsum[j] / ssum[j], b))
        ccls = ccls.at[j].set(c)
        ncl = ncl + jnp.where(any_hit, jnp.int32(0), jnp.int32(1))
        return assign, merged, wsum, ssum, ccls, ncl

    init = (
        jnp.zeros((N,), jnp.int32),
        jnp.zeros((N, 4), x_t.dtype),
        jnp.zeros((N, 4), x_t.dtype),
        jnp.zeros((N,), x_t.dtype),
        jnp.full((N,), -1.0, x_t.dtype),
        jnp.int32(0),
    )
    assign, merged, wsum, ssum, ccls, ncl = jax.lax.fori_loop(0, N, body, init)

    member = assign[None, :] == ids[:, None]
    ws = jnp.where(member, scores[None, :], 0.0)
    bw = jnp.where(member[:, :, None], (boxes * scores[:, None])[None, :, :], 0.0)
    ss = ws.sum(axis=1)
    box = bw.sum(axis=1) / ss[:, None]
    count = member.sum(axis=1)
    score = ss / count
    label = jax.lax.stop_gradient(ccls)
    rows = jnp.concatenate([box, score[:, None], label[:, None]], axis=1)

    valid = ids < ncl
    cls_key = jnp.where(valid, ccls, jnp.inf)
    order_plan = jnp.argsort(cls_key, stable=True)
    rows = rows[order_plan]
    valid = valid[order_plan]
    score_key = jnp.where(valid, rows[:, 4], -jnp.inf)
    order = jnp.argsort(-score_key)
    return rows[order][:POST]

if __name__ == "__main__":
    import jax
    _d = setup_inputs()
    print(jax.jit(kernel)(*tuple(_d.values())))

</pallas_src>

<mosaic_0001>
#map = affine_map<(d0, d1) -> (0)>
module attributes {stable_mosaic.version = 14 : i64} {
  func.func @_wbf_sc_body(%arg0: i32, %arg1: i32, %arg2: memref<7200xf32, #tpu.memory_space<hbm>>, %arg3: memref<16384xf32, #tpu.memory_space<hbm>>, %arg4: memref<7200xf32, #tpu.memory_space<vmem>>, %arg5: memref<3088xi32, #tpu.memory_space<vmem>>, %arg6: memref<3072xi32, #tpu.memory_space<vmem>>, %arg7: memref<12288xf32, #tpu.memory_space<vmem>>, %arg8: memref<12288xf32, #tpu.memory_space<vmem>>, %arg9: memref<3072xf32, #tpu.memory_space<vmem>>, %arg10: memref<3072xf32, #tpu.memory_space<vmem>>, %arg11: memref<16384xf32, #tpu.memory_space<vmem>>, %arg12: memref<16xf32, #tpu.memory_space<vmem>>, %arg13: memref<!tpu.dma_semaphore, #tpu.memory_space<semaphore_mem>>) attributes {dimension_semantics = [#tpu.dimension_semantics<core_parallel>, #tpu.dimension_semantics<subcore_parallel>], iteration_bounds = array<i64: 2, 16>, scalar_prefetch = 0 : i64, scratch_operands = 10 : i64, tpu.core_type = #tpu.core_type<sc_vector_subcore>, window_params = [{transform_indices = #map}, {transform_indices = #map}]} {
    %mul3A = arith.constant 2 : i32
    %mul3A_0 = arith.muli %arg1, %mul3A : i32
    %add3A = arith.addi %mul3A_0, %arg0 : i32
    %iota3A = tpu.iota {dimensions = array<i32: 0>} : vector<16xi32>
    "tpu.region"() ({
      %run_scoped3A = tpu.sem_alloc : memref<!tpu.dma_semaphore, #tpu.memory_space<semaphore_mem>>
      tpu.enqueue_dma source(%arg2 : memref<7200xf32, #tpu.memory_space<hbm>>) target(%arg4 : memref<7200xf32, #tpu.memory_space<vmem>>) target_semaphore(%run_scoped3A : memref<!tpu.dma_semaphore, #tpu.memory_space<semaphore_mem>>)
      tpu.wait_dma2 semaphore(%run_scoped3A : memref<!tpu.dma_semaphore, #tpu.memory_space<semaphore_mem>>) src(%arg2 : memref<7200xf32, #tpu.memory_space<hbm>>) dst(%arg4 : memref<7200xf32, #tpu.memory_space<vmem>>)
      tpu.yield
    }) : () -> ()
    %add3A_1 = arith.constant 0 : i32
    %add3A_2 = arith.addi %add3A, %add3A_1 : i32
    %convert_element_type3A = arith.sitofp %add3A_2 : i32 to f32
    %add3A_3 = arith.constant 32 : i32
    %add3A_4 = arith.addi %add3A, %add3A_3 : i32
    %convert_element_type3A_5 = arith.sitofp %add3A_4 : i32 to f32
    %add3A_6 = arith.constant 64 : i32
    %add3A_7 = arith.addi %add3A, %add3A_6 : i32
    %convert_element_type3A_8 = arith.sitofp %add3A_7 : i32 to f32
    %broadcast_in_dim3A = arith.constant 0 : i32
    %broadcast_in_dim3A_9 = vector.broadcast %broadcast_in_dim3A : i32 to vector<16xi32>
    %scan3A = arith.constant 0 : i32
    %scan3A_10 = arith.constant 64 : i32
    %scan3A_11 = arith.addi %scan3A, %scan3A_10 : i32
    %scan3A_12 = arith.constant 1 : i32
    %scan3A_13:3 = scf.for %scan3A_120 = %scan3A to %scan3A_11 step %scan3A_12 iter_args(%scan3A_121 = %broadcast_in_dim3A_9, %scan3A_122 = %broadcast_in_dim3A_9, %scan3A_123 = %broadcast_in_dim3A_9) -> (vector<16xi32>, vector<16xi32>, vector<16xi32>)  : i32 {
      %mul3A_124 = arith.constant 16 : i32
      %mul3A_125 = arith.muli %scan3A_120, %mul3A_124 : i32
      %add3A_126 = vector.broadcast %mul3A_125 : i32 to vector<16xi32>
      %add3A_127 = arith.addi %iota3A, %add3A_126 : vector<16xi32>
      %mul3A_128 = arith.constant 6 : i32
      %mul3A_129 = vector.broadcast %mul3A_128 : i32 to vector<16xi32>
      %mul3A_130 = arith.muli %add3A_127, %mul3A_129 : vector<16xi32>
      %add3A_131 = arith.constant 5 : i32
      %add3A_132 = vector.broadcast %add3A_131 : i32 to vector<16xi32>
      %add3A_133 = arith.addi %mul3A_130, %add3A_132 : vector<16xi32>
      %gather3A = tpu.vector_load_idx %arg4[%add3A_133] : memref<7200xf32, #tpu.memory_space<vmem>>[vector<16xi32>], vector<16xf32>,
      %lt3A = arith.constant 1000 : i32
      %lt3A_134 = vector.broadcast %lt3A : i32 to vector<16xi32>
      %lt3A_135 = arith.cmpi slt, %add3A_127, %lt3A_134 : vector<16xi32>
      %eq3A = vector.broadcast %convert_element_type3A : f32 to vector<16xf32>
      %eq3A_136 = arith.cmpf oeq, %gather3A, %eq3A : vector<16xf32>
      %and3A = arith.andi %eq3A_136, %lt3A_135 : vector<16xi1>
      %jit3A = arith.constant 1 : i32
      %jit3A_137 = arith.constant 0 : i32
      %broadcast_in_dim3A_138 = vector.broadcast %jit3A : i32 to vector<16xi32>
      %broadcast_in_dim3A_139 = vector.broadcast %jit3A_137 : i32 to vector<16xi32>
      %select_n3A = arith.select %and3A, %broadcast_in_dim3A_138, %broadcast_in_dim3A_139 : vector<16xi1>, vector<16xi32>
      %add3A_140 = arith.constant 0 : i32
      %add3A_141 = vector.broadcast %add3A_140 : i32 to vector<16xi32>
      %add3A_142 = arith.addi %add3A_141, %scan3A_121 : vector<16xi32>
      %broadcast_in_dim3A_143 = arith.constant true
      %broadcast_in_dim3A_144 = vector.broadcast %broadcast_in_dim3A_143 : i1 to vector<16xi1>
      %masked_cumsum3A = tpu.scan <sum>, %select_n3A masked %broadcast_in_dim3A_144 : vector<16xi32>, vector<16xi1> -> vector<16xi32>
      %add3A_145 = arith.addi %add3A_142, %masked_cumsum3A : vector<16xi32>
      %sub3A = arith.constant 1 : i32
      %sub3A_146 = vector.broadcast %sub3A : i32 to vector<16xi32>
      %sub3A_147 = arith.subi %add3A_145, %sub3A_146 : vector<16xi32>
      %add3A_148 = arith.constant 3072 : i32
      %add3A_149 = vector.broadcast %add3A_148 : i32 to vector<16xi32>
      %add3A_150 = arith.addi %add3A_149, %iota3A : vector<16xi32>
      %select_n3A_151 = arith.select %and3A, %sub3A_147, %add3A_150 : vector<16xi1>, vector<16xi32>
      tpu.vector_store_idx %arg5[%select_n3A_151], %add3A_127 : memref<3088xi32, #tpu.memory_space<vmem>>[vector<16xi32>], vector<16xi32>,
      %all_reduce_population_count3A = tpu.all_reduce %and3A {dim = 0 : i64, kind = #tpu.reduction_kind<sum>} : vector<16xi1> -> vector<16xi32>
      %add3A_152 = arith.addi %scan3A_121, %all_reduce_population_count3A : vector<16xi32>
      %eq3A_153 = vector.broadcast %convert_element_type3A_5 : f32 to vector<16xf32>
      %eq3A_154 = arith.cmpf oeq, %gather3A, %eq3A_153 : vector<16xf32>
      %and3A_155 = arith.andi %eq3A_154, %lt3A_135 : vector<16xi1>
      %jit3A_156 = arith.constant 1 : i32
      %jit3A_157 = arith.constant 0 : i32
      %broadcast_in_dim3A_158 = vector.broadcast %jit3A_156 : i32 to vector<16xi32>
      %broadcast_in_dim3A_159 = vector.broadcast %jit3A_157 : i32 to vector<16xi32>
      %select_n3A_160 = arith.select %and3A_155, %broadcast_in_dim3A_158, %broadcast_in_dim3A_159 : vector<16xi1>, vector<16xi32>
      %add3A_161 = arith.constant 1024 : i32
      %add3A_162 = vector.broadcast %add3A_161 : i32 to vector<16xi32>
      %add3A_163 = arith.addi %add3A_162, %scan3A_122 : vector<16xi32>
      %broadcast_in_dim3A_164 = arith.constant true
      %broadcast_in_dim3A_165 = vector.broadcast %broadcast_in_dim3A_164 : i1 to vector<16xi1>
      %masked_cumsum3A_166 = tpu.scan <sum>, %select_n3A_160 masked %broadcast_in_dim3A_165 : vector<16xi32>, vector<16xi1> -> vector<16xi32>
      %add3A_167 = arith.addi %add3A_163, %masked_cumsum3A_166 : vector<16xi32>
      %sub3A_168 = arith.constant 1 : i32
      %sub3A_169 = vector.broadcast %sub3A_168 : i32 to vector<16xi32>
      %sub3A_170 = arith.subi %add3A_167, %sub3A_169 : vector<16xi32>
      %add3A_171 = arith.constant 3072 : i32
      %add3A_172 = vector.broadcast %add3A_171 : i32 to vector<16xi32>
      %add3A_173 = arith.addi %add3A_172, %iota3A : vector<16xi32>
      %select_n3A_174 = arith.select %and3A_155, %sub3A_170, %add3A_173 : vector<16xi1>, vector<16xi32>
      tpu.vector_store_idx %arg5[%select_n3A_174], %add3A_127 : memref<3088xi32, #tpu.memory_space<vmem>>[vector<16xi32>], vector<16xi32>,
      %all_reduce_population_count3A_175 = tpu.all_reduce %and3A_155 {dim = 0 : i64, kind = #tpu.reduction_kind<sum>} : vector<16xi1> -> vector<16xi32>
      %add3A_176 = arith.addi %scan3A_122, %all_reduce_population_count3A_175 : vector<16xi32>
      %eq3A_177 = vector.broadcast %convert_element_type3A_8 : f32 to vector<16xf32>
      %eq3A_178 = arith.cmpf oeq, %gather3A, %eq3A_177 : vector<16xf32>
      %and3A_179 = arith.andi %eq3A_178, %lt3A_135 : vector<16xi1>
      %jit3A_180 = arith.constant 1 : i32
      %jit3A_181 = arith.constant 0 : i32
      %broadcast_in_dim3A_182 = vector.broadcast %jit3A_180 : i32 to vector<16xi32>
      %broadcast_in_dim3A_183 = vector.broadcast %jit3A_181 : i32 to vector<16xi32>
      %select_n3A_184 = arith.select %and3A_179, %broadcast_in_dim3A_182, %broadcast_in_dim3A_183 : vector<16xi1>, vector<16xi32>
      %add3A_185 = arith.constant 2048 : i32
      %add3A_186 = vector.broadcast %add3A_185 : i32 to vector<16xi32>
      %add3A_187 = arith.addi %add3A_186, %scan3A_123 : vector<16xi32>
      %broadcast_in_dim3A_188 = arith.constant true
      %broadcast_in_dim3A_189 = vector.broadcast %broadcast_in_dim3A_188 : i1 to vector<16xi1>
      %masked_cumsum3A_190 = tpu.scan <sum>, %select_n3A_184 masked %broadcast_in_dim3A_189 : vector<16xi32>, vector<16xi1> -> vector<16xi32>
      %add3A_191 = arith.addi %add3A_187, %masked_cumsum3A_190 : vector<16xi32>
      %sub3A_192 = arith.constant 1 : i32
      %sub3A_193 = vector.broadcast %sub3A_192 : i32 to vector<16xi32>
      %sub3A_194 = arith.subi %add3A_191, %sub3A_193 : vector<16xi32>
      %add3A_195 = arith.constant 3072 : i32
      %add3A_196 = vector.broadcast %add3A_195 : i32 to vector<16xi32>
      %add3A_197 = arith.addi %add3A_196, %iota3A : vector<16xi32>
      %select_n3A_198 = arith.select %and3A_179, %sub3A_194, %add3A_197 : vector<16xi1>, vector<16xi32>
      tpu.vector_store_idx %arg5[%select_n3A_198], %add3A_127 : memref<3088xi32, #tpu.memory_space<vmem>>[vector<16xi32>], vector<16xi32>,
      %all_reduce_population_count3A_199 = tpu.all_reduce %and3A_179 {dim = 0 : i64, kind = #tpu.reduction_kind<sum>} : vector<16xi1> -> vector<16xi32>
      %add3A_200 = arith.addi %scan3A_123, %all_reduce_population_count3A_199 : vector<16xi32>
      scf.yield %add3A_152, %add3A_176, %add3A_200 : vector<16xi32>, vector<16xi32>, vector<16xi32>
    }
    %scan3A_14 = arith.constant 64 : i32
    %reduce_max3A = arith.constant true
    %reduce_max3A_15 = vector.broadcast %reduce_max3A : i1 to vector<16xi1>
    %reduce_max3A_16 = arith.constant -2147483648 : i32
    %reduce_max3A_17 = vector.broadcast %reduce_max3A_16 : i32 to vector<16xi32>
    %reduce_max3A_18 = arith.xori %scan3A_13#0, %reduce_max3A_17 : vector<16xi32>
    %reduce_max3A_19 = tpu.scan <max>, %reduce_max3A_18 masked %reduce_max3A_15 : vector<16xi32>, vector<16xi1> -> vector<16xi32>
    %reduce_max3A_20 = arith.xori %reduce_max3A_19, %reduce_max3A_17 : vector<16xi32>
    %reduce_max3A_21 = vector.extract %reduce_max3A_20[15] : i32 from vector<16xi32>
    %reduce_max3A_22 = arith.constant true
    %reduce_max3A_23 = vector.broadcast %reduce_max3A_22 : i1 to vector<16xi1>
    %reduce_max3A_24 = arith.constant -2147483648 : i32
    %reduce_max3A_25 = vector.broadcast %reduce_max3A_24 : i32 to vector<16xi32>
    %reduce_max3A_26 = arith.xori %scan3A_13#1, %reduce_max3A_25 : vector<16xi32>
    %reduce_max3A_27 = tpu.scan <max>, %reduce_max3A_26 masked %reduce_max3A_23 : vector<16xi32>, vector<16xi1> -> vector<16xi32>
    %reduce_max3A_28 = arith.xori %reduce_max3A_27, %reduce_max3A_25 : vector<16xi32>
    %reduce_max3A_29 = vector.extract %reduce_max3A_28[15] : i32 from vector<16xi32>
    %reduce_max3A_30 = arith.constant true
    %reduce_max3A_31 = vector.broadcast %reduce_max3A_30 : i1 to vector<16xi1>
    %reduce_max3A_32 = arith.constant -2147483648 : i32
    %reduce_max3A_33 = vector.broadcast %reduce_max3A_32 : i32 to vector<16xi32>
    %reduce_max3A_34 = arith.xori %scan3A_13#2, %reduce_max3A_33 : vector<16xi32>
    %reduce_max3A_35 = tpu.scan <max>, %reduce_max3A_34 masked %reduce_max3A_31 : vector<16xi32>, vector<16xi1> -> vector<16xi32>
    %reduce_max3A_36 = arith.xori %reduce_max3A_35, %reduce_max3A_33 : vector<16xi32>
    %reduce_max3A_37 = vector.extract %reduce_max3A_36[15] : i32 from vector<16xi32>
    %broadcast_in_dim3A_38 = arith.constant 0 : i32
    %broadcast_in_dim3A_39 = vector.broadcast %broadcast_in_dim3A_38 : i32 to vector<16xi32>
    %while3A = arith.constant 0 : i32
    %while3A_40 = arith.subi %reduce_max3A_21, %while3A : i32
    %while3A_41 = arith.addi %while3A, %while3A_40 : i32
    %while3A_42 = arith.constant 1 : i32
    %while3A_43 = arith.divsi %while3A_40, %while3A_42 : i32
    %while3A_44 = arith.muli %while3A_43, %while3A_42 : i32
    %while3A_45 = arith.addi %while3A, %while3A_44 : i32
    %while3A_46 = arith.constant 1 : i32
    %while3A_47 = scf.for %while3A_120 = %while3A to %while3A_45 step %while3A_46 iter_args(%while3A_121 = %broadcast_in_dim3A_39) -> (vector<16xi32>)  : i32 {
      %broadcast_in_dim3A_122 = vector.broadcast %while3A_120 : i32 to vector<16xi32>
      %add3A_123 = arith.constant 0 : i32
      %add3A_124 = vector.broadcast %add3A_123 : i32 to vector<16xi32>
      %add3A_125 = arith.addi %add3A_124, %broadcast_in_dim3A_122 : vector<16xi32>
      %gather3A = tpu.vector_load_idx %arg5[%add3A_125] : memref<3088xi32, #tpu.memory_space<vmem>>[vector<16xi32>], vector<16xi32>,
      %mul3A_126 = arith.constant 6 : i32
      %mul3A_127 = vector.broadcast %mul3A_126 : i32 to vector<16xi32>
      %mul3A_128 = arith.muli %gather3A, %mul3A_127 : vector<16xi32>
      %gather3A_129 = tpu.vector_load_idx %arg4[%mul3A_128] : memref<7200xf32, #tpu.memory_space<vmem>>[vector<16xi32>], vector<16xf32>,
      %add3A_130 = arith.constant 1 : i32
      %add3A_131 = vector.broadcast %add3A_130 : i32 to vector<16xi32>
      %add3A_132 = arith.addi %mul3A_128, %add3A_131 : vector<16xi32>
      %gather3A_133 = tpu.vector_load_idx %arg4[%add3A_132] : memref<7200xf32, #tpu.memory_space<vmem>>[vector<16xi32>], vector<16xf32>,
      %add3A_134 = arith.constant 2 : i32
      %add3A_135 = vector.broadcast %add3A_134 : i32 to vector<16xi32>
      %add3A_136 = arith.addi %mul3A_128, %add3A_135 : vector<16xi32>
      %gather3A_137 = tpu.vector_load_idx %arg4[%add3A_136] : memref<7200xf32, #tpu.memory_space<vmem>>[vector<16xi32>], vector<16xf32>,
      %add3A_138 = arith.constant 3 : i32
      %add3A_139 = vector.broadcast %add3A_138 : i32 to vector<16xi32>
      %add3A_140 = arith.addi %mul3A_128, %add3A_139 : vector<16xi32>
      %gather3A_141 = tpu.vector_load_idx %arg4[%add3A_140] : memref<7200xf32, #tpu.memory_space<vmem>>[vector<16xi32>], vector<16xf32>,
      %add3A_142 = arith.constant 4 : i32
      %add3A_143 = vector.broadcast %add3A_142 : i32 to vector<16xi32>
      %add3A_144 = arith.addi %mul3A_128, %add3A_143 : vector<16xi32>
      %gather3A_145 = tpu.vector_load_idx %arg4[%add3A_144] : memref<7200xf32, #tpu.memory_space<vmem>>[vector<16xi32>], vector<16xf32>,
      %sub3A = arith.subf %gather3A_137, %gather3A_129 : vector<16xf32>
      %sub3A_146 = arith.subf %gather3A_141, %gather3A_133 : vector<16xf32>
      %mul3A_147 = arith.mulf %sub3A, %sub3A_146 : vector<16xf32>
      %shift_right_arithmetic3A = arith.constant 4 : i32
      %shift_right_arithmetic3A_148 = arith.shrsi %while3A_120, %shift_right_arithmetic3A : i32
      %add3A_149 = arith.constant 1 : i32
      %add3A_150 = arith.addi %shift_right_arithmetic3A_148, %add3A_149 : i32
      %broadcast_in_dim3A_151 = arith.constant 16384 : i32
      %broadcast_in_dim3A_152 = vector.broadcast %broadcast_in_dim3A_151 : i32 to vector<16xi32>
      %while3A_153 = arith.constant 0 : i32
      %while3A_154 = arith.subi %add3A_150, %while3A_153 : i32
      %while3A_155 = arith.addi %while3A_153, %while3A_154 : i32
      %while3A_156 = arith.constant 1 : i32
      %while3A_157 = arith.divsi %while3A_154, %while3A_156 : i32
      %while3A_158 = arith.muli %while3A_157, %while3A_156 : i32
      %while3A_159 = arith.addi %while3A_153, %while3A_158 : i32
      %while3A_160 = arith.constant 1 : i32
      %while3A_161 = scf.for %while3A_249 = %while3A_153 to %while3A_159 step %while3A_160 iter_args(%while3A_250 = %broadcast_in_dim3A_152) -> (vector<16xi32>)  : i32 {
        %mul3A_251 = arith.constant 16 : i32
        %mul3A_252 = arith.muli %while3A_249, %mul3A_251 : i32
        %add3A_253 = arith.constant 0 : i32
        %add3A_254 = arith.addi %add3A_253, %mul3A_252 : i32
        %get3A = arith.index_cast %add3A_254 : i32 to index
        %get3A_255 = tpu.vector_load %arg7[%get3A] {strides = array<i32>} : memref<12288xf32, #tpu.memory_space<vmem>>, vector<16xf32>,
        %add3A_256 = arith.constant 3072 : i32
        %add3A_257 = arith.addi %add3A_256, %mul3A_252 : i32
        %get3A_258 = arith.index_cast %add3A_257 : i32 to index
        %get3A_259 = tpu.vector_load %arg7[%get3A_258] {strides = array<i32>} : memref<12288xf32, #tpu.memory_space<vmem>>, vector<16xf32>,
        %add3A_260 = arith.constant 6144 : i32
        %add3A_261 = arith.addi %add3A_260, %mul3A_252 : i32
        %get3A_262 = arith.index_cast %add3A_261 : i32 to index
        %get3A_263 = tpu.vector_load %arg7[%get3A_262] {strides = array<i32>} : memref<12288xf32, #tpu.memory_space<vmem>>, vector<16xf32>,
        %add3A_264 = arith.constant 9216 : i32
        %add3A_265 = arith.addi %add3A_264, %mul3A_252 : i32
        %get3A_266 = arith.index_cast %add3A_265 : i32 to index
        %get3A_267 = tpu.vector_load %arg7[%get3A_266] {strides = array<i32>} : memref<12288xf32, #tpu.memory_space<vmem>>, vector<16xf32>,
        %min3A = arith.minimumf %gather3A_137, %get3A_263 : vector<16xf32>
        %max3A = arith.maximumf %gather3A_129, %get3A_255 : vector<16xf32>
        %sub3A_268 = arith.subf %min3A, %max3A : vector<16xf32>
        %max3A_269 = arith.constant 0.000000e+00 : f32
        %max3A_270 = vector.broadcast %max3A_269 : f32 to vector<16xf32>
        %max3A_271 = arith.maximumf %sub3A_268, %max3A_270 : vector<16xf32>
        %min3A_272 = arith.minimumf %gather3A_141, %get3A_267 : vector<16xf32>
        %max3A_273 = arith.maximumf %gather3A_133, %get3A_259 : vector<16xf32>
        %sub3A_274 = arith.subf %min3A_272, %max3A_273 : vector<16xf32>
        %max3A_275 = arith.constant 0.000000e+00 : f32
        %max3A_276 = vector.broadcast %max3A_275 : f32 to vector<16xf32>
        %max3A_277 = arith.maximumf %sub3A_274, %max3A_276 : vector<16xf32>
        %mul3A_278 = arith.mulf %max3A_271, %max3A_277 : vector<16xf32>
        %sub3A_279 = arith.subf %get3A_263, %get3A_255 : vector<16xf32>
        %sub3A_280 = arith.subf %get3A_267, %get3A_259 : vector<16xf32>
        %mul3A_281 = arith.mulf %sub3A_279, %sub3A_280 : vector<16xf32>
        %add3A_282 = arith.addf %mul3A_147, %mul3A_281 : vector<16xf32>
        %sub3A_283 = arith.subf %add3A_282, %mul3A_278 : vector<16xf32>
        %div3A_284 = arith.divf %mul3A_278, %sub3A_283 : vector<16xf32>
        %gt3A = arith.constant 5.500000e-01 : f32
        %gt3A_285 = vector.broadcast %gt3A : f32 to vector<16xf32>
        %gt3A_286 = arith.cmpf ogt, %div3A_284, %gt3A_285 : vector<16xf32>
        %add3A_287 = vector.broadcast %mul3A_252 : i32 to vector<16xi32>
        %add3A_288 = arith.addi %iota3A, %add3A_287 : vector<16xi32>
        %lt3A_289 = arith.cmpi slt, %add3A_288, %while3A_121 : vector<16xi32>
        %and3A = arith.andi %gt3A_286, %lt3A_289 : vector<16xi1>
        %all_reduce_population_count3A = tpu.all_reduce %and3A {dim = 0 : i64, kind = #tpu.reduction_kind<sum>} : vector<16xi1> -> vector<16xi32>
        %all_reduce_ffs3A = tpu.all_reduce %and3A {dim = 0 : i64, kind = #tpu.reduction_kind<find_first_set>} : vector<16xi1> -> vector<16xi32>
        %ge3A = arith.constant 16384 : i32
        %ge3A_290 = vector.broadcast %ge3A : i32 to vector<16xi32>
        %ge3A_291 = arith.cmpi sge, %while3A_250, %ge3A_290 : vector<16xi32>
        %gt3A_292 = arith.constant 0 : i32
        %gt3A_293 = vector.broadcast %gt3A_292 : i32 to vector<16xi32>
        %gt3A_294 = arith.cmpi sgt, %all_reduce_population_count3A, %gt3A_293 : vector<16xi32>
        %and3A_295 = arith.andi %ge3A_291, %gt3A_294 : vector<16xi1>
        %add3A_296 = vector.broadcast %mul3A_252 : i32 to vector<16xi32>
        %add3A_297 = arith.addi %add3A_296, %all_reduce_ffs3A : vector<16xi32>
        %select_n3A_298 = arith.select %and3A_295, %add3A_297, %while3A_250 : vector<16xi1>, vector<16xi32>
        scf.yield %select_n3A_298 : vector<16xi32>
      }
      %while3A_162 = arith.constant 1 : i32
      %while3A_163 = scf.for %while3A_249 = %while3A_159 to %while3A_155 step %while3A_162 iter_args(%while3A_250 = %while3A_161) -> (vector<16xi32>)  : i32 {
        %mul3A_251 = arith.constant 16 : i32
        %mul3A_252 = arith.muli %while3A_249, %mul3A_251 : i32
        %add3A_253 = arith.constant 0 : i32
        %add3A_254 = arith.addi %add3A_253, %mul3A_252 : i32
        %get3A = arith.index_cast %add3A_254 : i32 to index
        %get3A_255 = tpu.vector_load %arg7[%get3A] {strides = array<i32>} : memref<12288xf32, #tpu.memory_space<vmem>>, vector<16xf32>,
        %add3A_256 = arith.constant 3072 : i32
        %add3A_257 = arith.addi %add3A_256, %mul3A_252 : i32
        %get3A_258 = arith.index_cast %add3A_257 : i32 to index
        %get3A_259 = tpu.vector_load %arg7[%get3A_258] {strides = array<i32>} : memref<12288xf32, #tpu.memory_space<vmem>>, vector<16xf32>,
        %add3A_260 = arith.constant 6144 : i32
        %add3A_261 = arith.addi %add3A_260, %mul3A_252 : i32
        %get3A_262 = arith.index_cast %add3A_261 : i32 to index
        %get3A_263 = tpu.vector_load %arg7[%get3A_262] {strides = array<i32>} : memref<12288xf32, #tpu.memory_space<vmem>>, vector<16xf32>,
        %add3A_264 = arith.constant 9216 : i32
        %add3A_265 = arith.addi %add3A_264, %mul3A_252 : i32
        %get3A_266 = arith.index_cast %add3A_265 : i32 to index
        %get3A_267 = tpu.vector_load %arg7[%get3A_266] {strides = array<i32>} : memref<12288xf32, #tpu.memory_space<vmem>>, vector<16xf32>,
        %min3A = arith.minimumf %gather3A_137, %get3A_263 : vector<16xf32>
        %max3A = arith.maximumf %gather3A_129, %get3A_255 : vector<16xf32>
        %sub3A_268 = arith.subf %min3A, %max3A : vector<16xf32>
        %max3A_269 = arith.constant 0.000000e+00 : f32
        %max3A_270 = vector.broadcast %max3A_269 : f32 to vector<16xf32>
        %max3A_271 = arith.maximumf %sub3A_268, %max3A_270 : vector<16xf32>
        %min3A_272 = arith.minimumf %gather3A_141, %get3A_267 : vector<16xf32>
        %max3A_273 = arith.maximumf %gather3A_133, %get3A_259 : vector<16xf32>
        %sub3A_274 = arith.subf %min3A_272, %max3A_273 : vector<16xf32>
        %max3A_275 = arith.constant 0.000000e+00 : f32
        %max3A_276 = vector.broadcast %max3A_275 : f32 to vector<16xf32>
        %max3A_277 = arith.maximumf %sub3A_274, %max3A_276 : vector<16xf32>
        %mul3A_278 = arith.mulf %max3A_271, %max3A_277 : vector<16xf32>
        %sub3A_279 = arith.subf %get3A_263, %get3A_255 : vector<16xf32>
        %sub3A_280 = arith.subf %get3A_267, %get3A_259 : vector<16xf32>
        %mul3A_281 = arith.mulf %sub3A_279, %sub3A_280 : vector<16xf32>
        %add3A_282 = arith.addf %mul3A_147, %mul3A_281 : vector<16xf32>
        %sub3A_283 = arith.subf %add3A_282, %mul3A_278 : vector<16xf32>
        %div3A_284 = arith.divf %mul3A_278, %sub3A_283 : vector<16xf32>
        %gt3A = arith.constant 5.500000e-01 : f32
        %gt3A_285 = vector.broadcast %gt3A : f32 to vector<16xf32>
        %gt3A_286 = arith.cmpf ogt, %div3A_284, %gt3A_285 : vector<16xf32>
        %add3A_287 = vector.broadcast %mul3A_252 : i32 to vector<16xi32>
        %add3A_288 = arith.addi %iota3A, %add3A_287 : vector<16xi32>
        %lt3A_289 = arith.cmpi slt, %add3A_288, %while3A_121 : vector<16xi32>
        %and3A = arith.andi %gt3A_286, %lt3A_289 : vector<16xi1>
        %all_reduce_population_count3A = tpu.all_reduce %and3A {dim = 0 : i64, kind = #tpu.reduction_kind<sum>} : vector<16xi1> -> vector<16xi32>
        %all_reduce_ffs3A = tpu.all_reduce %and3A {dim = 0 : i64, kind = #tpu.reduction_kind<find_first_set>} : vector<16xi1> -> vector<16xi32>
        %ge3A = arith.constant 16384 : i32
        %ge3A_290 = vector.broadcast %ge3A : i32 to vector<16xi32>
        %ge3A_291 = arith.cmpi sge, %while3A_250, %ge3A_290 : vector<16xi32>
        %gt3A_292 = arith.constant 0 : i32
        %gt3A_293 = vector.broadcast %gt3A_292 : i32 to vector<16xi32>
        %gt3A_294 = arith.cmpi sgt, %all_reduce_population_count3A, %gt3A_293 : vector<16xi32>
        %and3A_295 = arith.andi %ge3A_291, %gt3A_294 : vector<16xi1>
        %add3A_296 = vector.broadcast %mul3A_252 : i32 to vector<16xi32>
        %add3A_297 = arith.addi %add3A_296, %all_reduce_ffs3A : vector<16xi32>
        %select_n3A_298 = arith.select %and3A_295, %add3A_297, %while3A_250 : vector<16xi1>, vector<16xi32>
        scf.yield %select_n3A_298 : vector<16xi32>
      }
      %lt3A = arith.constant 16384 : i32
      %lt3A_164 = vector.broadcast %lt3A : i32 to vector<16xi32>
      %lt3A_165 = arith.cmpi slt, %while3A_163, %lt3A_164 : vector<16xi32>
      %select_n3A = arith.select %lt3A_165, %while3A_163, %while3A_121 : vector<16xi1>, vector<16xi32>
      %add3A_166 = arith.constant 0 : i32
      %add3A_167 = vector.broadcast %add3A_166 : i32 to vector<16xi32>
      %add3A_168 = arith.addi %add3A_167, %select_n3A : vector<16xi32>
      %gather3A_169 = tpu.vector_load_idx %arg9[%add3A_168] : memref<3072xf32, #tpu.memory_space<vmem>>[vector<16xi32>], vector<16xf32>,
      %add3A_170 = arith.addf %gather3A_169, %gather3A_145 : vector<16xf32>
      %select_n3A_171 = arith.select %lt3A_165, %add3A_170, %gather3A_145 : vector<16xi1>, vector<16xf32>
      tpu.vector_store_idx %arg9[%add3A_168], %select_n3A_171 : memref<3072xf32, #tpu.memory_space<vmem>>[vector<16xi32>], vector<16xf32>,
      %gather3A_172 = tpu.vector_load_idx %arg10[%add3A_168] : memref<3072xf32, #tpu.memory_space<vmem>>[vector<16xi32>], vector<16xf32>,
      %add3A_173 = arith.constant 1.000000e+00 : f32
      %add3A_174 = vector.broadcast %add3A_173 : f32 to vector<16xf32>
      %add3A_175 = arith.addf %gather3A_172, %add3A_174 : vector<16xf32>
      %jit3A = arith.constant 1.000000e+00 : f32
      %broadcast_in_dim3A_176 = vector.broadcast %jit3A : f32 to vector<16xf32>
      %select_n3A_177 = arith.select %lt3A_165, %add3A_175, %broadcast_in_dim3A_176 : vector<16xi1>, vector<16xf32>
      tpu.vector_store_idx %arg10[%add3A_168], %select_n3A_177 : memref<3072xf32, #tpu.memory_space<vmem>>[vector<16xi32>], vector<16xf32>,
      %add3A_178 = arith.constant 0 : i32
      %add3A_179 = vector.broadcast %add3A_178 : i32 to vector<16xi32>
      %add3A_180 = arith.addi %add3A_179, %add3A_168 : vector<16xi32>
      %gather3A_181 = tpu.vector_load_idx %arg8[%add3A_180] : memref<12288xf32, #tpu.memory_space<vmem>>[vector<16xi32>], vector<16xf32>,
      %mul3A_182 = arith.mulf %gather3A_145, %gather3A_129 : vector<16xf32>
      %add3A_183 = arith.addf %gather3A_181, %mul3A_182 : vector<16xf32>
      %mul3A_184 = arith.mulf %gather3A_145, %gather3A_129 : vector<16xf32>
      %select_n3A_185 = arith.select %lt3A_165, %add3A_183, %mul3A_184 : vector<16xi1>, vector<16xf32>
      %add3A_186 = arith.constant 0 : i32
      %add3A_187 = vector.broadcast %add3A_186 : i32 to vector<16xi32>
      %add3A_188 = arith.addi %add3A_187, %add3A_168 : vector<16xi32>
      tpu.vector_store_idx %arg8[%add3A_188], %select_n3A_185 : memref<12288xf32, #tpu.memory_space<vmem>>[vector<16xi32>], vector<16xf32>,
      %add3A_189 = arith.constant 0 : i32
      %add3A_190 = vector.broadcast %add3A_189 : i32 to vector<16xi32>
      %add3A_191 = arith.addi %add3A_190, %add3A_168 : vector<16xi32>
      %div3A = arith.divf %select_n3A_185, %select_n3A_171 : vector<16xf32>
      tpu.vector_store_idx %arg7[%add3A_191], %div3A : memref<12288xf32, #tpu.memory_space<vmem>>[vector<16xi32>], vector<16xf32>,
      %add3A_192 = arith.constant 3072 : i32
      %add3A_193 = vector.broadcast %add3A_192 : i32 to vector<16xi32>
      %add3A_194 = arith.addi %add3A_193, %add3A_168 : vector<16xi32>
      %gather3A_195 = tpu.vector_load_idx %arg8[%add3A_194] : memref<12288xf32, #tpu.memory_space<vmem>>[vector<16xi32>], vector<16xf32>,
      %mul3A_196 = arith.mulf %gather3A_145, %gather3A_133 : vector<16xf32>
      %add3A_197 = arith.addf %gather3A_195, %mul3A_196 : vector<16xf32>
      %mul3A_198 = arith.mulf %gather3A_145, %gather3A_133 : vector<16xf32>
      %select_n3A_199 = arith.select %lt3A_165, %add3A_197, %mul3A_198 : vector<16xi1>, vector<16xf32>
      %add3A_200 = arith.constant 3072 : i32
      %add3A_201 = vector.broadcast %add3A_200 : i32 to vector<16xi32>
      %add3A_202 = arith.addi %add3A_201, %add3A_168 : vector<16xi32>
      tpu.vector_store_idx %arg8[%add3A_202], %select_n3A_199 : memref<12288xf32, #tpu.memory_space<vmem>>[vector<16xi32>], vector<16xf32>,
      %add3A_203 = arith.constant 3072 : i32
      %add3A_204 = vector.broadcast %add3A_203 : i32 to vector<16xi32>
      %add3A_205 = arith.addi %add3A_204, %add3A_168 : vector<16xi32>
      %div3A_206 = arith.divf %select_n3A_199, %select_n3A_171 : vector<16xf32>
      tpu.vector_store_idx %arg7[%add3A_205], %div3A_206 : memref<12288xf32, #tpu.memory_space<vmem>>[vector<16xi32>], vector<16xf32>,
      %add3A_207 = arith.constant 6144 : i32
      %add3A_208 = vector.broadcast %add3A_207 : i32 to vector<16xi32>
      %add3A_209 = arith.addi %add3A_208, %add3A_168 : vector<16xi32>
      %gather3A_210 = tpu.vector_load_idx %arg8[%add3A_209] : memref<12288xf32, #tpu.memory_space<vmem>>[vector<16xi32>], vector<16xf32>,
      %mul3A_211 = arith.mulf %gather3A_145, %gather3A_137 : vector<16xf32>
      %add3A_212 = arith.addf %gather3A_210, %mul3A_211 : vector<16xf32>
      %mul3A_213 = arith.mulf %gather3A_145, %gather3A_137 : vector<16xf32>
      %select_n3A_214 = arith.select %lt3A_165, %add3A_212, %mul3A_213 : vector<16xi1>, vector<16xf32>
      %add3A_215 = arith.constant 6144 : i32
      %add3A_216 = vector.broadcast %add3A_215 : i32 to vector<16xi32>
      %add3A_217 = arith.addi %add3A_216, %add3A_168 : vector<16xi32>
      tpu.vector_store_idx %arg8[%add3A_217], %select_n3A_214 : memref<12288xf32, #tpu.memory_space<vmem>>[vector<16xi32>], vector<16xf32>,
      %add3A_218 = arith.constant 6144 : i32
      %add3A_219 = vector.broadcast %add3A_218 : i32 to vector<16xi32>
      %add3A_220 = arith.addi %add3A_219, %add3A_168 : vector<16xi32>
      %div3A_221 = arith.divf %select_n3A_214, %select_n3A_171 : vector<16xf32>
      tpu.vector_store_idx %arg7[%add3A_220], %div3A_221 : memref<12288xf32, #tpu.memory_space<vmem>>[vector<16xi32>], vector<16xf32>,
      %add3A_222 = arith.constant 9216 : i32
      %add3A_223 = vector.broadcast %add3A_222 : i32 to vector<16xi32>
      %add3A_224 = arith.addi %add3A_223, %add3A_168 : vector<16xi32>
      %gather3A_225 = tpu.vector_load_idx %arg8[%add3A_224] : memref<12288xf32, #tpu.memory_space<vmem>>[vector<16xi32>], vector<16xf32>,
      %mul3A_226 = arith.mulf %gather3A_145, %gather3A_141 : vector<16xf32>
      %add3A_227 = arith.addf %gather3A_225, %mul3A_226 : vector<16xf32>
      %mul3A_228 = arith.mulf %gather3A_145, %gather3A_141 : vector<16xf32>
      %select_n3A_229 = arith.select %lt3A_165, %add3A_227, %mul3A_228 : vector<16xi1>, vector<16xf32>
      %add3A_230 = arith.constant 9216 : i32
      %add3A_231 = vector.broadcast %add3A_230 : i32 to vector<16xi32>
      %add3A_232 = arith.addi %add3A_231, %add3A_168 : vector<16xi32>
      tpu.vector_store_idx %arg8[%add3A_232], %select_n3A_229 : memref<12288xf32, #tpu.memory_space<vmem>>[vector<16xi32>], vector<16xf32>,
      %add3A_233 = arith.constant 9216 : i32
      %add3A_234 = vector.broadcast %add3A_233 : i32 to vector<16xi32>
      %add3A_235 = arith.addi %add3A_234, %add3A_168 : vector<16xi32>
      %div3A_236 = arith.divf %select_n3A_229, %select_n3A_171 : vector<16xf32>
      tpu.vector_store_idx %arg7[%add3A_235], %div3A_236 : memref<12288xf32, #tpu.memory_space<vmem>>[vector<16xi32>], vector<16xf32>,
      %broadcast_in_dim3A_237 = arith.constant -1 : i32
      %broadcast_in_dim3A_238 = vector.broadcast %broadcast_in_dim3A_237 : i32 to vector<16xi32>
      %select_n3A_239 = arith.select %lt3A_165, %broadcast_in_dim3A_238, %while3A_121 : vector<16xi1>, vector<16xi32>
      %add3A_240 = arith.constant 0 : i32
      %add3A_241 = vector.broadcast %add3A_240 : i32 to vector<16xi32>
      %add3A_242 = arith.addi %add3A_241, %broadcast_in_dim3A_122 : vector<16xi32>
      tpu.vector_store_idx %arg6[%add3A_242], %select_n3A_239 : memref<3072xi32, #tpu.memory_space<vmem>>[vector<16xi32>], vector<16xi32>,
      %jit3A_243 = arith.constant 0 : i32
      %jit3A_244 = arith.constant 1 : i32
      %broadcast_in_dim3A_245 = vector.broadcast %jit3A_243 : i32 to vector<16xi32>
      %broadcast_in_dim3A_246 = vector.broadcast %jit3A_244 : i32 to vector<16xi32>
      %select_n3A_247 = arith.select %lt3A_165, %broadcast_in_dim3A_245, %broadcast_in_dim3A_246 : vector<16xi1>, vector<16xi32>
      %add3A_248 = arith.addi %while3A_121, %select_n3A_247 : vector<16xi32>
      scf.yield %add3A_248 : vector<16xi32>
    }
    %while3A_48 = arith.constant 1 : i32
    %while3A_49 = scf.for %while3A_120 = %while3A_45 to %while3A_41 step %while3A_48 iter_args(%while3A_121 = %while3A_47) -> (vector<16xi32>)  : i32 {
      %broadcast_in_dim3A_122 = vector.broadcast %while3A_120 : i32 to vector<16xi32>
      %add3A_123 = arith.constant 0 : i32
      %add3A_124 = vector.broadcast %add3A_123 : i32 to vector<16xi32>
      %add3A_125 = arith.addi %add3A_124, %broadcast_in_dim3A_122 : vector<16xi32>
      %gather3A = tpu.vector_load_idx %arg5[%add3A_125] : memref<3088xi32, #tpu.memory_space<vmem>>[vector<16xi32>], vector<16xi32>,
      %mul3A_126 = arith.constant 6 : i32
      %mul3A_127 = vector.broadcast %mul3A_126 : i32 to vector<16xi32>
      %mul3A_128 = arith.muli %gather3A, %mul3A_127 : vector<16xi32>
      %gather3A_129 = tpu.vector_load_idx %arg4[%mul3A_128] : memref<7200xf32, #tpu.memory_space<vmem>>[vector<16xi32>], vector<16xf32>,
      %add3A_130 = arith.constant 1 : i32
      %add3A_131 = vector.broadcast %add3A_130 : i32 to vector<16xi32>
      %add3A_132 = arith.addi %mul3A_128, %add3A_131 : vector<16xi32>
      %gather3A_133 = tpu.vector_load_idx %arg4[%add3A_132] : memref<7200xf32, #tpu.memory_space<vmem>>[vector<16xi32>], vector<16xf32>,
      %add3A_134 = arith.constant 2 : i32
      %add3A_135 = vector.broadcast %add3A_134 : i32 to vector<16xi32>
      %add3A_136 = arith.addi %mul3A_128, %add3A_135 : vector<16xi32>
      %gather3A_137 = tpu.vector_load_idx %arg4[%add3A_136] : memref<7200xf32, #tpu.memory_space<vmem>>[vector<16xi32>], vector<16xf32>,
      %add3A_138 = arith.constant 3 : i32
      %add3A_139 = vector.broadcast %add3A_138 : i32 to vector<16xi32>
      %add3A_140 = arith.addi %mul3A_128, %add3A_139 : vector<16xi32>
      %gather3A_141 = tpu.vector_load_idx %arg4[%add3A_140] : memref<7200xf32, #tpu.memory_space<vmem>>[vector<16xi32>], vector<16xf32>,
      %add3A_142 = arith.constant 4 : i32
      %add3A_143 = vector.broadcast %add3A_142 : i32 to vector<16xi32>
      %add3A_144 = arith.addi %mul3A_128, %add3A_143 : vector<16xi32>
      %gather3A_145 = tpu.vector_load_idx %arg4[%add3A_144] : memref<7200xf32, #tpu.memory_space<vmem>>[vector<16xi32>], vector<16xf32>,
      %sub3A = arith.subf %gather3A_137, %gather3A_129 : vector<16xf32>
      %sub3A_146 = arith.subf %gather3A_141, %gather3A_133 : vector<16xf32>
      %mul3A_147 = arith.mulf %sub3A, %sub3A_146 : vector<16xf32>
      %shift_right_arithmetic3A = arith.constant 4 : i32
      %shift_right_arithmetic3A_148 = arith.shrsi %while3A_120, %shift_right_arithmetic3A : i32
      %add3A_149 = arith.constant 1 : i32
      %add3A_150 = arith.addi %shift_right_arithmetic3A_148, %add3A_149 : i32
      %broadcast_in_dim3A_151 = arith.constant 16384 : i32
      %broadcast_in_dim3A_152 = vector.broadcast %broadcast_in_dim3A_151 : i32 to vector<16xi32>
      %while3A_153 = arith.constant 0 : i32
      %while3A_154 = arith.subi %add3A_150, %while3A_153 : i32
      %while3A_155 = arith.addi %while3A_153, %while3A_154 : i32
      %while3A_156 = arith.constant 1 : i32
      %while3A_157 = arith.divsi %while3A_154, %while3A_156 : i32
      %while3A_158 = arith.muli %while3A_157, %while3A_156 : i32
      %while3A_159 = arith.addi %while3A_153, %while3A_158 : i32
      %while3A_160 = arith.constant 1 : i32
      %while3A_161 = scf.for %while3A_249 = %while3A_153 to %while3A_159 step %while3A_160 iter_args(%while3A_250 = %broadcast_in_dim3A_152) -> (vector<16xi32>)  : i32 {
        %mul3A_251 = arith.constant 16 : i32
        %mul3A_252 = arith.muli %while3A_249, %mul3A_251 : i32
        %add3A_253 = arith.constant 0 : i32
        %add3A_254 = arith.addi %add3A_253, %mul3A_252 : i32
        %get3A = arith.index_cast %add3A_254 : i32 to index
        %get3A_255 = tpu.vector_load %arg7[%get3A] {strides = array<i32>} : memref<12288xf32, #tpu.memory_space<vmem>>, vector<16xf32>,
        %add3A_256 = arith.constant 3072 : i32
        %add3A_257 = arith.addi %add3A_256, %mul3A_252 : i32
        %get3A_258 = arith.index_cast %add3A_257 : i32 to index
        %get3A_259 = tpu.vector_load %arg7[%get3A_258] {strides = array<i32>} : memref<12288xf32, #tpu.memory_space<vmem>>, vector<16xf32>,
        %add3A_260 = arith.constant 6144 : i32
        %add3A_261 = arith.addi %add3A_260, %mul3A_252 : i32
        %get3A_262 = arith.index_cast %add3A_261 : i32 to index
        %get3A_263 = tpu.vector_load %arg7[%get3A_262] {strides = array<i32>} : memref<12288xf32, #tpu.memory_space<vmem>>, vector<16xf32>,
        %add3A_264 = arith.constant 9216 : i32
        %add3A_265 = arith.addi %add3A_264, %mul3A_252 : i32
        %get3A_266 = arith.index_cast %add3A_265 : i32 to index
        %get3A_267 = tpu.vector_load %arg7[%get3A_266] {strides = array<i32>} : memref<12288xf32, #tpu.memory_space<vmem>>, vector<16xf32>,
        %min3A = arith.minimumf %gather3A_137, %get3A_263 : vector<16xf32>
        %max3A = arith.maximumf %gather3A_129, %get3A_255 : vector<16xf32>
        %sub3A_268 = arith.subf %min3A, %max3A : vector<16xf32>
        %max3A_269 = arith.constant 0.000000e+00 : f32
        %max3A_270 = vector.broadcast %max3A_269 : f32 to vector<16xf32>
        %max3A_271 = arith.maximumf %sub3A_268, %max3A_270 : vector<16xf32>
        %min3A_272 = arith.minimumf %gather3A_141, %get3A_267 : vector<16xf32>
        %max3A_273 = arith.maximumf %gather3A_133, %get3A_259 : vector<16xf32>
        %sub3A_274 = arith.subf %min3A_272, %max3A_273 : vector<16xf32>
        %max3A_275 = arith.constant 0.000000e+00 : f32
        %max3A_276 = vector.broadcast %max3A_275 : f32 to vector<16xf32>
        %max3A_277 = arith.maximumf %sub3A_274, %max3A_276 : vector<16xf32>
        %mul3A_278 = arith.mulf %max3A_271, %max3A_277 : vector<16xf32>
        %sub3A_279 = arith.subf %get3A_263, %get3A_255 : vector<16xf32>
        %sub3A_280 = arith.subf %get3A_267, %get3A_259 : vector<16xf32>
        %mul3A_281 = arith.mulf %sub3A_279, %sub3A_280 : vector<16xf32>
        %add3A_282 = arith.addf %mul3A_147, %mul3A_281 : vector<16xf32>
        %sub3A_283 = arith.subf %add3A_282, %mul3A_278 : vector<16xf32>
        %div3A_284 = arith.divf %mul3A_278, %sub3A_283 : vector<16xf32>
        %gt3A = arith.constant 5.500000e-01 : f32
        %gt3A_285 = vector.broadcast %gt3A : f32 to vector<16xf32>
        %gt3A_286 = arith.cmpf ogt, %div3A_284, %gt3A_285 : vector<16xf32>
        %add3A_287 = vector.broadcast %mul3A_252 : i32 to vector<16xi32>
        %add3A_288 = arith.addi %iota3A, %add3A_287 : vector<16xi32>
        %lt3A_289 = arith.cmpi slt, %add3A_288, %while3A_121 : vector<16xi32>
        %and3A = arith.andi %gt3A_286, %lt3A_289 : vector<16xi1>
        %all_reduce_population_count3A = tpu.all_reduce %and3A {dim = 0 : i64, kind = #tpu.reduction_kind<sum>} : vector<16xi1> -> vector<16xi32>
        %all_reduce_ffs3A = tpu.all_reduce %and3A {dim = 0 : i64, kind = #tpu.reduction_kind<find_first_set>} : vector<16xi1> -> vector<16xi32>
        %ge3A = arith.constant 16384 : i32
        %ge3A_290 = vector.broadcast %ge3A : i32 to vector<16xi32>
        %ge3A_291 = arith.cmpi sge, %while3A_250, %ge3A_290 : vector<16xi32>
        %gt3A_292 = arith.constant 0 : i32
        %gt3A_293 = vector.broadcast %gt3A_292 : i32 to vector<16xi32>
        %gt3A_294 = arith.cmpi sgt, %all_reduce_population_count3A, %gt3A_293 : vector<16xi32>
        %and3A_295 = arith.andi %ge3A_291, %gt3A_294 : vector<16xi1>
        %add3A_296 = vector.broadcast %mul3A_252 : i32 to vector<16xi32>
        %add3A_297 = arith.addi %add3A_296, %all_reduce_ffs3A : vector<16xi32>
        %select_n3A_298 = arith.select %and3A_295, %add3A_297, %while3A_250 : vector<16xi1>, vector<16xi32>
        scf.yield %select_n3A_298 : vector<16xi32>
      }
      %while3A_162 = arith.constant 1 : i32
      %while3A_163 = scf.for %while3A_249 = %while3A_159 to %while3A_155 step %while3A_162 iter_args(%while3A_250 = %while3A_161) -> (vector<16xi32>)  : i32 {
        %mul3A_251 = arith.constant 16 : i32
        %mul3A_252 = arith.muli %while3A_249, %mul3A_251 : i32
        %add3A_253 = arith.constant 0 : i32
        %add3A_254 = arith.addi %add3A_253, %mul3A_252 : i32
        %get3A = arith.index_cast %add3A_254 : i32 to index
        %get3A_255 = tpu.vector_load %arg7[%get3A] {strides = array<i32>} : memref<12288xf32, #tpu.memory_space<vmem>>, vector<16xf32>,
        %add3A_256 = arith.constant 3072 : i32
        %add3A_257 = arith.addi %add3A_256, %mul3A_252 : i32
        %get3A_258 = arith.index_cast %add3A_257 : i32 to index
        %get3A_259 = tpu.vector_load %arg7[%get3A_258] {strides = array<i32>} : memref<12288xf32, #tpu.memory_space<vmem>>, vector<16xf32>,
        %add3A_260 = arith.constant 6144 : i32
        %add3A_261 = arith.addi %add3A_260, %mul3A_252 : i32
        %get3A_262 = arith.index_cast %add3A_261 : i32 to index
        %get3A_263 = tpu.vector_load %arg7[%get3A_262] {strides = array<i32>} : memref<12288xf32, #tpu.memory_space<vmem>>, vector<16xf32>,
        %add3A_264 = arith.constant 9216 : i32
        %add3A_265 = arith.addi %add3A_264, %mul3A_252 : i32
        %get3A_266 = arith.index_cast %add3A_265 : i32 to index
        %get3A_267 = tpu.vector_load %arg7[%get3A_266] {strides = array<i32>} : memref<12288xf32, #tpu.memory_space<vmem>>, vector<16xf32>,
        %min3A = arith.minimumf %gather3A_137, %get3A_263 : vector<16xf32>
        %max3A = arith.maximumf %gather3A_129, %get3A_255 : vector<16xf32>
        %sub3A_268 = arith.subf %min3A, %max3A : vector<16xf32>
        %max3A_269 = arith.constant 0.000000e+00 : f32
        %max3A_270 = vector.broadcast %max3A_269 : f32 to vector<16xf32>
        %max3A_271 = arith.maximumf %sub3A_268, %max3A_270 : vector<16xf32>
        %min3A_272 = arith.minimumf %gather3A_141, %get3A_267 : vector<16xf32>
        %max3A_273 = arith.maximumf %gather3A_133, %get3A_259 : vector<16xf32>
        %sub3A_274 = arith.subf %min3A_272, %max3A_273 : vector<16xf32>
        %max3A_275 = arith.constant 0.000000e+00 : f32
        %max3A_276 = vector.broadcast %max3A_275 : f32 to vector<16xf32>
        %max3A_277 = arith.maximumf %sub3A_274, %max3A_276 : vector<16xf32>
        %mul3A_278 = arith.mulf %max3A_271, %max3A_277 : vector<16xf32>
        %sub3A_279 = arith.subf %get3A_263, %get3A_255 : vector<16xf32>
        %sub3A_280 = arith.subf %get3A_267, %get3A_259 : vector<16xf32>
        %mul3A_281 = arith.mulf %sub3A_279, %sub3A_280 : vector<16xf32>
        %add3A_282 = arith.addf %mul3A_147, %mul3A_281 : vector<16xf32>
        %sub3A_283 = arith.subf %add3A_282, %mul3A_278 : vector<16xf32>
        %div3A_284 = arith.divf %mul3A_278, %sub3A_283 : vector<16xf32>
        %gt3A = arith.constant 5.500000e-01 : f32
        %gt3A_285 = vector.broadcast %gt3A : f32 to vector<16xf32>
        %gt3A_286 = arith.cmpf ogt, %div3A_284, %gt3A_285 : vector<16xf32>
        %add3A_287 = vector.broadcast %mul3A_252 : i32 to vector<16xi32>
        %add3A_288 = arith.addi %iota3A, %add3A_287 : vector<16xi32>
        %lt3A_289 = arith.cmpi slt, %add3A_288, %while3A_121 : vector<16xi32>
        %and3A = arith.andi %gt3A_286, %lt3A_289 : vector<16xi1>
        %all_reduce_population_count3A = tpu.all_reduce %and3A {dim = 0 : i64, kind = #tpu.reduction_kind<sum>} : vector<16xi1> -> vector<16xi32>
        %all_reduce_ffs3A = tpu.all_reduce %and3A {dim = 0 : i64, kind = #tpu.reduction_kind<find_first_set>} : vector<16xi1> -> vector<16xi32>
        %ge3A = arith.constant 16384 : i32
        %ge3A_290 = vector.broadcast %ge3A : i32 to vector<16xi32>
        %ge3A_291 = arith.cmpi sge, %while3A_250, %ge3A_290 : vector<16xi32>
        %gt3A_292 = arith.constant 0 : i32
        %gt3A_293 = vector.broadcast %gt3A_292 : i32 to vector<16xi32>
        %gt3A_294 = arith.cmpi sgt, %all_reduce_population_count3A, %gt3A_293 : vector<16xi32>
        %and3A_295 = arith.andi %ge3A_291, %gt3A_294 : vector<16xi1>
        %add3A_296 = vector.broadcast %mul3A_252 : i32 to vector<16xi32>
        %add3A_297 = arith.addi %add3A_296, %all_reduce_ffs3A : vector<16xi32>
        %select_n3A_298 = arith.select %and3A_295, %add3A_297, %while3A_250 : vector<16xi1>, vector<16xi32>
        scf.yield %select_n3A_298 : vector<16xi32>
      }
      %lt3A = arith.constant 16384 : i32
      %lt3A_164 = vector.broadcast %lt3A : i32 to vector<16xi32>
      %lt3A_165 = arith.cmpi slt, %while3A_163, %lt3A_164 : vector<16xi32>
      %select_n3A = arith.select %lt3A_165, %while3A_163, %while3A_121 : vector<16xi1>, vector<16xi32>
      %add3A_166 = arith.constant 0 : i32
      %add3A_167 = vector.broadcast %add3A_166 : i32 to vector<16xi32>
      %add3A_168 = arith.addi %add3A_167, %select_n3A : vector<16xi32>
      %gather3A_169 = tpu.vector_load_idx %arg9[%add3A_168] : memref<3072xf32, #tpu.memory_space<vmem>>[vector<16xi32>], vector<16xf32>,
      %add3A_170 = arith.addf %gather3A_169, %gather3A_145 : vector<16xf32>
      %select_n3A_171 = arith.select %lt3A_165, %add3A_170, %gather3A_145 : vector<16xi1>, vector<16xf32>
      tpu.vector_store_idx %arg9[%add3A_168], %select_n3A_171 : memref<3072xf32, #tpu.memory_space<vmem>>[vector<16xi32>], vector<16xf32>,
      %gather3A_172 = tpu.vector_load_idx %arg10[%add3A_168] : memref<3072xf32, #tpu.memory_space<vmem>>[vector<16xi32>], vector<16xf32>,
      %add3A_173 = arith.constant 1.000000e+00 : f32
      %add3A_174 = vector.broadcast %add3A_173 : f32 to vector<16xf32>
      %add3A_175 = arith.addf %gather3A_172, %add3A_174 : vector<16xf32>
      %jit3A = arith.constant 1.000000e+00 : f32
      %broadcast_in_dim3A_176 = vector.broadcast %jit3A : f32 to vector<16xf32>
      %select_n3A_177 = arith.select %lt3A_165, %add3A_175, %broadcast_in_dim3A_176 : vector<16xi1>, vector<16xf32>
      tpu.vector_store_idx %arg10[%add3A_168], %select_n3A_177 : memref<3072xf32, #tpu.memory_space<vmem>>[vector<16xi32>], vector<16xf32>,
      %add3A_178 = arith.constant 0 : i32
      %add3A_179 = vector.broadcast %add3A_178 : i32 to vector<16xi32>
      %add3A_180 = arith.addi %add3A_179, %add3A_168 : vector<16xi32>
      %gather3A_181 = tpu.vector_load_idx %arg8[%add3A_180] : memref<12288xf32, #tpu.memory_space<vmem>>[vector<16xi32>], vector<16xf32>,
      %mul3A_182 = arith.mulf %gather3A_145, %gather3A_129 : vector<16xf32>
      %add3A_183 = arith.addf %gather3A_181, %mul3A_182 : vector<16xf32>
      %mul3A_184 = arith.mulf %gather3A_145, %gather3A_129 : vector<16xf32>
      %select_n3A_185 = arith.select %lt3A_165, %add3A_183, %mul3A_184 : vector<16xi1>, vector<16xf32>
      %add3A_186 = arith.constant 0 : i32
      %add3A_187 = vector.broadcast %add3A_186 : i32 to vector<16xi32>
      %add3A_188 = arith.addi %add3A_187, %add3A_168 : vector<16xi32>
      tpu.vector_store_idx %arg8[%add3A_188], %select_n3A_185 : memref<12288xf32, #tpu.memory_space<vmem>>[vector<16xi32>], vector<16xf32>,
      %add3A_189 = arith.constant 0 : i32
      %add3A_190 = vector.broadcast %add3A_189 : i32 to vector<16xi32>
      %add3A_191 = arith.addi %add3A_190, %add3A_168 : vector<16xi32>
      %div3A = arith.divf %select_n3A_185, %select_n3A_171 : vector<16xf32>
      tpu.vector_store_idx %arg7[%add3A_191], %div3A : memref<12288xf32, #tpu.memory_space<vmem>>[vector<16xi32>], vector<16xf32>,
      %add3A_192 = arith.constant 3072 : i32
      %add3A_193 = vector.broadcast %add3A_192 : i32 to vector<16xi32>
      %add3A_194 = arith.addi %add3A_193, %add3A_168 : vector<16xi32>
      %gather3A_195 = tpu.vector_load_idx %arg8[%add3A_194] : memref<12288xf32, #tpu.memory_space<vmem>>[vector<16xi32>], vector<16xf32>,
      %mul3A_196 = arith.mulf %gather3A_145, %gather3A_133 : vector<16xf32>
      %add3A_197 = arith.addf %gather3A_195, %mul3A_196 : vector<16xf32>
      %mul3A_198 = arith.mulf %gather3A_145, %gather3A_133 : vector<16xf32>
      %select_n3A_199 = arith.select %lt3A_165, %add3A_197, %mul3A_198 : vector<16xi1>, vector<16xf32>
      %add3A_200 = arith.constant 3072 : i32
      %add3A_201 = vector.broadcast %add3A_200 : i32 to vector<16xi32>
      %add3A_202 = arith.addi %add3A_201, %add3A_168 : vector<16xi32>
      tpu.vector_store_idx %arg8[%add3A_202], %select_n3A_199 : memref<12288xf32, #tpu.memory_space<vmem>>[vector<16xi32>], vector<16xf32>,
      %add3A_203 = arith.constant 3072 : i32
      %add3A_204 = vector.broadcast %add3A_203 : i32 to vector<16xi32>
      %add3A_205 = arith.addi %add3A_204, %add3A_168 : vector<16xi32>
      %div3A_206 = arith.divf %select_n3A_199, %select_n3A_171 : vector<16xf32>
      tpu.vector_store_idx %arg7[%add3A_205], %div3A_206 : memref<12288xf32, #tpu.memory_space<vmem>>[vector<16xi32>], vector<16xf32>,
      %add3A_207 = arith.constant 6144 : i32
      %add3A_208 = vector.broadcast %add3A_207 : i32 to vector<16xi32>
      %add3A_209 = arith.addi %add3A_208, %add3A_168 : vector<16xi32>
      %gather3A_210 = tpu.vector_load_idx %arg8[%add3A_209] : memref<12288xf32, #tpu.memory_space<vmem>>[vector<16xi32>], vector<16xf32>,
      %mul3A_211 = arith.mulf %gather3A_145, %gather3A_137 : vector<16xf32>
      %add3A_212 = arith.addf %gather3A_210, %mul3A_211 : vector<16xf32>
      %mul3A_213 = arith.mulf %gather3A_145, %gather3A_137 : vector<16xf32>
      %select_n3A_214 = arith.select %lt3A_165, %add3A_212, %mul3A_213 : vector<16xi1>, vector<16xf32>
      %add3A_215 = arith.constant 6144 : i32
      %add3A_216 = vector.broadcast %add3A_215 : i32 to vector<16xi32>
      %add3A_217 = arith.addi %add3A_216, %add3A_168 : vector<16xi32>
      tpu.vector_store_idx %arg8[%add3A_217], %select_n3A_214 : memref<12288xf32, #tpu.memory_space<vmem>>[vector<16xi32>], vector<16xf32>,
      %add3A_218 = arith.constant 6144 : i32
      %add3A_219 = vector.broadcast %add3A_218 : i32 to vector<16xi32>
      %add3A_220 = arith.addi %add3A_219, %add3A_168 : vector<16xi32>
      %div3A_221 = arith.divf %select_n3A_214, %select_n3A_171 : vector<16xf32>
      tpu.vector_store_idx %arg7[%add3A_220], %div3A_221 : memref<12288xf32, #tpu.memory_space<vmem>>[vector<16xi32>], vector<16xf32>,
      %add3A_222 = arith.constant 9216 : i32
      %add3A_223 = vector.broadcast %add3A_222 : i32 to vector<16xi32>
      %add3A_224 = arith.addi %add3A_223, %add3A_168 : vector<16xi32>
      %gather3A_225 = tpu.vector_load_idx %arg8[%add3A_224] : memref<12288xf32, #tpu.memory_space<vmem>>[vector<16xi32>], vector<16xf32>,
      %mul3A_226 = arith.mulf %gather3A_145, %gather3A_141 : vector<16xf32>
      %add3A_227 = arith.addf %gather3A_225, %mul3A_226 : vector<16xf32>
      %mul3A_228 = arith.mulf %gather3A_145, %gather3A_141 : vector<16xf32>
      %select_n3A_229 = arith.select %lt3A_165, %add3A_227, %mul3A_228 : vector<16xi1>, vector<16xf32>
      %add3A_230 = arith.constant 9216 : i32
      %add3A_231 = vector.broadcast %add3A_230 : i32 to vector<16xi32>
      %add3A_232 = arith.addi %add3A_231, %add3A_168 : vector<16xi32>
      tpu.vector_store_idx %arg8[%add3A_232], %select_n3A_229 : memref<12288xf32, #tpu.memory_space<vmem>>[vector<16xi32>], vector<16xf32>,
      %add3A_233 = arith.constant 9216 : i32
      %add3A_234 = vector.broadcast %add3A_233 : i32 to vector<16xi32>
      %add3A_235 = arith.addi %add3A_234, %add3A_168 : vector<16xi32>
      %div3A_236 = arith.divf %select_n3A_229, %select_n3A_171 : vector<16xf32>
      tpu.vector_store_idx %arg7[%add3A_235], %div3A_236 : memref<12288xf32, #tpu.memory_space<vmem>>[vector<16xi32>], vector<16xf32>,
      %broadcast_in_dim3A_237 = arith.constant -1 : i32
      %broadcast_in_dim3A_238 = vector.broadcast %broadcast_in_dim3A_237 : i32 to vector<16xi32>
      %select_n3A_239 = arith.select %lt3A_165, %broadcast_in_dim3A_238, %while3A_121 : vector<16xi1>, vector<16xi32>
      %add3A_240 = arith.constant 0 : i32
      %add3A_241 = vector.broadcast %add3A_240 : i32 to vector<16xi32>
      %add3A_242 = arith.addi %add3A_241, %broadcast_in_dim3A_122 : vector<16xi32>
      tpu.vector_store_idx %arg6[%add3A_242], %select_n3A_239 : memref<3072xi32, #tpu.memory_space<vmem>>[vector<16xi32>], vector<16xi32>,
      %jit3A_243 = arith.constant 0 : i32
      %jit3A_244 = arith.constant 1 : i32
      %broadcast_in_dim3A_245 = vector.broadcast %jit3A_243 : i32 to vector<16xi32>
      %broadcast_in_dim3A_246 = vector.broadcast %jit3A_244 : i32 to vector<16xi32>
      %select_n3A_247 = arith.select %lt3A_165, %broadcast_in_dim3A_245, %broadcast_in_dim3A_246 : vector<16xi1>, vector<16xi32>
      %add3A_248 = arith.addi %while3A_121, %select_n3A_247 : vector<16xi32>
      scf.yield %add3A_248 : vector<16xi32>
    }
    %broadcast_in_dim3A_50 = arith.constant 0 : i32
    %broadcast_in_dim3A_51 = vector.broadcast %broadcast_in_dim3A_50 : i32 to vector<16xi32>
    %while3A_52 = arith.constant 0 : i32
    %while3A_53 = arith.subi %reduce_max3A_29, %while3A_52 : i32
    %while3A_54 = arith.addi %while3A_52, %while3A_53 : i32
    %while3A_55 = arith.constant 1 : i32
    %while3A_56 = arith.divsi %while3A_53, %while3A_55 : i32
    %while3A_57 = arith.muli %while3A_56, %while3A_55 : i32
    %while3A_58 = arith.addi %while3A_52, %while3A_57 : i32
    %while3A_59 = arith.constant 1 : i32
    %while3A_60 = scf.for %while3A_120 = %while3A_52 to %while3A_58 step %while3A_59 iter_args(%while3A_121 = %broadcast_in_dim3A_51) -> (vector<16xi32>)  : i32 {
      %broadcast_in_dim3A_122 = vector.broadcast %while3A_120 : i32 to vector<16xi32>
      %add3A_123 = arith.constant 1024 : i32
      %add3A_124 = vector.broadcast %add3A_123 : i32 to vector<16xi32>
      %add3A_125 = arith.addi %add3A_124, %broadcast_in_dim3A_122 : vector<16xi32>
      %gather3A = tpu.vector_load_idx %arg5[%add3A_125] : memref<3088xi32, #tpu.memory_space<vmem>>[vector<16xi32>], vector<16xi32>,
      %mul3A_126 = arith.constant 6 : i32
      %mul3A_127 = vector.broadcast %mul3A_126 : i32 to vector<16xi32>
      %mul3A_128 = arith.muli %gather3A, %mul3A_127 : vector<16xi32>
      %gather3A_129 = tpu.vector_load_idx %arg4[%mul3A_128] : memref<7200xf32, #tpu.memory_space<vmem>>[vector<16xi32>], vector<16xf32>,
      %add3A_130 = arith.constant 1 : i32
      %add3A_131 = vector.broadcast %add3A_130 : i32 to vector<16xi32>
      %add3A_132 = arith.addi %mul3A_128, %add3A_131 : vector<16xi32>
      %gather3A_133 = tpu.vector_load_idx %arg4[%add3A_132] : memref<7200xf32, #tpu.memory_space<vmem>>[vector<16xi32>], vector<16xf32>,
      %add3A_134 = arith.constant 2 : i32
      %add3A_135 = vector.broadcast %add3A_134 : i32 to vector<16xi32>
      %add3A_136 = arith.addi %mul3A_128, %add3A_135 : vector<16xi32>
      %gather3A_137 = tpu.vector_load_idx %arg4[%add3A_136] : memref<7200xf32, #tpu.memory_space<vmem>>[vector<16xi32>], vector<16xf32>,
      %add3A_138 = arith.constant 3 : i32
      %add3A_139 = vector.broadcast %add3A_138 : i32 to vector<16xi32>
      %add3A_140 = arith.addi %mul3A_128, %add3A_139 : vector<16xi32>
      %gather3A_141 = tpu.vector_load_idx %arg4[%add3A_140] : memref<7200xf32, #tpu.memory_space<vmem>>[vector<16xi32>], vector<16xf32>,
      %add3A_142 = arith.constant 4 : i32
      %add3A_143 = vector.broadcast %add3A_142 : i32 to vector<16xi32>
      %add3A_144 = arith.addi %mul3A_128, %add3A_143 : vector<16xi32>
      %gather3A_145 = tpu.vector_load_idx %arg4[%add3A_144] : memref<7200xf32, #tpu.memory_space<vmem>>[vector<16xi32>], vector<16xf32>,
      %sub3A = arith.subf %gather3A_137, %gather3A_129 : vector<16xf32>
      %sub3A_146 = arith.subf %gather3A_141, %gather3A_133 : vector<16xf32>
      %mul3A_147 = arith.mulf %sub3A, %sub3A_146 : vector<16xf32>
      %shift_right_arithmetic3A = arith.constant 4 : i32
      %shift_right_arithmetic3A_148 = arith.shrsi %while3A_120, %shift_right_arithmetic3A : i32
      %add3A_149 = arith.constant 1 : i32
      %add3A_150 = arith.addi %shift_right_arithmetic3A_148, %add3A_149 : i32
      %broadcast_in_dim3A_151 = arith.constant 16384 : i32
      %broadcast_in_dim3A_152 = vector.broadcast %broadcast_in_dim3A_151 : i32 to vector<16xi32>
      %while3A_153 = arith.constant 0 : i32
      %while3A_154 = arith.subi %add3A_150, %while3A_153 : i32
      %while3A_155 = arith.addi %while3A_153, %while3A_154 : i32
      %while3A_156 = arith.constant 1 : i32
      %while3A_157 = arith.divsi %while3A_154, %while3A_156 : i32
      %while3A_158 = arith.muli %while3A_157, %while3A_156 : i32
      %while3A_159 = arith.addi %while3A_153, %while3A_158 : i32
      %while3A_160 = arith.constant 1 : i32
      %while3A_161 = scf.for %while3A_249 = %while3A_153 to %while3A_159 step %while3A_160 iter_args(%while3A_250 = %broadcast_in_dim3A_152) -> (vector<16xi32>)  : i32 {
        %mul3A_251 = arith.constant 16 : i32
        %mul3A_252 = arith.muli %while3A_249, %mul3A_251 : i32
        %add3A_253 = arith.constant 1024 : i32
        %add3A_254 = arith.addi %add3A_253, %mul3A_252 : i32
        %get3A = arith.index_cast %add3A_254 : i32 to index
        %get3A_255 = tpu.vector_load %arg7[%get3A] {strides = array<i32>} : memref<12288xf32, #tpu.memory_space<vmem>>, vector<16xf32>,
        %add3A_256 = arith.constant 4096 : i32
        %add3A_257 = arith.addi %add3A_256, %mul3A_252 : i32
        %get3A_258 = arith.index_cast %add3A_257 : i32 to index
        %get3A_259 = tpu.vector_load %arg7[%get3A_258] {strides = array<i32>} : memref<12288xf32, #tpu.memory_space<vmem>>, vector<16xf32>,
        %add3A_260 = arith.constant 7168 : i32
        %add3A_261 = arith.addi %add3A_260, %mul3A_252 : i32
        %get3A_262 = arith.index_cast %add3A_261 : i32 to index
        %get3A_263 = tpu.vector_load %arg7[%get3A_262] {strides = array<i32>} : memref<12288xf32, #tpu.memory_space<vmem>>, vector<16xf32>,
        %add3A_264 = arith.constant 10240 : i32
        %add3A_265 = arith.addi %add3A_264, %mul3A_252 : i32
        %get3A_266 = arith.index_cast %add3A_265 : i32 to index
        %get3A_267 = tpu.vector_load %arg7[%get3A_266] {strides = array<i32>} : memref<12288xf32, #tpu.memory_space<vmem>>, vector<16xf32>,
        %min3A = arith.minimumf %gather3A_137, %get3A_263 : vector<16xf32>
        %max3A = arith.maximumf %gather3A_129, %get3A_255 : vector<16xf32>
        %sub3A_268 = arith.subf %min3A, %max3A : vector<16xf32>
        %max3A_269 = arith.constant 0.000000e+00 : f32
        %max3A_270 = vector.broadcast %max3A_269 : f32 to vector<16xf32>
        %max3A_271 = arith.maximumf %sub3A_268, %max3A_270 : vector<16xf32>
        %min3A_272 = arith.minimumf %gather3A_141, %get3A_267 : vector<16xf32>
        %max3A_273 = arith.maximumf %gather3A_133, %get3A_259 : vector<16xf32>
        %sub3A_274 = arith.subf %min3A_272, %max3A_273 : vector<16xf32>
        %max3A_275 = arith.constant 0.000000e+00 : f32
        %max3A_276 = vector.broadcast %max3A_275 : f32 to vector<16xf32>
        %max3A_277 = arith.maximumf %sub3A_274, %max3A_276 : vector<16xf32>
        %mul3A_278 = arith.mulf %max3A_271, %max3A_277 : vector<16xf32>
        %sub3A_279 = arith.subf %get3A_263, %get3A_255 : vector<16xf32>
        %sub3A_280 = arith.subf %get3A_267, %get3A_259 : vector<16xf32>
        %mul3A_281 = arith.mulf %sub3A_279, %sub3A_280 : vector<16xf32>
        %add3A_282 = arith.addf %mul3A_147, %mul3A_281 : vector<16xf32>
        %sub3A_283 = arith.subf %add3A_282, %mul3A_278 : vector<16xf32>
        %div3A_284 = arith.divf %mul3A_278, %sub3A_283 : vector<16xf32>
        %gt3A = arith.constant 5.500000e-01 : f32
        %gt3A_285 = vector.broadcast %gt3A : f32 to vector<16xf32>
        %gt3A_286 = arith.cmpf ogt, %div3A_284, %gt3A_285 : vector<16xf32>
        %add3A_287 = vector.broadcast %mul3A_252 : i32 to vector<16xi32>
        %add3A_288 = arith.addi %iota3A, %add3A_287 : vector<16xi32>
        %lt3A_289 = arith.cmpi slt, %add3A_288, %while3A_121 : vector<16xi32>
        %and3A = arith.andi %gt3A_286, %lt3A_289 : vector<16xi1>
        %all_reduce_population_count3A = tpu.all_reduce %and3A {dim = 0 : i64, kind = #tpu.reduction_kind<sum>} : vector<16xi1> -> vector<16xi32>
        %all_reduce_ffs3A = tpu.all_reduce %and3A {dim = 0 : i64, kind = #tpu.reduction_kind<find_first_set>} : vector<16xi1> -> vector<16xi32>
        %ge3A = arith.constant 16384 : i32
        %ge3A_290 = vector.broadcast %ge3A : i32 to vector<16xi32>
        %ge3A_291 = arith.cmpi sge, %while3A_250, %ge3A_290 : vector<16xi32>
        %gt3A_292 = arith.constant 0 : i32
        %gt3A_293 = vector.broadcast %gt3A_292 : i32 to vector<16xi32>
        %gt3A_294 = arith.cmpi sgt, %all_reduce_population_count3A, %gt3A_293 : vector<16xi32>
        %and3A_295 = arith.andi %ge3A_291, %gt3A_294 : vector<16xi1>
        %add3A_296 = vector.broadcast %mul3A_252 : i32 to vector<16xi32>
        %add3A_297 = arith.addi %add3A_296, %all_reduce_ffs3A : vector<16xi32>
        %select_n3A_298 = arith.select %and3A_295, %add3A_297, %while3A_250 : vector<16xi1>, vector<16xi32>
        scf.yield %select_n3A_298 : vector<16xi32>
      }
      %while3A_162 = arith.constant 1 : i32
      %while3A_163 = scf.for %while3A_249 = %while3A_159 to %while3A_155 step %while3A_162 iter_args(%while3A_250 = %while3A_161) -> (vector<16xi32>)  : i32 {
        %mul3A_251 = arith.constant 16 : i32
        %mul3A_252 = arith.muli %while3A_249, %mul3A_251 : i32
        %add3A_253 = arith.constant 1024 : i32
        %add3A_254 = arith.addi %add3A_253, %mul3A_252 : i32
        %get3A = arith.index_cast %add3A_254 : i32 to index
        %get3A_255 = tpu.vector_load %arg7[%get3A] {strides = array<i32>} : memref<12288xf32, #tpu.memory_space<vmem>>, vector<16xf32>,
        %add3A_256 = arith.constant 4096 : i32
        %add3A_257 = arith.addi %add3A_256, %mul3A_252 : i32
        %get3A_258 = arith.index_cast %add3A_257 : i32 to index
        %get3A_259 = tpu.vector_load %arg7[%get3A_258] {strides = array<i32>} : memref<12288xf32, #tpu.memory_space<vmem>>, vector<16xf32>,
        %add3A_260 = arith.constant 7168 : i32
        %add3A_261 = arith.addi %add3A_260, %mul3A_252 : i32
        %get3A_262 = arith.index_cast %add3A_261 : i32 to index
        %get3A_263 = tpu.vector_load %arg7[%get3A_262] {strides = array<i32>} : memref<12288xf32, #tpu.memory_space<vmem>>, vector<16xf32>,
        %add3A_264 = arith.constant 10240 : i32
        %add3A_265 = arith.addi %add3A_264, %mul3A_252 : i32
        %get3A_266 = arith.index_cast %add3A_265 : i32 to index
        %get3A_267 = tpu.vector_load %arg7[%get3A_266] {strides = array<i32>} : memref<12288xf32, #tpu.memory_space<vmem>>, vector<16xf32>,
        %min3A = arith.minimumf %gather3A_137, %get3A_263 : vector<16xf32>
        %max3A = arith.maximumf %gather3A_129, %get3A_255 : vector<16xf32>
        %sub3A_268 = arith.subf %min3A, %max3A : vector<16xf32>
        %max3A_269 = arith.constant 0.000000e+00 : f32
        %max3A_270 = vector.broadcast %max3A_269 : f32 to vector<16xf32>
        %max3A_271 = arith.maximumf %sub3A_268, %max3A_270 : vector<16xf32>
        %min3A_272 = arith.minimumf %gather3A_141, %get3A_267 : vector<16xf32>
        %max3A_273 = arith.maximumf %gather3A_133, %get3A_259 : vector<16xf32>
        %sub3A_274 = arith.subf %min3A_272, %max3A_273 : vector<16xf32>
        %max3A_275 = arith.constant 0.000000e+00 : f32
        %max3A_276 = vector.broadcast %max3A_275 : f32 to vector<16xf32>
        %max3A_277 = arith.maximumf %sub3A_274, %max3A_276 : vector<16xf32>
        %mul3A_278 = arith.mulf %max3A_271, %max3A_277 : vector<16xf32>
        %sub3A_279 = arith.subf %get3A_263, %get3A_255 : vector<16xf32>
        %sub3A_280 = arith.subf %get3A_267, %get3A_259 : vector<16xf32>
        %mul3A_281 = arith.mulf %sub3A_279, %sub3A_280 : vector<16xf32>
        %add3A_282 = arith.addf %mul3A_147, %mul3A_281 : vector<16xf32>
        %sub3A_283 = arith.subf %add3A_282, %mul3A_278 : vector<16xf32>
        %div3A_284 = arith.divf %mul3A_278, %sub3A_283 : vector<16xf32>
        %gt3A = arith.constant 5.500000e-01 : f32
        %gt3A_285 = vector.broadcast %gt3A : f32 to vector<16xf32>
        %gt3A_286 = arith.cmpf ogt, %div3A_284, %gt3A_285 : vector<16xf32>
        %add3A_287 = vector.broadcast %mul3A_252 : i32 to vector<16xi32>
        %add3A_288 = arith.addi %iota3A, %add3A_287 : vector<16xi32>
        %lt3A_289 = arith.cmpi slt, %add3A_288, %while3A_121 : vector<16xi32>
        %and3A = arith.andi %gt3A_286, %lt3A_289 : vector<16xi1>
        %all_reduce_population_count3A = tpu.all_reduce %and3A {dim = 0 : i64, kind = #tpu.reduction_kind<sum>} : vector<16xi1> -> vector<16xi32>
        %all_reduce_ffs3A = tpu.all_reduce %and3A {dim = 0 : i64, kind = #tpu.reduction_kind<find_first_set>} : vector<16xi1> -> vector<16xi32>
        %ge3A = arith.constant 16384 : i32
        %ge3A_290 = vector.broadcast %ge3A : i32 to vector<16xi32>
        %ge3A_291 = arith.cmpi sge, %while3A_250, %ge3A_290 : vector<16xi32>
        %gt3A_292 = arith.constant 0 : i32
        %gt3A_293 = vector.broadcast %gt3A_292 : i32 to vector<16xi32>
        %gt3A_294 = arith.cmpi sgt, %all_reduce_population_count3A, %gt3A_293 : vector<16xi32>
        %and3A_295 = arith.andi %ge3A_291, %gt3A_294 : vector<16xi1>
        %add3A_296 = vector.broadcast %mul3A_252 : i32 to vector<16xi32>
        %add3A_297 = arith.addi %add3A_296, %all_reduce_ffs3A : vector<16xi32>
        %select_n3A_298 = arith.select %and3A_295, %add3A_297, %while3A_250 : vector<16xi1>, vector<16xi32>
        scf.yield %select_n3A_298 : vector<16xi32>
      }
      %lt3A = arith.constant 16384 : i32
      %lt3A_164 = vector.broadcast %lt3A : i32 to vector<16xi32>
      %lt3A_165 = arith.cmpi slt, %while3A_163, %lt3A_164 : vector<16xi32>
      %select_n3A = arith.select %lt3A_165, %while3A_163, %while3A_121 : vector<16xi1>, vector<16xi32>
      %add3A_166 = arith.constant 1024 : i32
      %add3A_167 = vector.broadcast %add3A_166 : i32 to vector<16xi32>
      %add3A_168 = arith.addi %add3A_167, %select_n3A : vector<16xi32>
      %gather3A_169 = tpu.vector_load_idx %arg9[%add3A_168] : memref<3072xf32, #tpu.memory_space<vmem>>[vector<16xi32>], vector<16xf32>,
      %add3A_170 = arith.addf %gather3A_169, %gather3A_145 : vector<16xf32>
      %select_n3A_171 = arith.select %lt3A_165, %add3A_170, %gather3A_145 : vector<16xi1>, vector<16xf32>
      tpu.vector_store_idx %arg9[%add3A_168], %select_n3A_171 : memref<3072xf32, #tpu.memory_space<vmem>>[vector<16xi32>], vector<16xf32>,
      %gather3A_172 = tpu.vector_load_idx %arg10[%add3A_168] : memref<3072xf32, #tpu.memory_space<vmem>>[vector<16xi32>], vector<16xf32>,
      %add3A_173 = arith.constant 1.000000e+00 : f32
      %add3A_174 = vector.broadcast %add3A_173 : f32 to vector<16xf32>
      %add3A_175 = arith.addf %gather3A_172, %add3A_174 : vector<16xf32>
      %jit3A = arith.constant 1.000000e+00 : f32
      %broadcast_in_dim3A_176 = vector.broadcast %jit3A : f32 to vector<16xf32>
      %select_n3A_177 = arith.select %lt3A_165, %add3A_175, %broadcast_in_dim3A_176 : vector<16xi1>, vector<16xf32>
      tpu.vector_store_idx %arg10[%add3A_168], %select_n3A_177 : memref<3072xf32, #tpu.memory_space<vmem>>[vector<16xi32>], vector<16xf32>,
      %add3A_178 = arith.constant 0 : i32
      %add3A_179 = vector.broadcast %add3A_178 : i32 to vector<16xi32>
      %add3A_180 = arith.addi %add3A_179, %add3A_168 : vector<16xi32>
      %gather3A_181 = tpu.vector_load_idx %arg8[%add3A_180] : memref<12288xf32, #tpu.memory_space<vmem>>[vector<16xi32>], vector<16xf32>,
      %mul3A_182 = arith.mulf %gather3A_145, %gather3A_129 : vector<16xf32>
      %add3A_183 = arith.addf %gather3A_181, %mul3A_182 : vector<16xf32>
      %mul3A_184 = arith.mulf %gather3A_145, %gather3A_129 : vector<16xf32>
      %select_n3A_185 = arith.select %lt3A_165, %add3A_183, %mul3A_184 : vector<16xi1>, vector<16xf32>
      %add3A_186 = arith.constant 0 : i32
      %add3A_187 = vector.broadcast %add3A_186 : i32 to vector<16xi32>
      %add3A_188 = arith.addi %add3A_187, %add3A_168 : vector<16xi32>
      tpu.vector_store_idx %arg8[%add3A_188], %select_n3A_185 : memref<12288xf32, #tpu.memory_space<vmem>>[vector<16xi32>], vector<16xf32>,
      %add3A_189 = arith.constant 0 : i32
      %add3A_190 = vector.broadcast %add3A_189 : i32 to vector<16xi32>
      %add3A_191 = arith.addi %add3A_190, %add3A_168 : vector<16xi32>
      %div3A = arith.divf %select_n3A_185, %select_n3A_171 : vector<16xf32>
      tpu.vector_store_idx %arg7[%add3A_191], %div3A : memref<12288xf32, #tpu.memory_space<vmem>>[vector<16xi32>], vector<16xf32>,
      %add3A_192 = arith.constant 3072 : i32
      %add3A_193 = vector.broadcast %add3A_192 : i32 to vector<16xi32>
      %add3A_194 = arith.addi %add3A_193, %add3A_168 : vector<16xi32>
      %gather3A_195 = tpu.vector_load_idx %arg8[%add3A_194] : memref<12288xf32, #tpu.memory_space<vmem>>[vector<16xi32>], vector<16xf32>,
      %mul3A_196 = arith.mulf %gather3A_145, %gather3A_133 : vector<16xf32>
      %add3A_197 = arith.addf %gather3A_195, %mul3A_196 : vector<16xf32>
      %mul3A_198 = arith.mulf %gather3A_145, %gather3A_133 : vector<16xf32>
      %select_n3A_199 = arith.select %lt3A_165, %add3A_197, %mul3A_198 : vector<16xi1>, vector<16xf32>
      %add3A_200 = arith.constant 3072 : i32
      %add3A_201 = vector.broadcast %add3A_200 : i32 to vector<16xi32>
      %add3A_202 = arith.addi %add3A_201, %add3A_168 : vector<16xi32>
      tpu.vector_store_idx %arg8[%add3A_202], %select_n3A_199 : memref<12288xf32, #tpu.memory_space<vmem>>[vector<16xi32>], vector<16xf32>,
      %add3A_203 = arith.constant 3072 : i32
      %add3A_204 = vector.broadcast %add3A_203 : i32 to vector<16xi32>
      %add3A_205 = arith.addi %add3A_204, %add3A_168 : vector<16xi32>
      %div3A_206 = arith.divf %select_n3A_199, %select_n3A_171 : vector<16xf32>
      tpu.vector_store_idx %arg7[%add3A_205], %div3A_206 : memref<12288xf32, #tpu.memory_space<vmem>>[vector<16xi32>], vector<16xf32>,
      %add3A_207 = arith.constant 6144 : i32
      %add3A_208 = vector.broadcast %add3A_207 : i32 to vector<16xi32>
      %add3A_209 = arith.addi %add3A_208, %add3A_168 : vector<16xi32>
      %gather3A_210 = tpu.vector_load_idx %arg8[%add3A_209] : memref<12288xf32, #tpu.memory_space<vmem>>[vector<16xi32>], vector<16xf32>,
      %mul3A_211 = arith.mulf %gather3A_145, %gather3A_137 : vector<16xf32>
      %add3A_212 = arith.addf %gather3A_210, %mul3A_211 : vector<16xf32>
      %mul3A_213 = arith.mulf %gather3A_145, %gather3A_137 : vector<16xf32>
      %select_n3A_214 = arith.select %lt3A_165, %add3A_212, %mul3A_213 : vector<16xi1>, vector<16xf32>
      %add3A_215 = arith.constant 6144 : i32
      %add3A_216 = vector.broadcast %add3A_215 : i32 to vector<16xi32>
      %add3A_217 = arith.addi %add3A_216, %add3A_168 : vector<16xi32>
      tpu.vector_store_idx %arg8[%add3A_217], %select_n3A_214 : memref<12288xf32, #tpu.memory_space<vmem>>[vector<16xi32>], vector<16xf32>,
      %add3A_218 = arith.constant 6144 : i32
      %add3A_219 = vector.broadcast %add3A_218 : i32 to vector<16xi32>
      %add3A_220 = arith.addi %add3A_219, %add3A_168 : vector<16xi32>
      %div3A_221 = arith.divf %select_n3A_214, %select_n3A_171 : vector<16xf32>
      tpu.vector_store_idx %arg7[%add3A_220], %div3A_221 : memref<12288xf32, #tpu.memory_space<vmem>>[vector<16xi32>], vector<16xf32>,
      %add3A_222 = arith.constant 9216 : i32
      %add3A_223 = vector.broadcast %add3A_222 : i32 to vector<16xi32>
      %add3A_224 = arith.addi %add3A_223, %add3A_168 : vector<16xi32>
      %gather3A_225 = tpu.vector_load_idx %arg8[%add3A_224] : memref<12288xf32, #tpu.memory_space<vmem>>[vector<16xi32>], vector<16xf32>,
      %mul3A_226 = arith.mulf %gather3A_145, %gather3A_141 : vector<16xf32>
      %add3A_227 = arith.addf %gather3A_225, %mul3A_226 : vector<16xf32>
      %mul3A_228 = arith.mulf %gather3A_145, %gather3A_141 : vector<16xf32>
      %select_n3A_229 = arith.select %lt3A_165, %add3A_227, %mul3A_228 : vector<16xi1>, vector<16xf32>
      %add3A_230 = arith.constant 9216 : i32
      %add3A_231 = vector.broadcast %add3A_230 : i32 to vector<16xi32>
      %add3A_232 = arith.addi %add3A_231, %add3A_168 : vector<16xi32>
      tpu.vector_store_idx %arg8[%add3A_232], %select_n3A_229 : memref<12288xf32, #tpu.memory_space<vmem>>[vector<16xi32>], vector<16xf32>,
      %add3A_233 = arith.constant 9216 : i32
      %add3A_234 = vector.broadcast %add3A_233 : i32 to vector<16xi32>
      %add3A_235 = arith.addi %add3A_234, %add3A_168 : vector<16xi32>
      %div3A_236 = arith.divf %select_n3A_229, %select_n3A_171 : vector<16xf32>
      tpu.vector_store_idx %arg7[%add3A_235], %div3A_236 : memref<12288xf32, #tpu.memory_space<vmem>>[vector<16xi32>], vector<16xf32>,
      %broadcast_in_dim3A_237 = arith.constant -1 : i32
      %broadcast_in_dim3A_238 = vector.broadcast %broadcast_in_dim3A_237 : i32 to vector<16xi32>
      %select_n3A_239 = arith.select %lt3A_165, %broadcast_in_dim3A_238, %while3A_121 : vector<16xi1>, vector<16xi32>
      %add3A_240 = arith.constant 1024 : i32
      %add3A_241 = vector.broadcast %add3A_240 : i32 to vector<16xi32>
      %add3A_242 = arith.addi %add3A_241, %broadcast_in_dim3A_122 : vector<16xi32>
      tpu.vector_store_idx %arg6[%add3A_242], %select_n3A_239 : memref<3072xi32, #tpu.memory_space<vmem>>[vector<16xi32>], vector<16xi32>,
      %jit3A_243 = arith.constant 0 : i32
      %jit3A_244 = arith.constant 1 : i32
      %broadcast_in_dim3A_245 = vector.broadcast %jit3A_243 : i32 to vector<16xi32>
      %broadcast_in_dim3A_246 = vector.broadcast %jit3A_244 : i32 to vector<16xi32>
      %select_n3A_247 = arith.select %lt3A_165, %broadcast_in_dim3A_245, %broadcast_in_dim3A_246 : vector<16xi1>, vector<16xi32>
      %add3A_248 = arith.addi %while3A_121, %select_n3A_247 : vector<16xi32>
      scf.yield %add3A_248 : vector<16xi32>
    }
    %while3A_61 = arith.constant 1 : i32
    %while3A_62 = scf.for %while3A_120 = %while3A_58 to %while3A_54 step %while3A_61 iter_args(%while3A_121 = %while3A_60) -> (vector<16xi32>)  : i32 {
      %broadcast_in_dim3A_122 = vector.broadcast %while3A_120 : i32 to vector<16xi32>
      %add3A_123 = arith.constant 1024 : i32
      %add3A_124 = vector.broadcast %add3A_123 : i32 to vector<16xi32>
      %add3A_125 = arith.addi %add3A_124, %broadcast_in_dim3A_122 : vector<16xi32>
      %gather3A = tpu.vector_load_idx %arg5[%add3A_125] : memref<3088xi32, #tpu.memory_space<vmem>>[vector<16xi32>], vector<16xi32>,
      %mul3A_126 = arith.constant 6 : i32
      %mul3A_127 = vector.broadcast %mul3A_126 : i32 to vector<16xi32>
      %mul3A_128 = arith.muli %gather3A, %mul3A_127 : vector<16xi32>
      %gather3A_129 = tpu.vector_load_idx %arg4[%mul3A_128] : memref<7200xf32, #tpu.memory_space<vmem>>[vector<16xi32>], vector<16xf32>,
      %add3A_130 = arith.constant 1 : i32
      %add3A_131 = vector.broadcast %add3A_130 : i32 to vector<16xi32>
      %add3A_132 = arith.addi %mul3A_128, %add3A_131 : vector<16xi32>
      %gather3A_133 = tpu.vector_load_idx %arg4[%add3A_132] : memref<7200xf32, #tpu.memory_space<vmem>>[vector<16xi32>], vector<16xf32>,
      %add3A_134 = arith.constant 2 : i32
      %add3A_135 = vector.broadcast %add3A_134 : i32 to vector<16xi32>
      %add3A_136 = arith.addi %mul3A_128, %add3A_135 : vector<16xi32>
      %gather3A_137 = tpu.vector_load_idx %arg4[%add3A_136] : memref<7200xf32, #tpu.memory_space<vmem>>[vector<16xi32>], vector<16xf32>,
      %add3A_138 = arith.constant 3 : i32
      %add3A_139 = vector.broadcast %add3A_138 : i32 to vector<16xi32>
      %add3A_140 = arith.addi %mul3A_128, %add3A_139 : vector<16xi32>
      %gather3A_141 = tpu.vector_load_idx %arg4[%add3A_140] : memref<7200xf32, #tpu.memory_space<vmem>>[vector<16xi32>], vector<16xf32>,
      %add3A_142 = arith.constant 4 : i32
      %add3A_143 = vector.broadcast %add3A_142 : i32 to vector<16xi32>
      %add3A_144 = arith.addi %mul3A_128, %add3A_143 : vector<16xi32>
      %gather3A_145 = tpu.vector_load_idx %arg4[%add3A_144] : memref<7200xf32, #tpu.memory_space<vmem>>[vector<16xi32>], vector<16xf32>,
      %sub3A = arith.subf %gather3A_137, %gather3A_129 : vector<16xf32>
      %sub3A_146 = arith.subf %gather3A_141, %gather3A_133 : vector<16xf32>
      %mul3A_147 = arith.mulf %sub3A, %sub3A_146 : vector<16xf32>
      %shift_right_arithmetic3A = arith.constant 4 : i32
      %shift_right_arithmetic3A_148 = arith.shrsi %while3A_120, %shift_right_arithmetic3A : i32
      %add3A_149 = arith.constant 1 : i32
      %add3A_150 = arith.addi %shift_right_arithmetic3A_148, %add3A_149 : i32
      %broadcast_in_dim3A_151 = arith.constant 16384 : i32
      %broadcast_in_dim3A_152 = vector.broadcast %broadcast_in_dim3A_151 : i32 to vector<16xi32>
      %while3A_153 = arith.constant 0 : i32
      %while3A_154 = arith.subi %add3A_150, %while3A_153 : i32
      %while3A_155 = arith.addi %while3A_153, %while3A_154 : i32
      %while3A_156 = arith.constant 1 : i32
      %while3A_157 = arith.divsi %while3A_154, %while3A_156 : i32
      %while3A_158 = arith.muli %while3A_157, %while3A_156 : i32
      %while3A_159 = arith.addi %while3A_153, %while3A_158 : i32
      %while3A_160 = arith.constant 1 : i32
      %while3A_161 = scf.for %while3A_249 = %while3A_153 to %while3A_159 step %while3A_160 iter_args(%while3A_250 = %broadcast_in_dim3A_152) -> (vector<16xi32>)  : i32 {
        %mul3A_251 = arith.constant 16 : i32
        %mul3A_252 = arith.muli %while3A_249, %mul3A_251 : i32
        %add3A_253 = arith.constant 1024 : i32
        %add3A_254 = arith.addi %add3A_253, %mul3A_252 : i32
        %get3A = arith.index_cast %add3A_254 : i32 to index
        %get3A_255 = tpu.vector_load %arg7[%get3A] {strides = array<i32>} : memref<12288xf32, #tpu.memory_space<vmem>>, vector<16xf32>,
        %add3A_256 = arith.constant 4096 : i32
        %add3A_257 = arith.addi %add3A_256, %mul3A_252 : i32
        %get3A_258 = arith.index_cast %add3A_257 : i32 to index
        %get3A_259 = tpu.vector_load %arg7[%get3A_258] {strides = array<i32>} : memref<12288xf32, #tpu.memory_space<vmem>>, vector<16xf32>,
        %add3A_260 = arith.constant 7168 : i32
        %add3A_261 = arith.addi %add3A_260, %mul3A_252 : i32
        %get3A_262 = arith.index_cast %add3A_261 : i32 to index
        %get3A_263 = tpu.vector_load %arg7[%get3A_262] {strides = array<i32>} : memref<12288xf32, #tpu.memory_space<vmem>>, vector<16xf32>,
        %add3A_264 = arith.constant 10240 : i32
        %add3A_265 = arith.addi %add3A_264, %mul3A_252 : i32
        %get3A_266 = arith.index_cast %add3A_265 : i32 to index
        %get3A_267 = tpu.vector_load %arg7[%get3A_266] {strides = array<i32>} : memref<12288xf32, #tpu.memory_space<vmem>>, vector<16xf32>,
        %min3A = arith.minimumf %gather3A_137, %get3A_263 : vector<16xf32>
        %max3A = arith.maximumf %gather3A_129, %get3A_255 : vector<16xf32>
        %sub3A_268 = arith.subf %min3A, %max3A : vector<16xf32>
        %max3A_269 = arith.constant 0.000000e+00 : f32
        %max3A_270 = vector.broadcast %max3A_269 : f32 to vector<16xf32>
        %max3A_271 = arith.maximumf %sub3A_268, %max3A_270 : vector<16xf32>
        %min3A_272 = arith.minimumf %gather3A_141, %get3A_267 : vector<16xf32>
        %max3A_273 = arith.maximumf %gather3A_133, %get3A_259 : vector<16xf32>
        %sub3A_274 = arith.subf %min3A_272, %max3A_273 : vector<16xf32>
        %max3A_275 = arith.constant 0.000000e+00 : f32
        %max3A_276 = vector.broadcast %max3A_275 : f32 to vector<16xf32>
        %max3A_277 = arith.maximumf %sub3A_274, %max3A_276 : vector<16xf32>
        %mul3A_278 = arith.mulf %max3A_271, %max3A_277 : vector<16xf32>
        %sub3A_279 = arith.subf %get3A_263, %get3A_255 : vector<16xf32>
        %sub3A_280 = arith.subf %get3A_267, %get3A_259 : vector<16xf32>
        %mul3A_281 = arith.mulf %sub3A_279, %sub3A_280 : vector<16xf32>
        %add3A_282 = arith.addf %mul3A_147, %mul3A_281 : vector<16xf32>
        %sub3A_283 = arith.subf %add3A_282, %mul3A_278 : vector<16xf32>
        %div3A_284 = arith.divf %mul3A_278, %sub3A_283 : vector<16xf32>
        %gt3A = arith.constant 5.500000e-01 : f32
        %gt3A_285 = vector.broadcast %gt3A : f32 to vector<16xf32>
        %gt3A_286 = arith.cmpf ogt, %div3A_284, %gt3A_285 : vector<16xf32>
        %add3A_287 = vector.broadcast %mul3A_252 : i32 to vector<16xi32>
        %add3A_288 = arith.addi %iota3A, %add3A_287 : vector<16xi32>
        %lt3A_289 = arith.cmpi slt, %add3A_288, %while3A_121 : vector<16xi32>
        %and3A = arith.andi %gt3A_286, %lt3A_289 : vector<16xi1>
        %all_reduce_population_count3A = tpu.all_reduce %and3A {dim = 0 : i64, kind = #tpu.reduction_kind<sum>} : vector<16xi1> -> vector<16xi32>
        %all_reduce_ffs3A = tpu.all_reduce %and3A {dim = 0 : i64, kind = #tpu.reduction_kind<find_first_set>} : vector<16xi1> -> vector<16xi32>
        %ge3A = arith.constant 16384 : i32
        %ge3A_290 = vector.broadcast %ge3A : i32 to vector<16xi32>
        %ge3A_291 = arith.cmpi sge, %while3A_250, %ge3A_290 : vector<16xi32>
        %gt3A_292 = arith.constant 0 : i32
        %gt3A_293 = vector.broadcast %gt3A_292 : i32 to vector<16xi32>
        %gt3A_294 = arith.cmpi sgt, %all_reduce_population_count3A, %gt3A_293 : vector<16xi32>
        %and3A_295 = arith.andi %ge3A_291, %gt3A_294 : vector<16xi1>
        %add3A_296 = vector.broadcast %mul3A_252 : i32 to vector<16xi32>
        %add3A_297 = arith.addi %add3A_296, %all_reduce_ffs3A : vector<16xi32>
        %select_n3A_298 = arith.select %and3A_295, %add3A_297, %while3A_250 : vector<16xi1>, vector<16xi32>
        scf.yield %select_n3A_298 : vector<16xi32>
      }
      %while3A_162 = arith.constant 1 : i32
      %while3A_163 = scf.for %while3A_249 = %while3A_159 to %while3A_155 step %while3A_162 iter_args(%while3A_250 = %while3A_161) -> (vector<16xi32>)  : i32 {
        %mul3A_251 = arith.constant 16 : i32
        %mul3A_252 = arith.muli %while3A_249, %mul3A_251 : i32
        %add3A_253 = arith.constant 1024 : i32
        %add3A_254 = arith.addi %add3A_253, %mul3A_252 : i32
        %get3A = arith.index_cast %add3A_254 : i32 to index
        %get3A_255 = tpu.vector_load %arg7[%get3A] {strides = array<i32>} : memref<12288xf32, #tpu.memory_space<vmem>>, vector<16xf32>,
        %add3A_256 = arith.constant 4096 : i32
        %add3A_257 = arith.addi %add3A_256, %mul3A_252 : i32
        %get3A_258 = arith.index_cast %add3A_257 : i32 to index
        %get3A_259 = tpu.vector_load %arg7[%get3A_258] {strides = array<i32>} : memref<12288xf32, #tpu.memory_space<vmem>>, vector<16xf32>,
        %add3A_260 = arith.constant 7168 : i32
        %add3A_261 = arith.addi %add3A_260, %mul3A_252 : i32
        %get3A_262 = arith.index_cast %add3A_261 : i32 to index
        %get3A_263 = tpu.vector_load %arg7[%get3A_262] {strides = array<i32>} : memref<12288xf32, #tpu.memory_space<vmem>>, vector<16xf32>,
        %add3A_264 = arith.constant 10240 : i32
        %add3A_265 = arith.addi %add3A_264, %mul3A_252 : i32
        %get3A_266 = arith.index_cast %add3A_265 : i32 to index
        %get3A_267 = tpu.vector_load %arg7[%get3A_266] {strides = array<i32>} : memref<12288xf32, #tpu.memory_space<vmem>>, vector<16xf32>,
        %min3A = arith.minimumf %gather3A_137, %get3A_263 : vector<16xf32>
        %max3A = arith.maximumf %gather3A_129, %get3A_255 : vector<16xf32>
        %sub3A_268 = arith.subf %min3A, %max3A : vector<16xf32>
        %max3A_269 = arith.constant 0.000000e+00 : f32
        %max3A_270 = vector.broadcast %max3A_269 : f32 to vector<16xf32>
        %max3A_271 = arith.maximumf %sub3A_268, %max3A_270 : vector<16xf32>
        %min3A_272 = arith.minimumf %gather3A_141, %get3A_267 : vector<16xf32>
        %max3A_273 = arith.maximumf %gather3A_133, %get3A_259 : vector<16xf32>
        %sub3A_274 = arith.subf %min3A_272, %max3A_273 : vector<16xf32>
        %max3A_275 = arith.constant 0.000000e+00 : f32
        %max3A_276 = vector.broadcast %max3A_275 : f32 to vector<16xf32>
        %max3A_277 = arith.maximumf %sub3A_274, %max3A_276 : vector<16xf32>
        %mul3A_278 = arith.mulf %max3A_271, %max3A_277 : vector<16xf32>
        %sub3A_279 = arith.subf %get3A_263, %get3A_255 : vector<16xf32>
        %sub3A_280 = arith.subf %get3A_267, %get3A_259 : vector<16xf32>
        %mul3A_281 = arith.mulf %sub3A_279, %sub3A_280 : vector<16xf32>
        %add3A_282 = arith.addf %mul3A_147, %mul3A_281 : vector<16xf32>
        %sub3A_283 = arith.subf %add3A_282, %mul3A_278 : vector<16xf32>
        %div3A_284 = arith.divf %mul3A_278, %sub3A_283 : vector<16xf32>
        %gt3A = arith.constant 5.500000e-01 : f32
        %gt3A_285 = vector.broadcast %gt3A : f32 to vector<16xf32>
        %gt3A_286 = arith.cmpf ogt, %div3A_284, %gt3A_285 : vector<16xf32>
        %add3A_287 = vector.broadcast %mul3A_252 : i32 to vector<16xi32>
        %add3A_288 = arith.addi %iota3A, %add3A_287 : vector<16xi32>
        %lt3A_289 = arith.cmpi slt, %add3A_288, %while3A_121 : vector<16xi32>
        %and3A = arith.andi %gt3A_286, %lt3A_289 : vector<16xi1>
        %all_reduce_population_count3A = tpu.all_reduce %and3A {dim = 0 : i64, kind = #tpu.reduction_kind<sum>} : vector<16xi1> -> vector<16xi32>
        %all_reduce_ffs3A = tpu.all_reduce %and3A {dim = 0 : i64, kind = #tpu.reduction_kind<find_first_set>} : vector<16xi1> -> vector<16xi32>
        %ge3A = arith.constant 16384 : i32
        %ge3A_290 = vector.broadcast %ge3A : i32 to vector<16xi32>
        %ge3A_291 = arith.cmpi sge, %while3A_250, %ge3A_290 : vector<16xi32>
        %gt3A_292 = arith.constant 0 : i32
        %gt3A_293 = vector.broadcast %gt3A_292 : i32 to vector<16xi32>
        %gt3A_294 = arith.cmpi sgt, %all_reduce_population_count3A, %gt3A_293 : vector<16xi32>
        %and3A_295 = arith.andi %ge3A_291, %gt3A_294 : vector<16xi1>
        %add3A_296 = vector.broadcast %mul3A_252 : i32 to vector<16xi32>
        %add3A_297 = arith.addi %add3A_296, %all_reduce_ffs3A : vector<16xi32>
        %select_n3A_298 = arith.select %and3A_295, %add3A_297, %while3A_250 : vector<16xi1>, vector<16xi32>
        scf.yield %select_n3A_298 : vector<16xi32>
      }
      %lt3A = arith.constant 16384 : i32
      %lt3A_164 = vector.broadcast %lt3A : i32 to vector<16xi32>
      %lt3A_165 = arith.cmpi slt, %while3A_163, %lt3A_164 : vector<16xi32>
      %select_n3A = arith.select %lt3A_165, %while3A_163, %while3A_121 : vector<16xi1>, vector<16xi32>
      %add3A_166 = arith.constant 1024 : i32
      %add3A_167 = vector.broadcast %add3A_166 : i32 to vector<16xi32>
      %add3A_168 = arith.addi %add3A_167, %select_n3A : vector<16xi32>
      %gather3A_169 = tpu.vector_load_idx %arg9[%add3A_168] : memref<3072xf32, #tpu.memory_space<vmem>>[vector<16xi32>], vector<16xf32>,
      %add3A_170 = arith.addf %gather3A_169, %gather3A_145 : vector<16xf32>
      %select_n3A_171 = arith.select %lt3A_165, %add3A_170, %gather3A_145 : vector<16xi1>, vector<16xf32>
      tpu.vector_store_idx %arg9[%add3A_168], %select_n3A_171 : memref<3072xf32, #tpu.memory_space<vmem>>[vector<16xi32>], vector<16xf32>,
      %gather3A_172 = tpu.vector_load_idx %arg10[%add3A_168] : memref<3072xf32, #tpu.memory_space<vmem>>[vector<16xi32>], vector<16xf32>,
      %add3A_173 = arith.constant 1.000000e+00 : f32
      %add3A_174 = vector.broadcast %add3A_173 : f32 to vector<16xf32>
      %add3A_175 = arith.addf %gather3A_172, %add3A_174 : vector<16xf32>
      %jit3A = arith.constant 1.000000e+00 : f32
      %broadcast_in_dim3A_176 = vector.broadcast %jit3A : f32 to vector<16xf32>
      %select_n3A_177 = arith.select %lt3A_165, %add3A_175, %broadcast_in_dim3A_176 : vector<16xi1>, vector<16xf32>
      tpu.vector_store_idx %arg10[%add3A_168], %select_n3A_177 : memref<3072xf32, #tpu.memory_space<vmem>>[vector<16xi32>], vector<16xf32>,
      %add3A_178 = arith.constant 0 : i32
      %add3A_179 = vector.broadcast %add3A_178 : i32 to vector<16xi32>
      %add3A_180 = arith.addi %add3A_179, %add3A_168 : vector<16xi32>
      %gather3A_181 = tpu.vector_load_idx %arg8[%add3A_180] : memref<12288xf32, #tpu.memory_space<vmem>>[vector<16xi32>], vector<16xf32>,
      %mul3A_182 = arith.mulf %gather3A_145, %gather3A_129 : vector<16xf32>
      %add3A_183 = arith.addf %gather3A_181, %mul3A_182 : vector<16xf32>
      %mul3A_184 = arith.mulf %gather3A_145, %gather3A_129 : vector<16xf32>
      %select_n3A_185 = arith.select %lt3A_165, %add3A_183, %mul3A_184 : vector<16xi1>, vector<16xf32>
      %add3A_186 = arith.constant 0 : i32
      %add3A_187 = vector.broadcast %add3A_186 : i32 to vector<16xi32>
      %add3A_188 = arith.addi %add3A_187, %add3A_168 : vector<16xi32>
      tpu.vector_store_idx %arg8[%add3A_188], %select_n3A_185 : memref<12288xf32, #tpu.memory_space<vmem>>[vector<16xi32>], vector<16xf32>,
      %add3A_189 = arith.constant 0 : i32
      %add3A_190 = vector.broadcast %add3A_189 : i32 to vector<16xi32>
      %add3A_191 = arith.addi %add3A_190, %add3A_168 : vector<16xi32>
      %div3A = arith.divf %select_n3A_185, %select_n3A_171 : vector<16xf32>
      tpu.vector_store_idx %arg7[%add3A_191], %div3A : memref<12288xf32, #tpu.memory_space<vmem>>[vector<16xi32>], vector<16xf32>,
      %add3A_192 = arith.constant 3072 : i32
      %add3A_193 = vector.broadcast %add3A_192 : i32 to vector<16xi32>
      %add3A_194 = arith.addi %add3A_193, %add3A_168 : vector<16xi32>
      %gather3A_195 = tpu.vector_load_idx %arg8[%add3A_194] : memref<12288xf32, #tpu.memory_space<vmem>>[vector<16xi32>], vector<16xf32>,
      %mul3A_196 = arith.mulf %gather3A_145, %gather3A_133 : vector<16xf32>
      %add3A_197 = arith.addf %gather3A_195, %mul3A_196 : vector<16xf32>
      %mul3A_198 = arith.mulf %gather3A_145, %gather3A_133 : vector<16xf32>
      %select_n3A_199 = arith.select %lt3A_165, %add3A_197, %mul3A_198 : vector<16xi1>, vector<16xf32>
      %add3A_200 = arith.constant 3072 : i32
      %add3A_201 = vector.broadcast %add3A_200 : i32 to vector<16xi32>
      %add3A_202 = arith.addi %add3A_201, %add3A_168 : vector<16xi32>
      tpu.vector_store_idx %arg8[%add3A_202], %select_n3A_199 : memref<12288xf32, #tpu.memory_space<vmem>>[vector<16xi32>], vector<16xf32>,
      %add3A_203 = arith.constant 3072 : i32
      %add3A_204 = vector.broadcast %add3A_203 : i32 to vector<16xi32>
      %add3A_205 = arith.addi %add3A_204, %add3A_168 : vector<16xi32>
      %div3A_206 = arith.divf %select_n3A_199, %select_n3A_171 : vector<16xf32>
      tpu.vector_store_idx %arg7[%add3A_205], %div3A_206 : memref<12288xf32, #tpu.memory_space<vmem>>[vector<16xi32>], vector<16xf32>,
      %add3A_207 = arith.constant 6144 : i32
      %add3A_208 = vector.broadcast %add3A_207 : i32 to vector<16xi32>
      %add3A_209 = arith.addi %add3A_208, %add3A_168 : vector<16xi32>
      %gather3A_210 = tpu.vector_load_idx %arg8[%add3A_209] : memref<12288xf32, #tpu.memory_space<vmem>>[vector<16xi32>], vector<16xf32>,
      %mul3A_211 = arith.mulf %gather3A_145, %gather3A_137 : vector<16xf32>
      %add3A_212 = arith.addf %gather3A_210, %mul3A_211 : vector<16xf32>
      %mul3A_213 = arith.mulf %gather3A_145, %gather3A_137 : vector<16xf32>
      %select_n3A_214 = arith.select %lt3A_165, %add3A_212, %mul3A_213 : vector<16xi1>, vector<16xf32>
      %add3A_215 = arith.constant 6144 : i32
      %add3A_216 = vector.broadcast %add3A_215 : i32 to vector<16xi32>
      %add3A_217 = arith.addi %add3A_216, %add3A_168 : vector<16xi32>
      tpu.vector_store_idx %arg8[%add3A_217], %select_n3A_214 : memref<12288xf32, #tpu.memory_space<vmem>>[vector<16xi32>], vector<16xf32>,
      %add3A_218 = arith.constant 6144 : i32
      %add3A_219 = vector.broadcast %add3A_218 : i32 to vector<16xi32>
      %add3A_220 = arith.addi %add3A_219, %add3A_168 : vector<16xi32>
      %div3A_221 = arith.divf %select_n3A_214, %select_n3A_171 : vector<16xf32>
      tpu.vector_store_idx %arg7[%add3A_220], %div3A_221 : memref<12288xf32, #tpu.memory_space<vmem>>[vector<16xi32>], vector<16xf32>,
      %add3A_222 = arith.constant 9216 : i32
      %add3A_223 = vector.broadcast %add3A_222 : i32 to vector<16xi32>
      %add3A_224 = arith.addi %add3A_223, %add3A_168 : vector<16xi32>
      %gather3A_225 = tpu.vector_load_idx %arg8[%add3A_224] : memref<12288xf32, #tpu.memory_space<vmem>>[vector<16xi32>], vector<16xf32>,
      %mul3A_226 = arith.mulf %gather3A_145, %gather3A_141 : vector<16xf32>
      %add3A_227 = arith.addf %gather3A_225, %mul3A_226 : vector<16xf32>
      %mul3A_228 = arith.mulf %gather3A_145, %gather3A_141 : vector<16xf32>
      %select_n3A_229 = arith.select %lt3A_165, %add3A_227, %mul3A_228 : vector<16xi1>, vector<16xf32>
      %add3A_230 = arith.constant 9216 : i32
      %add3A_231 = vector.broadcast %add3A_230 : i32 to vector<16xi32>
      %add3A_232 = arith.addi %add3A_231, %add3A_168 : vector<16xi32>
      tpu.vector_store_idx %arg8[%add3A_232], %select_n3A_229 : memref<12288xf32, #tpu.memory_space<vmem>>[vector<16xi32>], vector<16xf32>,
      %add3A_233 = arith.constant 9216 : i32
      %add3A_234 = vector.broadcast %add3A_233 : i32 to vector<16xi32>
      %add3A_235 = arith.addi %add3A_234, %add3A_168 : vector<16xi32>
      %div3A_236 = arith.divf %select_n3A_229, %select_n3A_171 : vector<16xf32>
      tpu.vector_store_idx %arg7[%add3A_235], %div3A_236 : memref<12288xf32, #tpu.memory_space<vmem>>[vector<16xi32>], vector<16xf32>,
      %broadcast_in_dim3A_237 = arith.constant -1 : i32
      %broadcast_in_dim3A_238 = vector.broadcast %broadcast_in_dim3A_237 : i32 to vector<16xi32>
      %select_n3A_239 = arith.select %lt3A_165, %broadcast_in_dim3A_238, %while3A_121 : vector<16xi1>, vector<16xi32>
      %add3A_240 = arith.constant 1024 : i32
      %add3A_241 = vector.broadcast %add3A_240 : i32 to vector<16xi32>
      %add3A_242 = arith.addi %add3A_241, %broadcast_in_dim3A_122 : vector<16xi32>
      tpu.vector_store_idx %arg6[%add3A_242], %select_n3A_239 : memref<3072xi32, #tpu.memory_space<vmem>>[vector<16xi32>], vector<16xi32>,
      %jit3A_243 = arith.constant 0 : i32
      %jit3A_244 = arith.constant 1 : i32
      %broadcast_in_dim3A_245 = vector.broadcast %jit3A_243 : i32 to vector<16xi32>
      %broadcast_in_dim3A_246 = vector.broadcast %jit3A_244 : i32 to vector<16xi32>
      %select_n3A_247 = arith.select %lt3A_165, %broadcast_in_dim3A_245, %broadcast_in_dim3A_246 : vector<16xi1>, vector<16xi32>
      %add3A_248 = arith.addi %while3A_121, %select_n3A_247 : vector<16xi32>
      scf.yield %add3A_248 : vector<16xi32>
    }
    %broadcast_in_dim3A_63 = arith.constant 0 : i32
    %broadcast_in_dim3A_64 = vector.broadcast %broadcast_in_dim3A_63 : i32 to vector<16xi32>
    %while3A_65 = arith.constant 0 : i32
    %while3A_66 = arith.subi %reduce_max3A_37, %while3A_65 : i32
    %while3A_67 = arith.addi %while3A_65, %while3A_66 : i32
    %while3A_68 = arith.constant 1 : i32
    %while3A_69 = arith.divsi %while3A_66, %while3A_68 : i32
    %while3A_70 = arith.muli %while3A_69, %while3A_68 : i32
    %while3A_71 = arith.addi %while3A_65, %while3A_70 : i32
    %while3A_72 = arith.constant 1 : i32
    %while3A_73 = scf.for %while3A_120 = %while3A_65 to %while3A_71 step %while3A_72 iter_args(%while3A_121 = %broadcast_in_dim3A_64) -> (vector<16xi32>)  : i32 {
      %broadcast_in_dim3A_122 = vector.broadcast %while3A_120 : i32 to vector<16xi32>
      %add3A_123 = arith.constant 2048 : i32
      %add3A_124 = vector.broadcast %add3A_123 : i32 to vector<16xi32>
      %add3A_125 = arith.addi %add3A_124, %broadcast_in_dim3A_122 : vector<16xi32>
      %gather3A = tpu.vector_load_idx %arg5[%add3A_125] : memref<3088xi32, #tpu.memory_space<vmem>>[vector<16xi32>], vector<16xi32>,
      %mul3A_126 = arith.constant 6 : i32
      %mul3A_127 = vector.broadcast %mul3A_126 : i32 to vector<16xi32>
      %mul3A_128 = arith.muli %gather3A, %mul3A_127 : vector<16xi32>
      %gather3A_129 = tpu.vector_load_idx %arg4[%mul3A_128] : memref<7200xf32, #tpu.memory_space<vmem>>[vector<16xi32>], vector<16xf32>,
      %add3A_130 = arith.constant 1 : i32
      %add3A_131 = vector.broadcast %add3A_130 : i32 to vector<16xi32>
      %add3A_132 = arith.addi %mul3A_128, %add3A_131 : vector<16xi32>
      %gather3A_133 = tpu.vector_load_idx %arg4[%add3A_132] : memref<7200xf32, #tpu.memory_space<vmem>>[vector<16xi32>], vector<16xf32>,
      %add3A_134 = arith.constant 2 : i32
      %add3A_135 = vector.broadcast %add3A_134 : i32 to vector<16xi32>
      %add3A_136 = arith.addi %mul3A_128, %add3A_135 : vector<16xi32>
      %gather3A_137 = tpu.vector_load_idx %arg4[%add3A_136] : memref<7200xf32, #tpu.memory_space<vmem>>[vector<16xi32>], vector<16xf32>,
      %add3A_138 = arith.constant 3 : i32
      %add3A_139 = vector.broadcast %add3A_138 : i32 to vector<16xi32>
      %add3A_140 = arith.addi %mul3A_128, %add3A_139 : vector<16xi32>
      %gather3A_141 = tpu.vector_load_idx %arg4[%add3A_140] : memref<7200xf32, #tpu.memory_space<vmem>>[vector<16xi32>], vector<16xf32>,
      %add3A_142 = arith.constant 4 : i32
      %add3A_143 = vector.broadcast %add3A_142 : i32 to vector<16xi32>
      %add3A_144 = arith.addi %mul3A_128, %add3A_143 : vector<16xi32>
      %gather3A_145 = tpu.vector_load_idx %arg4[%add3A_144] : memref<7200xf32, #tpu.memory_space<vmem>>[vector<16xi32>], vector<16xf32>,
      %sub3A = arith.subf %gather3A_137, %gather3A_129 : vector<16xf32>
      %sub3A_146 = arith.subf %gather3A_141, %gather3A_133 : vector<16xf32>
      %mul3A_147 = arith.mulf %sub3A, %sub3A_146 : vector<16xf32>
      %shift_right_arithmetic3A = arith.constant 4 : i32
      %shift_right_arithmetic3A_148 = arith.shrsi %while3A_120, %shift_right_arithmetic3A : i32
      %add3A_149 = arith.constant 1 : i32
      %add3A_150 = arith.addi %shift_right_arithmetic3A_148, %add3A_149 : i32
      %broadcast_in_dim3A_151 = arith.constant 16384 : i32
      %broadcast_in_dim3A_152 = vector.broadcast %broadcast_in_dim3A_151 : i32 to vector<16xi32>
      %while3A_153 = arith.constant 0 : i32
      %while3A_154 = arith.subi %add3A_150, %while3A_153 : i32
      %while3A_155 = arith.addi %while3A_153, %while3A_154 : i32
      %while3A_156 = arith.constant 1 : i32
      %while3A_157 = arith.divsi %while3A_154, %while3A_156 : i32
      %while3A_158 = arith.muli %while3A_157, %while3A_156 : i32
      %while3A_159 = arith.addi %while3A_153, %while3A_158 : i32
      %while3A_160 = arith.constant 1 : i32
      %while3A_161 = scf.for %while3A_249 = %while3A_153 to %while3A_159 step %while3A_160 iter_args(%while3A_250 = %broadcast_in_dim3A_152) -> (vector<16xi32>)  : i32 {
        %mul3A_251 = arith.constant 16 : i32
        %mul3A_252 = arith.muli %while3A_249, %mul3A_251 : i32
        %add3A_253 = arith.constant 2048 : i32
        %add3A_254 = arith.addi %add3A_253, %mul3A_252 : i32
        %get3A = arith.index_cast %add3A_254 : i32 to index
        %get3A_255 = tpu.vector_load %arg7[%get3A] {strides = array<i32>} : memref<12288xf32, #tpu.memory_space<vmem>>, vector<16xf32>,
        %add3A_256 = arith.constant 5120 : i32
        %add3A_257 = arith.addi %add3A_256, %mul3A_252 : i32
        %get3A_258 = arith.index_cast %add3A_257 : i32 to index
        %get3A_259 = tpu.vector_load %arg7[%get3A_258] {strides = array<i32>} : memref<12288xf32, #tpu.memory_space<vmem>>, vector<16xf32>,
        %add3A_260 = arith.constant 8192 : i32
        %add3A_261 = arith.addi %add3A_260, %mul3A_252 : i32
        %get3A_262 = arith.index_cast %add3A_261 : i32 to index
        %get3A_263 = tpu.vector_load %arg7[%get3A_262] {strides = array<i32>} : memref<12288xf32, #tpu.memory_space<vmem>>, vector<16xf32>,
        %add3A_264 = arith.constant 11264 : i32
        %add3A_265 = arith.addi %add3A_264, %mul3A_252 : i32
        %get3A_266 = arith.index_cast %add3A_265 : i32 to index
        %get3A_267 = tpu.vector_load %arg7[%get3A_266] {strides = array<i32>} : memref<12288xf32, #tpu.memory_space<vmem>>, vector<16xf32>,
        %min3A = arith.minimumf %gather3A_137, %get3A_263 : vector<16xf32>
        %max3A = arith.maximumf %gather3A_129, %get3A_255 : vector<16xf32>
        %sub3A_268 = arith.subf %min3A, %max3A : vector<16xf32>
        %max3A_269 = arith.constant 0.000000e+00 : f32
        %max3A_270 = vector.broadcast %max3A_269 : f32 to vector<16xf32>
        %max3A_271 = arith.maximumf %sub3A_268, %max3A_270 : vector<16xf32>
        %min3A_272 = arith.minimumf %gather3A_141, %get3A_267 : vector<16xf32>
        %max3A_273 = arith.maximumf %gather3A_133, %get3A_259 : vector<16xf32>
        %sub3A_274 = arith.subf %min3A_272, %max3A_273 : vector<16xf32>
        %max3A_275 = arith.constant 0.000000e+00 : f32
        %max3A_276 = vector.broadcast %max3A_275 : f32 to vector<16xf32>
        %max3A_277 = arith.maximumf %sub3A_274, %max3A_276 : vector<16xf32>
        %mul3A_278 = arith.mulf %max3A_271, %max3A_277 : vector<16xf32>
        %sub3A_279 = arith.subf %get3A_263, %get3A_255 : vector<16xf32>
        %sub3A_280 = arith.subf %get3A_267, %get3A_259 : vector<16xf32>
        %mul3A_281 = arith.mulf %sub3A_279, %sub3A_280 : vector<16xf32>
        %add3A_282 = arith.addf %mul3A_147, %mul3A_281 : vector<16xf32>
        %sub3A_283 = arith.subf %add3A_282, %mul3A_278 : vector<16xf32>
        %div3A_284 = arith.divf %mul3A_278, %sub3A_283 : vector<16xf32>
        %gt3A = arith.constant 5.500000e-01 : f32
        %gt3A_285 = vector.broadcast %gt3A : f32 to vector<16xf32>
        %gt3A_286 = arith.cmpf ogt, %div3A_284, %gt3A_285 : vector<16xf32>
        %add3A_287 = vector.broadcast %mul3A_252 : i32 to vector<16xi32>
        %add3A_288 = arith.addi %iota3A, %add3A_287 : vector<16xi32>
        %lt3A_289 = arith.cmpi slt, %add3A_288, %while3A_121 : vector<16xi32>
        %and3A = arith.andi %gt3A_286, %lt3A_289 : vector<16xi1>
        %all_reduce_population_count3A = tpu.all_reduce %and3A {dim = 0 : i64, kind = #tpu.reduction_kind<sum>} : vector<16xi1> -> vector<16xi32>
        %all_reduce_ffs3A = tpu.all_reduce %and3A {dim = 0 : i64, kind = #tpu.reduction_kind<find_first_set>} : vector<16xi1> -> vector<16xi32>
        %ge3A = arith.constant 16384 : i32
        %ge3A_290 = vector.broadcast %ge3A : i32 to vector<16xi32>
        %ge3A_291 = arith.cmpi sge, %while3A_250, %ge3A_290 : vector<16xi32>
        %gt3A_292 = arith.constant 0 : i32
        %gt3A_293 = vector.broadcast %gt3A_292 : i32 to vector<16xi32>
        %gt3A_294 = arith.cmpi sgt, %all_reduce_population_count3A, %gt3A_293 : vector<16xi32>
        %and3A_295 = arith.andi %ge3A_291, %gt3A_294 : vector<16xi1>
        %add3A_296 = vector.broadcast %mul3A_252 : i32 to vector<16xi32>
        %add3A_297 = arith.addi %add3A_296, %all_reduce_ffs3A : vector<16xi32>
        %select_n3A_298 = arith.select %and3A_295, %add3A_297, %while3A_250 : vector<16xi1>, vector<16xi32>
        scf.yield %select_n3A_298 : vector<16xi32>
      }
      %while3A_162 = arith.constant 1 : i32
      %while3A_163 = scf.for %while3A_249 = %while3A_159 to %while3A_155 step %while3A_162 iter_args(%while3A_250 = %while3A_161) -> (vector<16xi32>)  : i32 {
        %mul3A_251 = arith.constant 16 : i32
        %mul3A_252 = arith.muli %while3A_249, %mul3A_251 : i32
        %add3A_253 = arith.constant 2048 : i32
        %add3A_254 = arith.addi %add3A_253, %mul3A_252 : i32
        %get3A = arith.index_cast %add3A_254 : i32 to index
        %get3A_255 = tpu.vector_load %arg7[%get3A] {strides = array<i32>} : memref<12288xf32, #tpu.memory_space<vmem>>, vector<16xf32>,
        %add3A_256 = arith.constant 5120 : i32
        %add3A_257 = arith.addi %add3A_256, %mul3A_252 : i32
        %get3A_258 = arith.index_cast %add3A_257 : i32 to index
        %get3A_259 = tpu.vector_load %arg7[%get3A_258] {strides = array<i32>} : memref<12288xf32, #tpu.memory_space<vmem>>, vector<16xf32>,
        %add3A_260 = arith.constant 8192 : i32
        %add3A_261 = arith.addi %add3A_260, %mul3A_252 : i32
        %get3A_262 = arith.index_cast %add3A_261 : i32 to index
        %get3A_263 = tpu.vector_load %arg7[%get3A_262] {strides = array<i32>} : memref<12288xf32, #tpu.memory_space<vmem>>, vector<16xf32>,
        %add3A_264 = arith.constant 11264 : i32
        %add3A_265 = arith.addi %add3A_264, %mul3A_252 : i32
        %get3A_266 = arith.index_cast %add3A_265 : i32 to index
        %get3A_267 = tpu.vector_load %arg7[%get3A_266] {strides = array<i32>} : memref<12288xf32, #tpu.memory_space<vmem>>, vector<16xf32>,
        %min3A = arith.minimumf %gather3A_137, %get3A_263 : vector<16xf32>
        %max3A = arith.maximumf %gather3A_129, %get3A_255 : vector<16xf32>
        %sub3A_268 = arith.subf %min3A, %max3A : vector<16xf32>
        %max3A_269 = arith.constant 0.000000e+00 : f32
        %max3A_270 = vector.broadcast %max3A_269 : f32 to vector<16xf32>
        %max3A_271 = arith.maximumf %sub3A_268, %max3A_270 : vector<16xf32>
        %min3A_272 = arith.minimumf %gather3A_141, %get3A_267 : vector<16xf32>
        %max3A_273 = arith.maximumf %gather3A_133, %get3A_259 : vector<16xf32>
        %sub3A_274 = arith.subf %min3A_272, %max3A_273 : vector<16xf32>
        %max3A_275 = arith.constant 0.000000e+00 : f32
        %max3A_276 = vector.broadcast %max3A_275 : f32 to vector<16xf32>
        %max3A_277 = arith.maximumf %sub3A_274, %max3A_276 : vector<16xf32>
        %mul3A_278 = arith.mulf %max3A_271, %max3A_277 : vector<16xf32>
        %sub3A_279 = arith.subf %get3A_263, %get3A_255 : vector<16xf32>
        %sub3A_280 = arith.subf %get3A_267, %get3A_259 : vector<16xf32>
        %mul3A_281 = arith.mulf %sub3A_279, %sub3A_280 : vector<16xf32>
        %add3A_282 = arith.addf %mul3A_147, %mul3A_281 : vector<16xf32>
        %sub3A_283 = arith.subf %add3A_282, %mul3A_278 : vector<16xf32>
        %div3A_284 = arith.divf %mul3A_278, %sub3A_283 : vector<16xf32>
        %gt3A = arith.constant 5.500000e-01 : f32
        %gt3A_285 = vector.broadcast %gt3A : f32 to vector<16xf32>
        %gt3A_286 = arith.cmpf ogt, %div3A_284, %gt3A_285 : vector<16xf32>
        %add3A_287 = vector.broadcast %mul3A_252 : i32 to vector<16xi32>
        %add3A_288 = arith.addi %iota3A, %add3A_287 : vector<16xi32>
        %lt3A_289 = arith.cmpi slt, %add3A_288, %while3A_121 : vector<16xi32>
        %and3A = arith.andi %gt3A_286, %lt3A_289 : vector<16xi1>
        %all_reduce_population_count3A = tpu.all_reduce %and3A {dim = 0 : i64, kind = #tpu.reduction_kind<sum>} : vector<16xi1> -> vector<16xi32>
        %all_reduce_ffs3A = tpu.all_reduce %and3A {dim = 0 : i64, kind = #tpu.reduction_kind<find_first_set>} : vector<16xi1> -> vector<16xi32>
        %ge3A = arith.constant 16384 : i32
        %ge3A_290 = vector.broadcast %ge3A : i32 to vector<16xi32>
        %ge3A_291 = arith.cmpi sge, %while3A_250, %ge3A_290 : vector<16xi32>
        %gt3A_292 = arith.constant 0 : i32
        %gt3A_293 = vector.broadcast %gt3A_292 : i32 to vector<16xi32>
        %gt3A_294 = arith.cmpi sgt, %all_reduce_population_count3A, %gt3A_293 : vector<16xi32>
        %and3A_295 = arith.andi %ge3A_291, %gt3A_294 : vector<16xi1>
        %add3A_296 = vector.broadcast %mul3A_252 : i32 to vector<16xi32>
        %add3A_297 = arith.addi %add3A_296, %all_reduce_ffs3A : vector<16xi32>
        %select_n3A_298 = arith.select %and3A_295, %add3A_297, %while3A_250 : vector<16xi1>, vector<16xi32>
        scf.yield %select_n3A_298 : vector<16xi32>
      }
      %lt3A = arith.constant 16384 : i32
      %lt3A_164 = vector.broadcast %lt3A : i32 to vector<16xi32>
      %lt3A_165 = arith.cmpi slt, %while3A_163, %lt3A_164 : vector<16xi32>
      %select_n3A = arith.select %lt3A_165, %while3A_163, %while3A_121 : vector<16xi1>, vector<16xi32>
      %add3A_166 = arith.constant 2048 : i32
      %add3A_167 = vector.broadcast %add3A_166 : i32 to vector<16xi32>
      %add3A_168 = arith.addi %add3A_167, %select_n3A : vector<16xi32>
      %gather3A_169 = tpu.vector_load_idx %arg9[%add3A_168] : memref<3072xf32, #tpu.memory_space<vmem>>[vector<16xi32>], vector<16xf32>,
      %add3A_170 = arith.addf %gather3A_169, %gather3A_145 : vector<16xf32>
      %select_n3A_171 = arith.select %lt3A_165, %add3A_170, %gather3A_145 : vector<16xi1>, vector<16xf32>
      tpu.vector_store_idx %arg9[%add3A_168], %select_n3A_171 : memref<3072xf32, #tpu.memory_space<vmem>>[vector<16xi32>], vector<16xf32>,
      %gather3A_172 = tpu.vector_load_idx %arg10[%add3A_168] : memref<3072xf32, #tpu.memory_space<vmem>>[vector<16xi32>], vector<16xf32>,
      %add3A_173 = arith.constant 1.000000e+00 : f32
      %add3A_174 = vector.broadcast %add3A_173 : f32 to vector<16xf32>
      %add3A_175 = arith.addf %gather3A_172, %add3A_174 : vector<16xf32>
      %jit3A = arith.constant 1.000000e+00 : f32
      %broadcast_in_dim3A_176 = vector.broadcast %jit3A : f32 to vector<16xf32>
      %select_n3A_177 = arith.select %lt3A_165, %add3A_175, %broadcast_in_dim3A_176 : vector<16xi1>, vector<16xf32>
      tpu.vector_store_idx %arg10[%add3A_168], %select_n3A_177 : memref<3072xf32, #tpu.memory_space<vmem>>[vector<16xi32>], vector<16xf32>,
      %add3A_178 = arith.constant 0 : i32
      %add3A_179 = vector.broadcast %add3A_178 : i32 to vector<16xi32>
      %add3A_180 = arith.addi %add3A_179, %add3A_168 : vector<16xi32>
      %gather3A_181 = tpu.vector_load_idx %arg8[%add3A_180] : memref<12288xf32, #tpu.memory_space<vmem>>[vector<16xi32>], vector<16xf32>,
      %mul3A_182 = arith.mulf %gather3A_145, %gather3A_129 : vector<16xf32>
      %add3A_183 = arith.addf %gather3A_181, %mul3A_182 : vector<16xf32>
      %mul3A_184 = arith.mulf %gather3A_145, %gather3A_129 : vector<16xf32>
      %select_n3A_185 = arith.select %lt3A_165, %add3A_183, %mul3A_184 : vector<16xi1>, vector<16xf32>
      %add3A_186 = arith.constant 0 : i32
      %add3A_187 = vector.broadcast %add3A_186 : i32 to vector<16xi32>
      %add3A_188 = arith.addi %add3A_187, %add3A_168 : vector<16xi32>
      tpu.vector_store_idx %arg8[%add3A_188], %select_n3A_185 : memref<12288xf32, #tpu.memory_space<vmem>>[vector<16xi32>], vector<16xf32>,
      %add3A_189 = arith.constant 0 : i32
      %add3A_190 = vector.broadcast %add3A_189 : i32 to vector<16xi32>
      %add3A_191 = arith.addi %add3A_190, %add3A_168 : vector<16xi32>
      %div3A = arith.divf %select_n3A_185, %select_n3A_171 : vector<16xf32>
      tpu.vector_store_idx %arg7[%add3A_191], %div3A : memref<12288xf32, #tpu.memory_space<vmem>>[vector<16xi32>], vector<16xf32>,
      %add3A_192 = arith.constant 3072 : i32
      %add3A_193 = vector.broadcast %add3A_192 : i32 to vector<16xi32>
      %add3A_194 = arith.addi %add3A_193, %add3A_168 : vector<16xi32>
      %gather3A_195 = tpu.vector_load_idx %arg8[%add3A_194] : memref<12288xf32, #tpu.memory_space<vmem>>[vector<16xi32>], vector<16xf32>,
      %mul3A_196 = arith.mulf %gather3A_145, %gather3A_133 : vector<16xf32>
      %add3A_197 = arith.addf %gather3A_195, %mul3A_196 : vector<16xf32>
      %mul3A_198 = arith.mulf %gather3A_145, %gather3A_133 : vector<16xf32>
      %select_n3A_199 = arith.select %lt3A_165, %add3A_197, %mul3A_198 : vector<16xi1>, vector<16xf32>
      %add3A_200 = arith.constant 3072 : i32
      %add3A_201 = vector.broadcast %add3A_200 : i32 to vector<16xi32>
      %add3A_202 = arith.addi %add3A_201, %add3A_168 : vector<16xi32>
      tpu.vector_store_idx %arg8[%add3A_202], %select_n3A_199 : memref<12288xf32, #tpu.memory_space<vmem>>[vector<16xi32>], vector<16xf32>,
      %add3A_203 = arith.constant 3072 : i32
      %add3A_204 = vector.broadcast %add3A_203 : i32 to vector<16xi32>
      %add3A_205 = arith.addi %add3A_204, %add3A_168 : vector<16xi32>
      %div3A_206 = arith.divf %select_n3A_199, %select_n3A_171 : vector<16xf32>
      tpu.vector_store_idx %arg7[%add3A_205], %div3A_206 : memref<12288xf32, #tpu.memory_space<vmem>>[vector<16xi32>], vector<16xf32>,
      %add3A_207 = arith.constant 6144 : i32
      %add3A_208 = vector.broadcast %add3A_207 : i32 to vector<16xi32>
      %add3A_209 = arith.addi %add3A_208, %add3A_168 : vector<16xi32>
      %gather3A_210 = tpu.vector_load_idx %arg8[%add3A_209] : memref<12288xf32, #tpu.memory_space<vmem>>[vector<16xi32>], vector<16xf32>,
      %mul3A_211 = arith.mulf %gather3A_145, %gather3A_137 : vector<16xf32>
      %add3A_212 = arith.addf %gather3A_210, %mul3A_211 : vector<16xf32>
      %mul3A_213 = arith.mulf %gather3A_145, %gather3A_137 : vector<16xf32>
      %select_n3A_214 = arith.select %lt3A_165, %add3A_212, %mul3A_213 : vector<16xi1>, vector<16xf32>
      %add3A_215 = arith.constant 6144 : i32
      %add3A_216 = vector.broadcast %add3A_215 : i32 to vector<16xi32>
      %add3A_217 = arith.addi %add3A_216, %add3A_168 : vector<16xi32>
      tpu.vector_store_idx %arg8[%add3A_217], %select_n3A_214 : memref<12288xf32, #tpu.memory_space<vmem>>[vector<16xi32>], vector<16xf32>,
      %add3A_218 = arith.constant 6144 : i32
      %add3A_219 = vector.broadcast %add3A_218 : i32 to vector<16xi32>
      %add3A_220 = arith.addi %add3A_219, %add3A_168 : vector<16xi32>
      %div3A_221 = arith.divf %select_n3A_214, %select_n3A_171 : vector<16xf32>
      tpu.vector_store_idx %arg7[%add3A_220], %div3A_221 : memref<12288xf32, #tpu.memory_space<vmem>>[vector<16xi32>], vector<16xf32>,
      %add3A_222 = arith.constant 9216 : i32
      %add3A_223 = vector.broadcast %add3A_222 : i32 to vector<16xi32>
      %add3A_224 = arith.addi %add3A_223, %add3A_168 : vector<16xi32>
      %gather3A_225 = tpu.vector_load_idx %arg8[%add3A_224] : memref<12288xf32, #tpu.memory_space<vmem>>[vector<16xi32>], vector<16xf32>,
      %mul3A_226 = arith.mulf %gather3A_145, %gather3A_141 : vector<16xf32>
      %add3A_227 = arith.addf %gather3A_225, %mul3A_226 : vector<16xf32>
      %mul3A_228 = arith.mulf %gather3A_145, %gather3A_141 : vector<16xf32>
      %select_n3A_229 = arith.select %lt3A_165, %add3A_227, %mul3A_228 : vector<16xi1>, vector<16xf32>
      %add3A_230 = arith.constant 9216 : i32
      %add3A_231 = vector.broadcast %add3A_230 : i32 to vector<16xi32>
      %add3A_232 = arith.addi %add3A_231, %add3A_168 : vector<16xi32>
      tpu.vector_store_idx %arg8[%add3A_232], %select_n3A_229 : memref<12288xf32, #tpu.memory_space<vmem>>[vector<16xi32>], vector<16xf32>,
      %add3A_233 = arith.constant 9216 : i32
      %add3A_234 = vector.broadcast %add3A_233 : i32 to vector<16xi32>
      %add3A_235 = arith.addi %add3A_234, %add3A_168 : vector<16xi32>
      %div3A_236 = arith.divf %select_n3A_229, %select_n3A_171 : vector<16xf32>
      tpu.vector_store_idx %arg7[%add3A_235], %div3A_236 : memref<12288xf32, #tpu.memory_space<vmem>>[vector<16xi32>], vector<16xf32>,
      %broadcast_in_dim3A_237 = arith.constant -1 : i32
      %broadcast_in_dim3A_238 = vector.broadcast %broadcast_in_dim3A_237 : i32 to vector<16xi32>
      %select_n3A_239 = arith.select %lt3A_165, %broadcast_in_dim3A_238, %while3A_121 : vector<16xi1>, vector<16xi32>
      %add3A_240 = arith.constant 2048 : i32
      %add3A_241 = vector.broadcast %add3A_240 : i32 to vector<16xi32>
      %add3A_242 = arith.addi %add3A_241, %broadcast_in_dim3A_122 : vector<16xi32>
      tpu.vector_store_idx %arg6[%add3A_242], %select_n3A_239 : memref<3072xi32, #tpu.memory_space<vmem>>[vector<16xi32>], vector<16xi32>,
      %jit3A_243 = arith.constant 0 : i32
      %jit3A_244 = arith.constant 1 : i32
      %broadcast_in_dim3A_245 = vector.broadcast %jit3A_243 : i32 to vector<16xi32>
      %broadcast_in_dim3A_246 = vector.broadcast %jit3A_244 : i32 to vector<16xi32>
      %select_n3A_247 = arith.select %lt3A_165, %broadcast_in_dim3A_245, %broadcast_in_dim3A_246 : vector<16xi1>, vector<16xi32>
      %add3A_248 = arith.addi %while3A_121, %select_n3A_247 : vector<16xi32>
      scf.yield %add3A_248 : vector<16xi32>
    }
    %while3A_74 = arith.constant 1 : i32
    %while3A_75 = scf.for %while3A_120 = %while3A_71 to %while3A_67 step %while3A_74 iter_args(%while3A_121 = %while3A_73) -> (vector<16xi32>)  : i32 {
      %broadcast_in_dim3A_122 = vector.broadcast %while3A_120 : i32 to vector<16xi32>
      %add3A_123 = arith.constant 2048 : i32
      %add3A_124 = vector.broadcast %add3A_123 : i32 to vector<16xi32>
      %add3A_125 = arith.addi %add3A_124, %broadcast_in_dim3A_122 : vector<16xi32>
      %gather3A = tpu.vector_load_idx %arg5[%add3A_125] : memref<3088xi32, #tpu.memory_space<vmem>>[vector<16xi32>], vector<16xi32>,
      %mul3A_126 = arith.constant 6 : i32
      %mul3A_127 = vector.broadcast %mul3A_126 : i32 to vector<16xi32>
      %mul3A_128 = arith.muli %gather3A, %mul3A_127 : vector<16xi32>
      %gather3A_129 = tpu.vector_load_idx %arg4[%mul3A_128] : memref<7200xf32, #tpu.memory_space<vmem>>[vector<16xi32>], vector<16xf32>,
      %add3A_130 = arith.constant 1 : i32
      %add3A_131 = vector.broadcast %add3A_130 : i32 to vector<16xi32>
      %add3A_132 = arith.addi %mul3A_128, %add3A_131 : vector<16xi32>
      %gather3A_133 = tpu.vector_load_idx %arg4[%add3A_132] : memref<7200xf32, #tpu.memory_space<vmem>>[vector<16xi32>], vector<16xf32>,
      %add3A_134 = arith.constant 2 : i32
      %add3A_135 = vector.broadcast %add3A_134 : i32 to vector<16xi32>
      %add3A_136 = arith.addi %mul3A_128, %add3A_135 : vector<16xi32>
      %gather3A_137 = tpu.vector_load_idx %arg4[%add3A_136] : memref<7200xf32, #tpu.memory_space<vmem>>[vector<16xi32>], vector<16xf32>,
      %add3A_138 = arith.constant 3 : i32
      %add3A_139 = vector.broadcast %add3A_138 : i32 to vector<16xi32>
      %add3A_140 = arith.addi %mul3A_128, %add3A_139 : vector<16xi32>
      %gather3A_141 = tpu.vector_load_idx %arg4[%add3A_140] : memref<7200xf32, #tpu.memory_space<vmem>>[vector<16xi32>], vector<16xf32>,
      %add3A_142 = arith.constant 4 : i32
      %add3A_143 = vector.broadcast %add3A_142 : i32 to vector<16xi32>
      %add3A_144 = arith.addi %mul3A_128, %add3A_143 : vector<16xi32>
      %gather3A_145 = tpu.vector_load_idx %arg4[%add3A_144] : memref<7200xf32, #tpu.memory_space<vmem>>[vector<16xi32>], vector<16xf32>,
      %sub3A = arith.subf %gather3A_137, %gather3A_129 : vector<16xf32>
      %sub3A_146 = arith.subf %gather3A_141, %gather3A_133 : vector<16xf32>
      %mul3A_147 = arith.mulf %sub3A, %sub3A_146 : vector<16xf32>
      %shift_right_arithmetic3A = arith.constant 4 : i32
      %shift_right_arithmetic3A_148 = arith.shrsi %while3A_120, %shift_right_arithmetic3A : i32
      %add3A_149 = arith.constant 1 : i32
      %add3A_150 = arith.addi %shift_right_arithmetic3A_148, %add3A_149 : i32
      %broadcast_in_dim3A_151 = arith.constant 16384 : i32
      %broadcast_in_dim3A_152 = vector.broadcast %broadcast_in_dim3A_151 : i32 to vector<16xi32>
      %while3A_153 = arith.constant 0 : i32
      %while3A_154 = arith.subi %add3A_150, %while3A_153 : i32
      %while3A_155 = arith.addi %while3A_153, %while3A_154 : i32
      %while3A_156 = arith.constant 1 : i32
      %while3A_157 = arith.divsi %while3A_154, %while3A_156 : i32
      %while3A_158 = arith.muli %while3A_157, %while3A_156 : i32
      %while3A_159 = arith.addi %while3A_153, %while3A_158 : i32
      %while3A_160 = arith.constant 1 : i32
      %while3A_161 = scf.for %while3A_249 = %while3A_153 to %while3A_159 step %while3A_160 iter_args(%while3A_250 = %broadcast_in_dim3A_152) -> (vector<16xi32>)  : i32 {
        %mul3A_251 = arith.constant 16 : i32
        %mul3A_252 = arith.muli %while3A_249, %mul3A_251 : i32
        %add3A_253 = arith.constant 2048 : i32
        %add3A_254 = arith.addi %add3A_253, %mul3A_252 : i32
        %get3A = arith.index_cast %add3A_254 : i32 to index
        %get3A_255 = tpu.vector_load %arg7[%get3A] {strides = array<i32>} : memref<12288xf32, #tpu.memory_space<vmem>>, vector<16xf32>,
        %add3A_256 = arith.constant 5120 : i32
        %add3A_257 = arith.addi %add3A_256, %mul3A_252 : i32
        %get3A_258 = arith.index_cast %add3A_257 : i32 to index
        %get3A_259 = tpu.vector_load %arg7[%get3A_258] {strides = array<i32>} : memref<12288xf32, #tpu.memory_space<vmem>>, vector<16xf32>,
        %add3A_260 = arith.constant 8192 : i32
        %add3A_261 = arith.addi %add3A_260, %mul3A_252 : i32
        %get3A_262 = arith.index_cast %add3A_261 : i32 to index
        %get3A_263 = tpu.vector_load %arg7[%get3A_262] {strides = array<i32>} : memref<12288xf32, #tpu.memory_space<vmem>>, vector<16xf32>,
        %add3A_264 = arith.constant 11264 : i32
        %add3A_265 = arith.addi %add3A_264, %mul3A_252 : i32
        %get3A_266 = arith.index_cast %add3A_265 : i32 to index
        %get3A_267 = tpu.vector_load %arg7[%get3A_266] {strides = array<i32>} : memref<12288xf32, #tpu.memory_space<vmem>>, vector<16xf32>,
        %min3A = arith.minimumf %gather3A_137, %get3A_263 : vector<16xf32>
        %max3A = arith.maximumf %gather3A_129, %get3A_255 : vector<16xf32>
        %sub3A_268 = arith.subf %min3A, %max3A : vector<16xf32>
        %max3A_269 = arith.constant 0.000000e+00 : f32
        %max3A_270 = vector.broadcast %max3A_269 : f32 to vector<16xf32>
        %max3A_271 = arith.maximumf %sub3A_268, %max3A_270 : vector<16xf32>
        %min3A_272 = arith.minimumf %gather3A_141, %get3A_267 : vector<16xf32>
        %max3A_273 = arith.maximumf %gather3A_133, %get3A_259 : vector<16xf32>
        %sub3A_274 = arith.subf %min3A_272, %max3A_273 : vector<16xf32>
        %max3A_275 = arith.constant 0.000000e+00 : f32
        %max3A_276 = vector.broadcast %max3A_275 : f32 to vector<16xf32>
        %max3A_277 = arith.maximumf %sub3A_274, %max3A_276 : vector<16xf32>
        %mul3A_278 = arith.mulf %max3A_271, %max3A_277 : vector<16xf32>
        %sub3A_279 = arith.subf %get3A_263, %get3A_255 : vector<16xf32>
        %sub3A_280 = arith.subf %get3A_267, %get3A_259 : vector<16xf32>
        %mul3A_281 = arith.mulf %sub3A_279, %sub3A_280 : vector<16xf32>
        %add3A_282 = arith.addf %mul3A_147, %mul3A_281 : vector<16xf32>
        %sub3A_283 = arith.subf %add3A_282, %mul3A_278 : vector<16xf32>
        %div3A_284 = arith.divf %mul3A_278, %sub3A_283 : vector<16xf32>
        %gt3A = arith.constant 5.500000e-01 : f32
        %gt3A_285 = vector.broadcast %gt3A : f32 to vector<16xf32>
        %gt3A_286 = arith.cmpf ogt, %div3A_284, %gt3A_285 : vector<16xf32>
        %add3A_287 = vector.broadcast %mul3A_252 : i32 to vector<16xi32>
        %add3A_288 = arith.addi %iota3A, %add3A_287 : vector<16xi32>
        %lt3A_289 = arith.cmpi slt, %add3A_288, %while3A_121 : vector<16xi32>
        %and3A = arith.andi %gt3A_286, %lt3A_289 : vector<16xi1>
        %all_reduce_population_count3A = tpu.all_reduce %and3A {dim = 0 : i64, kind = #tpu.reduction_kind<sum>} : vector<16xi1> -> vector<16xi32>
        %all_reduce_ffs3A = tpu.all_reduce %and3A {dim = 0 : i64, kind = #tpu.reduction_kind<find_first_set>} : vector<16xi1> -> vector<16xi32>
        %ge3A = arith.constant 16384 : i32
        %ge3A_290 = vector.broadcast %ge3A : i32 to vector<16xi32>
        %ge3A_291 = arith.cmpi sge, %while3A_250, %ge3A_290 : vector<16xi32>
        %gt3A_292 = arith.constant 0 : i32
        %gt3A_293 = vector.broadcast %gt3A_292 : i32 to vector<16xi32>
        %gt3A_294 = arith.cmpi sgt, %all_reduce_population_count3A, %gt3A_293 : vector<16xi32>
        %and3A_295 = arith.andi %ge3A_291, %gt3A_294 : vector<16xi1>
        %add3A_296 = vector.broadcast %mul3A_252 : i32 to vector<16xi32>
        %add3A_297 = arith.addi %add3A_296, %all_reduce_ffs3A : vector<16xi32>
        %select_n3A_298 = arith.select %and3A_295, %add3A_297, %while3A_250 : vector<16xi1>, vector<16xi32>
        scf.yield %select_n3A_298 : vector<16xi32>
      }
      %while3A_162 = arith.constant 1 : i32
      %while3A_163 = scf.for %while3A_249 = %while3A_159 to %while3A_155 step %while3A_162 iter_args(%while3A_250 = %while3A_161) -> (vector<16xi32>)  : i32 {
        %mul3A_251 = arith.constant 16 : i32
        %mul3A_252 = arith.muli %while3A_249, %mul3A_251 : i32
        %add3A_253 = arith.constant 2048 : i32
        %add3A_254 = arith.addi %add3A_253, %mul3A_252 : i32
        %get3A = arith.index_cast %add3A_254 : i32 to index
        %get3A_255 = tpu.vector_load %arg7[%get3A] {strides = array<i32>} : memref<12288xf32, #tpu.memory_space<vmem>>, vector<16xf32>,
        %add3A_256 = arith.constant 5120 : i32
        %add3A_257 = arith.addi %add3A_256, %mul3A_252 : i32
        %get3A_258 = arith.index_cast %add3A_257 : i32 to index
        %get3A_259 = tpu.vector_load %arg7[%get3A_258] {strides = array<i32>} : memref<12288xf32, #tpu.memory_space<vmem>>, vector<16xf32>,
        %add3A_260 = arith.constant 8192 : i32
        %add3A_261 = arith.addi %add3A_260, %mul3A_252 : i32
        %get3A_262 = arith.index_cast %add3A_261 : i32 to index
        %get3A_263 = tpu.vector_load %arg7[%get3A_262] {strides = array<i32>} : memref<12288xf32, #tpu.memory_space<vmem>>, vector<16xf32>,
        %add3A_264 = arith.constant 11264 : i32
        %add3A_265 = arith.addi %add3A_264, %mul3A_252 : i32
        %get3A_266 = arith.index_cast %add3A_265 : i32 to index
        %get3A_267 = tpu.vector_load %arg7[%get3A_266] {strides = array<i32>} : memref<12288xf32, #tpu.memory_space<vmem>>, vector<16xf32>,
        %min3A = arith.minimumf %gather3A_137, %get3A_263 : vector<16xf32>
        %max3A = arith.maximumf %gather3A_129, %get3A_255 : vector<16xf32>
        %sub3A_268 = arith.subf %min3A, %max3A : vector<16xf32>
        %max3A_269 = arith.constant 0.000000e+00 : f32
        %max3A_270 = vector.broadcast %max3A_269 : f32 to vector<16xf32>
        %max3A_271 = arith.maximumf %sub3A_268, %max3A_270 : vector<16xf32>
        %min3A_272 = arith.minimumf %gather3A_141, %get3A_267 : vector<16xf32>
        %max3A_273 = arith.maximumf %gather3A_133, %get3A_259 : vector<16xf32>
        %sub3A_274 = arith.subf %min3A_272, %max3A_273 : vector<16xf32>
        %max3A_275 = arith.constant 0.000000e+00 : f32
        %max3A_276 = vector.broadcast %max3A_275 : f32 to vector<16xf32>
        %max3A_277 = arith.maximumf %sub3A_274, %max3A_276 : vector<16xf32>
        %mul3A_278 = arith.mulf %max3A_271, %max3A_277 : vector<16xf32>
        %sub3A_279 = arith.subf %get3A_263, %get3A_255 : vector<16xf32>
        %sub3A_280 = arith.subf %get3A_267, %get3A_259 : vector<16xf32>
        %mul3A_281 = arith.mulf %sub3A_279, %sub3A_280 : vector<16xf32>
        %add3A_282 = arith.addf %mul3A_147, %mul3A_281 : vector<16xf32>
        %sub3A_283 = arith.subf %add3A_282, %mul3A_278 : vector<16xf32>
        %div3A_284 = arith.divf %mul3A_278, %sub3A_283 : vector<16xf32>
        %gt3A = arith.constant 5.500000e-01 : f32
        %gt3A_285 = vector.broadcast %gt3A : f32 to vector<16xf32>
        %gt3A_286 = arith.cmpf ogt, %div3A_284, %gt3A_285 : vector<16xf32>
        %add3A_287 = vector.broadcast %mul3A_252 : i32 to vector<16xi32>
        %add3A_288 = arith.addi %iota3A, %add3A_287 : vector<16xi32>
        %lt3A_289 = arith.cmpi slt, %add3A_288, %while3A_121 : vector<16xi32>
        %and3A = arith.andi %gt3A_286, %lt3A_289 : vector<16xi1>
        %all_reduce_population_count3A = tpu.all_reduce %and3A {dim = 0 : i64, kind = #tpu.reduction_kind<sum>} : vector<16xi1> -> vector<16xi32>
        %all_reduce_ffs3A = tpu.all_reduce %and3A {dim = 0 : i64, kind = #tpu.reduction_kind<find_first_set>} : vector<16xi1> -> vector<16xi32>
        %ge3A = arith.constant 16384 : i32
        %ge3A_290 = vector.broadcast %ge3A : i32 to vector<16xi32>
        %ge3A_291 = arith.cmpi sge, %while3A_250, %ge3A_290 : vector<16xi32>
        %gt3A_292 = arith.constant 0 : i32
        %gt3A_293 = vector.broadcast %gt3A_292 : i32 to vector<16xi32>
        %gt3A_294 = arith.cmpi sgt, %all_reduce_population_count3A, %gt3A_293 : vector<16xi32>
        %and3A_295 = arith.andi %ge3A_291, %gt3A_294 : vector<16xi1>
        %add3A_296 = vector.broadcast %mul3A_252 : i32 to vector<16xi32>
        %add3A_297 = arith.addi %add3A_296, %all_reduce_ffs3A : vector<16xi32>
        %select_n3A_298 = arith.select %and3A_295, %add3A_297, %while3A_250 : vector<16xi1>, vector<16xi32>
        scf.yield %select_n3A_298 : vector<16xi32>
      }
      %lt3A = arith.constant 16384 : i32
      %lt3A_164 = vector.broadcast %lt3A : i32 to vector<16xi32>
      %lt3A_165 = arith.cmpi slt, %while3A_163, %lt3A_164 : vector<16xi32>
      %select_n3A = arith.select %lt3A_165, %while3A_163, %while3A_121 : vector<16xi1>, vector<16xi32>
      %add3A_166 = arith.constant 2048 : i32
      %add3A_167 = vector.broadcast %add3A_166 : i32 to vector<16xi32>
      %add3A_168 = arith.addi %add3A_167, %select_n3A : vector<16xi32>
      %gather3A_169 = tpu.vector_load_idx %arg9[%add3A_168] : memref<3072xf32, #tpu.memory_space<vmem>>[vector<16xi32>], vector<16xf32>,
      %add3A_170 = arith.addf %gather3A_169, %gather3A_145 : vector<16xf32>
      %select_n3A_171 = arith.select %lt3A_165, %add3A_170, %gather3A_145 : vector<16xi1>, vector<16xf32>
      tpu.vector_store_idx %arg9[%add3A_168], %select_n3A_171 : memref<3072xf32, #tpu.memory_space<vmem>>[vector<16xi32>], vector<16xf32>,
      %gather3A_172 = tpu.vector_load_idx %arg10[%add3A_168] : memref<3072xf32, #tpu.memory_space<vmem>>[vector<16xi32>], vector<16xf32>,
      %add3A_173 = arith.constant 1.000000e+00 : f32
      %add3A_174 = vector.broadcast %add3A_173 : f32 to vector<16xf32>
      %add3A_175 = arith.addf %gather3A_172, %add3A_174 : vector<16xf32>
      %jit3A = arith.constant 1.000000e+00 : f32
      %broadcast_in_dim3A_176 = vector.broadcast %jit3A : f32 to vector<16xf32>
      %select_n3A_177 = arith.select %lt3A_165, %add3A_175, %broadcast_in_dim3A_176 : vector<16xi1>, vector<16xf32>
      tpu.vector_store_idx %arg10[%add3A_168], %select_n3A_177 : memref<3072xf32, #tpu.memory_space<vmem>>[vector<16xi32>], vector<16xf32>,
      %add3A_178 = arith.constant 0 : i32
      %add3A_179 = vector.broadcast %add3A_178 : i32 to vector<16xi32>
      %add3A_180 = arith.addi %add3A_179, %add3A_168 : vector<16xi32>
      %gather3A_181 = tpu.vector_load_idx %arg8[%add3A_180] : memref<12288xf32, #tpu.memory_space<vmem>>[vector<16xi32>], vector<16xf32>,
      %mul3A_182 = arith.mulf %gather3A_145, %gather3A_129 : vector<16xf32>
      %add3A_183 = arith.addf %gather3A_181, %mul3A_182 : vector<16xf32>
      %mul3A_184 = arith.mulf %gather3A_145, %gather3A_129 : vector<16xf32>
      %select_n3A_185 = arith.select %lt3A_165, %add3A_183, %mul3A_184 : vector<16xi1>, vector<16xf32>
      %add3A_186 = arith.constant 0 : i32
      %add3A_187 = vector.broadcast %add3A_186 : i32 to vector<16xi32>
      %add3A_188 = arith.addi %add3A_187, %add3A_168 : vector<16xi32>
      tpu.vector_store_idx %arg8[%add3A_188], %select_n3A_185 : memref<12288xf32, #tpu.memory_space<vmem>>[vector<16xi32>], vector<16xf32>,
      %add3A_189 = arith.constant 0 : i32
      %add3A_190 = vector.broadcast %add3A_189 : i32 to vector<16xi32>
      %add3A_191 = arith.addi %add3A_190, %add3A_168 : vector<16xi32>
      %div3A = arith.divf %select_n3A_185, %select_n3A_171 : vector<16xf32>
      tpu.vector_store_idx %arg7[%add3A_191], %div3A : memref<12288xf32, #tpu.memory_space<vmem>>[vector<16xi32>], vector<16xf32>,
      %add3A_192 = arith.constant 3072 : i32
      %add3A_193 = vector.broadcast %add3A_192 : i32 to vector<16xi32>
      %add3A_194 = arith.addi %add3A_193, %add3A_168 : vector<16xi32>
      %gather3A_195 = tpu.vector_load_idx %arg8[%add3A_194] : memref<12288xf32, #tpu.memory_space<vmem>>[vector<16xi32>], vector<16xf32>,
      %mul3A_196 = arith.mulf %gather3A_145, %gather3A_133 : vector<16xf32>
      %add3A_197 = arith.addf %gather3A_195, %mul3A_196 : vector<16xf32>
      %mul3A_198 = arith.mulf %gather3A_145, %gather3A_133 : vector<16xf32>
      %select_n3A_199 = arith.select %lt3A_165, %add3A_197, %mul3A_198 : vector<16xi1>, vector<16xf32>
      %add3A_200 = arith.constant 3072 : i32
      %add3A_201 = vector.broadcast %add3A_200 : i32 to vector<16xi32>
      %add3A_202 = arith.addi %add3A_201, %add3A_168 : vector<16xi32>
      tpu.vector_store_idx %arg8[%add3A_202], %select_n3A_199 : memref<12288xf32, #tpu.memory_space<vmem>>[vector<16xi32>], vector<16xf32>,
      %add3A_203 = arith.constant 3072 : i32
      %add3A_204 = vector.broadcast %add3A_203 : i32 to vector<16xi32>
      %add3A_205 = arith.addi %add3A_204, %add3A_168 : vector<16xi32>
      %div3A_206 = arith.divf %select_n3A_199, %select_n3A_171 : vector<16xf32>
      tpu.vector_store_idx %arg7[%add3A_205], %div3A_206 : memref<12288xf32, #tpu.memory_space<vmem>>[vector<16xi32>], vector<16xf32>,
      %add3A_207 = arith.constant 6144 : i32
      %add3A_208 = vector.broadcast %add3A_207 : i32 to vector<16xi32>
      %add3A_209 = arith.addi %add3A_208, %add3A_168 : vector<16xi32>
      %gather3A_210 = tpu.vector_load_idx %arg8[%add3A_209] : memref<12288xf32, #tpu.memory_space<vmem>>[vector<16xi32>], vector<16xf32>,
      %mul3A_211 = arith.mulf %gather3A_145, %gather3A_137 : vector<16xf32>
      %add3A_212 = arith.addf %gather3A_210, %mul3A_211 : vector<16xf32>
      %mul3A_213 = arith.mulf %gather3A_145, %gather3A_137 : vector<16xf32>
      %select_n3A_214 = arith.select %lt3A_165, %add3A_212, %mul3A_213 : vector<16xi1>, vector<16xf32>
      %add3A_215 = arith.constant 6144 : i32
      %add3A_216 = vector.broadcast %add3A_215 : i32 to vector<16xi32>
      %add3A_217 = arith.addi %add3A_216, %add3A_168 : vector<16xi32>
      tpu.vector_store_idx %arg8[%add3A_217], %select_n3A_214 : memref<12288xf32, #tpu.memory_space<vmem>>[vector<16xi32>], vector<16xf32>,
      %add3A_218 = arith.constant 6144 : i32
      %add3A_219 = vector.broadcast %add3A_218 : i32 to vector<16xi32>
      %add3A_220 = arith.addi %add3A_219, %add3A_168 : vector<16xi32>
      %div3A_221 = arith.divf %select_n3A_214, %select_n3A_171 : vector<16xf32>
      tpu.vector_store_idx %arg7[%add3A_220], %div3A_221 : memref<12288xf32, #tpu.memory_space<vmem>>[vector<16xi32>], vector<16xf32>,
      %add3A_222 = arith.constant 9216 : i32
      %add3A_223 = vector.broadcast %add3A_222 : i32 to vector<16xi32>
      %add3A_224 = arith.addi %add3A_223, %add3A_168 : vector<16xi32>
      %gather3A_225 = tpu.vector_load_idx %arg8[%add3A_224] : memref<12288xf32, #tpu.memory_space<vmem>>[vector<16xi32>], vector<16xf32>,
      %mul3A_226 = arith.mulf %gather3A_145, %gather3A_141 : vector<16xf32>
      %add3A_227 = arith.addf %gather3A_225, %mul3A_226 : vector<16xf32>
      %mul3A_228 = arith.mulf %gather3A_145, %gather3A_141 : vector<16xf32>
      %select_n3A_229 = arith.select %lt3A_165, %add3A_227, %mul3A_228 : vector<16xi1>, vector<16xf32>
      %add3A_230 = arith.constant 9216 : i32
      %add3A_231 = vector.broadcast %add3A_230 : i32 to vector<16xi32>
      %add3A_232 = arith.addi %add3A_231, %add3A_168 : vector<16xi32>
      tpu.vector_store_idx %arg8[%add3A_232], %select_n3A_229 : memref<12288xf32, #tpu.memory_space<vmem>>[vector<16xi32>], vector<16xf32>,
      %add3A_233 = arith.constant 9216 : i32
      %add3A_234 = vector.broadcast %add3A_233 : i32 to vector<16xi32>
      %add3A_235 = arith.addi %add3A_234, %add3A_168 : vector<16xi32>
      %div3A_236 = arith.divf %select_n3A_229, %select_n3A_171 : vector<16xf32>
      tpu.vector_store_idx %arg7[%add3A_235], %div3A_236 : memref<12288xf32, #tpu.memory_space<vmem>>[vector<16xi32>], vector<16xf32>,
      %broadcast_in_dim3A_237 = arith.constant -1 : i32
      %broadcast_in_dim3A_238 = vector.broadcast %broadcast_in_dim3A_237 : i32 to vector<16xi32>
      %select_n3A_239 = arith.select %lt3A_165, %broadcast_in_dim3A_238, %while3A_121 : vector<16xi1>, vector<16xi32>
      %add3A_240 = arith.constant 2048 : i32
      %add3A_241 = vector.broadcast %add3A_240 : i32 to vector<16xi32>
      %add3A_242 = arith.addi %add3A_241, %broadcast_in_dim3A_122 : vector<16xi32>
      tpu.vector_store_idx %arg6[%add3A_242], %select_n3A_239 : memref<3072xi32, #tpu.memory_space<vmem>>[vector<16xi32>], vector<16xi32>,
      %jit3A_243 = arith.constant 0 : i32
      %jit3A_244 = arith.constant 1 : i32
      %broadcast_in_dim3A_245 = vector.broadcast %jit3A_243 : i32 to vector<16xi32>
      %broadcast_in_dim3A_246 = vector.broadcast %jit3A_244 : i32 to vector<16xi32>
      %select_n3A_247 = arith.select %lt3A_165, %broadcast_in_dim3A_245, %broadcast_in_dim3A_246 : vector<16xi1>, vector<16xi32>
      %add3A_248 = arith.addi %while3A_121, %select_n3A_247 : vector<16xi32>
      scf.yield %add3A_248 : vector<16xi32>
    }
    %while3A_76 = arith.constant 0 : i32
    %while3A_77 = arith.constant 0 : i32
    %while3A_78 = arith.subi %reduce_max3A_21, %while3A_76 : i32
    %while3A_79 = arith.addi %while3A_76, %while3A_78 : i32
    %while3A_80 = arith.constant 1 : i32
    %while3A_81 = arith.divsi %while3A_78, %while3A_80 : i32
    %while3A_82 = arith.muli %while3A_81, %while3A_80 : i32
    %while3A_83 = arith.addi %while3A_76, %while3A_82 : i32
    %while3A_84 = arith.constant 1 : i32
    %while3A_85 = scf.for %while3A_120 = %while3A_76 to %while3A_83 step %while3A_84 iter_args(%while3A_121 = %while3A_77) -> (i32)  : i32 {
      %broadcast_in_dim3A_122 = vector.broadcast %while3A_120 : i32 to vector<16xi32>
      %add3A_123 = arith.constant 0 : i32
      %add3A_124 = vector.broadcast %add3A_123 : i32 to vector<16xi32>
      %add3A_125 = arith.addi %add3A_124, %broadcast_in_dim3A_122 : vector<16xi32>
      %gather3A = tpu.vector_load_idx %arg5[%add3A_125] : memref<3088xi32, #tpu.memory_space<vmem>>[vector<16xi32>], vector<16xi32>,
      %add3A_126 = arith.constant 0 : i32
      %add3A_127 = vector.broadcast %add3A_126 : i32 to vector<16xi32>
      %add3A_128 = arith.addi %add3A_127, %broadcast_in_dim3A_122 : vector<16xi32>
      %gather3A_129 = tpu.vector_load_idx %arg6[%add3A_128] : memref<3072xi32, #tpu.memory_space<vmem>>[vector<16xi32>], vector<16xi32>,
      %ge3A = arith.constant 0 : i32
      %ge3A_130 = vector.broadcast %ge3A : i32 to vector<16xi32>
      %ge3A_131 = arith.cmpi sge, %gather3A_129, %ge3A_130 : vector<16xi32>
      %max3A = arith.constant 0 : i32
      %max3A_132 = vector.broadcast %max3A : i32 to vector<16xi32>
      %max3A_133 = arith.maxsi %gather3A_129, %max3A_132 : vector<16xi32>
      %add3A_134 = arith.constant 0 : i32
      %add3A_135 = vector.broadcast %add3A_134 : i32 to vector<16xi32>
      %add3A_136 = arith.addi %add3A_135, %max3A_133 : vector<16xi32>
      %add3A_137 = arith.constant 0 : i32
      %add3A_138 = vector.broadcast %add3A_137 : i32 to vector<16xi32>
      %add3A_139 = arith.addi %add3A_138, %add3A_136 : vector<16xi32>
      %gather3A_140 = tpu.vector_load_idx %arg8[%add3A_139] : memref<12288xf32, #tpu.memory_space<vmem>>[vector<16xi32>], vector<16xf32>,
      %add3A_141 = arith.constant 3072 : i32
      %add3A_142 = vector.broadcast %add3A_141 : i32 to vector<16xi32>
      %add3A_143 = arith.addi %add3A_142, %add3A_136 : vector<16xi32>
      %gather3A_144 = tpu.vector_load_idx %arg8[%add3A_143] : memref<12288xf32, #tpu.memory_space<vmem>>[vector<16xi32>], vector<16xf32>,
      %add3A_145 = arith.constant 6144 : i32
      %add3A_146 = vector.broadcast %add3A_145 : i32 to vector<16xi32>
      %add3A_147 = arith.addi %add3A_146, %add3A_136 : vector<16xi32>
      %gather3A_148 = tpu.vector_load_idx %arg8[%add3A_147] : memref<12288xf32, #tpu.memory_space<vmem>>[vector<16xi32>], vector<16xf32>,
      %add3A_149 = arith.constant 9216 : i32
      %add3A_150 = vector.broadcast %add3A_149 : i32 to vector<16xi32>
      %add3A_151 = arith.addi %add3A_150, %add3A_136 : vector<16xi32>
      %gather3A_152 = tpu.vector_load_idx %arg8[%add3A_151] : memref<12288xf32, #tpu.memory_space<vmem>>[vector<16xi32>], vector<16xf32>,
      %gather3A_153 = tpu.vector_load_idx %arg9[%add3A_136] : memref<3072xf32, #tpu.memory_space<vmem>>[vector<16xi32>], vector<16xf32>,
      %gather3A_154 = tpu.vector_load_idx %arg10[%add3A_136] : memref<3072xf32, #tpu.memory_space<vmem>>[vector<16xi32>], vector<16xf32>,
      %mul3A_155 = arith.constant 1.024000e+03 : f32
      %mul3A_156 = arith.mulf %convert_element_type3A, %mul3A_155 : f32
      %convert_element_type3A_157 = arith.sitofp %gather3A : vector<16xi32> to vector<16xf32>
      %add3A_158 = vector.broadcast %mul3A_156 : f32 to vector<16xf32>
      %add3A_159 = arith.addf %add3A_158, %convert_element_type3A_157 : vector<16xf32>
      %jit3A = arith.constant -3.000000e+38 : f32
      %broadcast_in_dim3A_160 = vector.broadcast %jit3A : f32 to vector<16xf32>
      %select_n3A = arith.select %ge3A_131, %gather3A_153, %broadcast_in_dim3A_160 : vector<16xi1>, vector<16xf32>
      %jit3A_161 = arith.constant 1.000000e+00 : f32
      %broadcast_in_dim3A_162 = vector.broadcast %jit3A_161 : f32 to vector<16xf32>
      %select_n3A_163 = arith.select %ge3A_131, %gather3A_154, %broadcast_in_dim3A_162 : vector<16xi1>, vector<16xf32>
      %broadcast_in_dim3A_164 = arith.constant 0.000000e+00 : f32
      %broadcast_in_dim3A_165 = vector.broadcast %broadcast_in_dim3A_164 : f32 to vector<16xf32>
      %broadcast_in_dim3A_166 = arith.constant 1.000000e+00 : f32
      %broadcast_in_dim3A_167 = vector.broadcast %broadcast_in_dim3A_166 : f32 to vector<16xf32>
      %eq3A = arith.constant 0 : i32
      %eq3A_168 = vector.broadcast %eq3A : i32 to vector<16xi32>
      %eq3A_169 = arith.cmpi eq, %iota3A, %eq3A_168 : vector<16xi32>
      %select_n3A_170 = arith.select %eq3A_169, %gather3A_140, %broadcast_in_dim3A_165 : vector<16xi1>, vector<16xf32>
      %eq3A_171 = arith.constant 0 : i32
      %eq3A_172 = vector.broadcast %eq3A_171 : i32 to vector<16xi32>
      %eq3A_173 = arith.cmpi eq, %iota3A, %eq3A_172 : vector<16xi32>
      %select_n3A_174 = arith.select %eq3A_173, %gather3A_153, %broadcast_in_dim3A_167 : vector<16xi1>, vector<16xf32>
      %eq3A_175 = arith.constant 1 : i32
      %eq3A_176 = vector.broadcast %eq3A_175 : i32 to vector<16xi32>
      %eq3A_177 = arith.cmpi eq, %iota3A, %eq3A_176 : vector<16xi32>
      %select_n3A_178 = arith.select %eq3A_177, %gather3A_144, %select_n3A_170 : vector<16xi1>, vector<16xf32>
      %eq3A_179 = arith.constant 1 : i32
      %eq3A_180 = vector.broadcast %eq3A_179 : i32 to vector<16xi32>
      %eq3A_181 = arith.cmpi eq, %iota3A, %eq3A_180 : vector<16xi32>
      %select_n3A_182 = arith.select %eq3A_181, %gather3A_153, %select_n3A_174 : vector<16xi1>, vector<16xf32>
      %eq3A_183 = arith.constant 2 : i32
      %eq3A_184 = vector.broadcast %eq3A_183 : i32 to vector<16xi32>
      %eq3A_185 = arith.cmpi eq, %iota3A, %eq3A_184 : vector<16xi32>
      %select_n3A_186 = arith.select %eq3A_185, %gather3A_148, %select_n3A_178 : vector<16xi1>, vector<16xf32>
      %eq3A_187 = arith.constant 2 : i32
      %eq3A_188 = vector.broadcast %eq3A_187 : i32 to vector<16xi32>
      %eq3A_189 = arith.cmpi eq, %iota3A, %eq3A_188 : vector<16xi32>
      %select_n3A_190 = arith.select %eq3A_189, %gather3A_153, %select_n3A_182 : vector<16xi1>, vector<16xf32>
      %eq3A_191 = arith.constant 3 : i32
      %eq3A_192 = vector.broadcast %eq3A_191 : i32 to vector<16xi32>
      %eq3A_193 = arith.cmpi eq, %iota3A, %eq3A_192 : vector<16xi32>
      %select_n3A_194 = arith.select %eq3A_193, %gather3A_152, %select_n3A_186 : vector<16xi1>, vector<16xf32>
      %eq3A_195 = arith.constant 3 : i32
      %eq3A_196 = vector.broadcast %eq3A_195 : i32 to vector<16xi32>
      %eq3A_197 = arith.cmpi eq, %iota3A, %eq3A_196 : vector<16xi32>
      %select_n3A_198 = arith.select %eq3A_197, %gather3A_153, %select_n3A_190 : vector<16xi1>, vector<16xf32>
      %eq3A_199 = arith.constant 4 : i32
      %eq3A_200 = vector.broadcast %eq3A_199 : i32 to vector<16xi32>
      %eq3A_201 = arith.cmpi eq, %iota3A, %eq3A_200 : vector<16xi32>
      %select_n3A_202 = arith.select %eq3A_201, %gather3A_153, %select_n3A_194 : vector<16xi1>, vector<16xf32>
      %eq3A_203 = arith.constant 4 : i32
      %eq3A_204 = vector.broadcast %eq3A_203 : i32 to vector<16xi32>
      %eq3A_205 = arith.cmpi eq, %iota3A, %eq3A_204 : vector<16xi32>
      %select_n3A_206 = arith.select %eq3A_205, %gather3A_154, %select_n3A_198 : vector<16xi1>, vector<16xf32>
      %eq3A_207 = arith.constant 5 : i32
      %eq3A_208 = vector.broadcast %eq3A_207 : i32 to vector<16xi32>
      %eq3A_209 = arith.cmpi eq, %iota3A, %eq3A_208 : vector<16xi32>
      %broadcast_in_dim3A_210 = vector.broadcast %convert_element_type3A : f32 to vector<16xf32>
      %select_n3A_211 = arith.select %eq3A_209, %broadcast_in_dim3A_210, %select_n3A_202 : vector<16xi1>, vector<16xf32>
      %eq3A_212 = arith.constant 5 : i32
      %eq3A_213 = vector.broadcast %eq3A_212 : i32 to vector<16xi32>
      %eq3A_214 = arith.cmpi eq, %iota3A, %eq3A_213 : vector<16xi32>
      %jit3A_215 = arith.constant 1.000000e+00 : f32
      %broadcast_in_dim3A_216 = vector.broadcast %jit3A_215 : f32 to vector<16xf32>
      %select_n3A_217 = arith.select %eq3A_214, %broadcast_in_dim3A_216, %select_n3A_206 : vector<16xi1>, vector<16xf32>
      %eq3A_218 = arith.constant 6 : i32
      %eq3A_219 = vector.broadcast %eq3A_218 : i32 to vector<16xi32>
      %eq3A_220 = arith.cmpi eq, %iota3A, %eq3A_219 : vector<16xi32>
      %select_n3A_221 = arith.select %eq3A_220, %select_n3A, %select_n3A_211 : vector<16xi1>, vector<16xf32>
      %eq3A_222 = arith.constant 6 : i32
      %eq3A_223 = vector.broadcast %eq3A_222 : i32 to vector<16xi32>
      %eq3A_224 = arith.cmpi eq, %iota3A, %eq3A_223 : vector<16xi32>
      %select_n3A_225 = arith.select %eq3A_224, %select_n3A_163, %select_n3A_217 : vector<16xi1>, vector<16xf32>
      %eq3A_226 = arith.constant 7 : i32
      %eq3A_227 = vector.broadcast %eq3A_226 : i32 to vector<16xi32>
      %eq3A_228 = arith.cmpi eq, %iota3A, %eq3A_227 : vector<16xi32>
      %select_n3A_229 = arith.select %eq3A_228, %add3A_159, %select_n3A_221 : vector<16xi1>, vector<16xf32>
      %eq3A_230 = arith.constant 7 : i32
      %eq3A_231 = vector.broadcast %eq3A_230 : i32 to vector<16xi32>
      %eq3A_232 = arith.cmpi eq, %iota3A, %eq3A_231 : vector<16xi32>
      %jit3A_233 = arith.constant 1.000000e+00 : f32
      %broadcast_in_dim3A_234 = vector.broadcast %jit3A_233 : f32 to vector<16xf32>
      %select_n3A_235 = arith.select %eq3A_232, %broadcast_in_dim3A_234, %select_n3A_225 : vector<16xi1>, vector<16xf32>
      %mul3A_236 = arith.constant 16 : i32
      %mul3A_237 = arith.muli %while3A_121, %mul3A_236 : i32
      %div3A = arith.divf %select_n3A_229, %select_n3A_235 : vector<16xf32>
      %swap3A = arith.index_cast %mul3A_237 : i32 to index
      %swap3A_238 = tpu.vector_load %arg11[%swap3A] {strides = array<i32>} : memref<16384xf32, #tpu.memory_space<vmem>>, vector<16xf32>,
      tpu.vector_store %arg11[%swap3A], %div3A {strides = array<i32>} : memref<16384xf32, #tpu.memory_space<vmem>>, vector<16xf32>,
      %reduce_max3A_239 = arith.constant true
      %reduce_max3A_240 = vector.broadcast %reduce_max3A_239 : i1 to vector<16xi1>
      %reduce_max3A_241 = arith.constant -2147483648 : i32
      %reduce_max3A_242 = vector.broadcast %reduce_max3A_241 : i32 to vector<16xi32>
      %reduce_max3A_243 = arith.xori %gather3A, %reduce_max3A_242 : vector<16xi32>
      %reduce_max3A_244 = tpu.scan <max>, %reduce_max3A_243 masked %reduce_max3A_240 : vector<16xi32>, vector<16xi1> -> vector<16xi32>
      %reduce_max3A_245 = arith.xori %reduce_max3A_244, %reduce_max3A_242 : vector<16xi32>
      %reduce_max3A_246 = vector.extract %reduce_max3A_245[15] : i32 from vector<16xi32>
      %mul3A_247 = arith.constant 16 : i32
      %mul3A_248 = arith.muli %reduce_max3A_246, %mul3A_247 : i32
      %dma_start3A = tpu.memref_slice %arg11[%mul3A_237] : memref<16384xf32, #tpu.memory_space<vmem>> -> memref<16xf32, #tpu.memory_space<vmem>>
      %dma_start3A_249 = tpu.memref_slice %arg3[%mul3A_248] : memref<16384xf32, #tpu.memory_space<hbm>> -> memref<16xf32, #tpu.memory_space<hbm>>
      %dma_start3A_250 = tpu.memref_slice %arg3[%mul3A_248] : memref<16384xf32, #tpu.memory_space<hbm>> -> memref<16xf32, #tpu.memory_space<hbm>>
      %dma_start3A_251 = tpu.memref_slice %arg11[%mul3A_237] : memref<16384xf32, #tpu.memory_space<vmem>> -> memref<16xf32, #tpu.memory_space<vmem>>
      tpu.enqueue_dma source(%dma_start3A_251 : memref<16xf32, #tpu.memory_space<vmem>>) target(%dma_start3A_250 : memref<16xf32, #tpu.memory_space<hbm>>) target_semaphore(%arg13 : memref<!tpu.dma_semaphore, #tpu.memory_space<semaphore_mem>>)
      %add3A_252 = arith.constant 1 : i32
      %add3A_253 = arith.addi %while3A_121, %add3A_252 : i32
      scf.yield %add3A_253 : i32
    }
    %while3A_86 = arith.constant 1 : i32
    %while3A_87 = scf.for %while3A_120 = %while3A_83 to %while3A_79 step %while3A_86 iter_args(%while3A_121 = %while3A_85) -> (i32)  : i32 {
      %broadcast_in_dim3A_122 = vector.broadcast %while3A_120 : i32 to vector<16xi32>
      %add3A_123 = arith.constant 0 : i32
      %add3A_124 = vector.broadcast %add3A_123 : i32 to vector<16xi32>
      %add3A_125 = arith.addi %add3A_124, %broadcast_in_dim3A_122 : vector<16xi32>
      %gather3A = tpu.vector_load_idx %arg5[%add3A_125] : memref<3088xi32, #tpu.memory_space<vmem>>[vector<16xi32>], vector<16xi32>,
      %add3A_126 = arith.constant 0 : i32
      %add3A_127 = vector.broadcast %add3A_126 : i32 to vector<16xi32>
      %add3A_128 = arith.addi %add3A_127, %broadcast_in_dim3A_122 : vector<16xi32>
      %gather3A_129 = tpu.vector_load_idx %arg6[%add3A_128] : memref<3072xi32, #tpu.memory_space<vmem>>[vector<16xi32>], vector<16xi32>,
      %ge3A = arith.constant 0 : i32
      %ge3A_130 = vector.broadcast %ge3A : i32 to vector<16xi32>
      %ge3A_131 = arith.cmpi sge, %gather3A_129, %ge3A_130 : vector<16xi32>
      %max3A = arith.constant 0 : i32
      %max3A_132 = vector.broadcast %max3A : i32 to vector<16xi32>
      %max3A_133 = arith.maxsi %gather3A_129, %max3A_132 : vector<16xi32>
      %add3A_134 = arith.constant 0 : i32
      %add3A_135 = vector.broadcast %add3A_134 : i32 to vector<16xi32>
      %add3A_136 = arith.addi %add3A_135, %max3A_133 : vector<16xi32>
      %add3A_137 = arith.constant 0 : i32
      %add3A_138 = vector.broadcast %add3A_137 : i32 to vector<16xi32>
      %add3A_139 = arith.addi %add3A_138, %add3A_136 : vector<16xi32>
      %gather3A_140 = tpu.vector_load_idx %arg8[%add3A_139] : memref<12288xf32, #tpu.memory_space<vmem>>[vector<16xi32>], vector<16xf32>,
      %add3A_141 = arith.constant 3072 : i32
      %add3A_142 = vector.broadcast %add3A_141 : i32 to vector<16xi32>
      %add3A_143 = arith.addi %add3A_142, %add3A_136 : vector<16xi32>
      %gather3A_144 = tpu.vector_load_idx %arg8[%add3A_143] : memref<12288xf32, #tpu.memory_space<vmem>>[vector<16xi32>], vector<16xf32>,
      %add3A_145 = arith.constant 6144 : i32
      %add3A_146 = vector.broadcast %add3A_145 : i32 to vector<16xi32>
      %add3A_147 = arith.addi %add3A_146, %add3A_136 : vector<16xi32>
      %gather3A_148 = tpu.vector_load_idx %arg8[%add3A_147] : memref<12288xf32, #tpu.memory_space<vmem>>[vector<16xi32>], vector<16xf32>,
      %add3A_149 = arith.constant 9216 : i32
      %add3A_150 = vector.broadcast %add3A_149 : i32 to vector<16xi32>
      %add3A_151 = arith.addi %add3A_150, %add3A_136 : vector<16xi32>
      %gather3A_152 = tpu.vector_load_idx %arg8[%add3A_151] : memref<12288xf32, #tpu.memory_space<vmem>>[vector<16xi32>], vector<16xf32>,
      %gather3A_153 = tpu.vector_load_idx %arg9[%add3A_136] : memref<3072xf32, #tpu.memory_space<vmem>>[vector<16xi32>], vector<16xf32>,
      %gather3A_154 = tpu.vector_load_idx %arg10[%add3A_136] : memref<3072xf32, #tpu.memory_space<vmem>>[vector<16xi32>], vector<16xf32>,
      %mul3A_155 = arith.constant 1.024000e+03 : f32
      %mul3A_156 = arith.mulf %convert_element_type3A, %mul3A_155 : f32
      %convert_element_type3A_157 = arith.sitofp %gather3A : vector<16xi32> to vector<16xf32>
      %add3A_158 = vector.broadcast %mul3A_156 : f32 to vector<16xf32>
      %add3A_159 = arith.addf %add3A_158, %convert_element_type3A_157 : vector<16xf32>
      %jit3A = arith.constant -3.000000e+38 : f32
      %broadcast_in_dim3A_160 = vector.broadcast %jit3A : f32 to vector<16xf32>
      %select_n3A = arith.select %ge3A_131, %gather3A_153, %broadcast_in_dim3A_160 : vector<16xi1>, vector<16xf32>
      %jit3A_161 = arith.constant 1.000000e+00 : f32
      %broadcast_in_dim3A_162 = vector.broadcast %jit3A_161 : f32 to vector<16xf32>
      %select_n3A_163 = arith.select %ge3A_131, %gather3A_154, %broadcast_in_dim3A_162 : vector<16xi1>, vector<16xf32>
      %broadcast_in_dim3A_164 = arith.constant 0.000000e+00 : f32
      %broadcast_in_dim3A_165 = vector.broadcast %broadcast_in_dim3A_164 : f32 to vector<16xf32>
      %broadcast_in_dim3A_166 = arith.constant 1.000000e+00 : f32
      %broadcast_in_dim3A_167 = vector.broadcast %broadcast_in_dim3A_166 : f32 to vector<16xf32>
      %eq3A = arith.constant 0 : i32
      %eq3A_168 = vector.broadcast %eq3A : i32 to vector<16xi32>
      %eq3A_169 = arith.cmpi eq, %iota3A, %eq3A_168 : vector<16xi32>
      %select_n3A_170 = arith.select %eq3A_169, %gather3A_140, %broadcast_in_dim3A_165 : vector<16xi1>, vector<16xf32>
      %eq3A_171 = arith.constant 0 : i32
      %eq3A_172 = vector.broadcast %eq3A_171 : i32 to vector<16xi32>
      %eq3A_173 = arith.cmpi eq, %iota3A, %eq3A_172 : vector<16xi32>
      %select_n3A_174 = arith.select %eq3A_173, %gather3A_153, %broadcast_in_dim3A_167 : vector<16xi1>, vector<16xf32>
      %eq3A_175 = arith.constant 1 : i32
      %eq3A_176 = vector.broadcast %eq3A_175 : i32 to vector<16xi32>
      %eq3A_177 = arith.cmpi eq, %iota3A, %eq3A_176 : vector<16xi32>
      %select_n3A_178 = arith.select %eq3A_177, %gather3A_144, %select_n3A_170 : vector<16xi1>, vector<16xf32>
      %eq3A_179 = arith.constant 1 : i32
      %eq3A_180 = vector.broadcast %eq3A_179 : i32 to vector<16xi32>
      %eq3A_181 = arith.cmpi eq, %iota3A, %eq3A_180 : vector<16xi32>
      %select_n3A_182 = arith.select %eq3A_181, %gather3A_153, %select_n3A_174 : vector<16xi1>, vector<16xf32>
      %eq3A_183 = arith.constant 2 : i32
      %eq3A_184 = vector.broadcast %eq3A_183 : i32 to vector<16xi32>
      %eq3A_185 = arith.cmpi eq, %iota3A, %eq3A_184 : vector<16xi32>
      %select_n3A_186 = arith.select %eq3A_185, %gather3A_148, %select_n3A_178 : vector<16xi1>, vector<16xf32>
      %eq3A_187 = arith.constant 2 : i32
      %eq3A_188 = vector.broadcast %eq3A_187 : i32 to vector<16xi32>
      %eq3A_189 = arith.cmpi eq, %iota3A, %eq3A_188 : vector<16xi32>
      %select_n3A_190 = arith.select %eq3A_189, %gather3A_153, %select_n3A_182 : vector<16xi1>, vector<16xf32>
      %eq3A_191 = arith.constant 3 : i32
      %eq3A_192 = vector.broadcast %eq3A_191 : i32 to vector<16xi32>
      %eq3A_193 = arith.cmpi eq, %iota3A, %eq3A_192 : vector<16xi32>
      %select_n3A_194 = arith.select %eq3A_193, %gather3A_152, %select_n3A_186 : vector<16xi1>, vector<16xf32>
      %eq3A_195 = arith.constant 3 : i32
      %eq3A_196 = vector.broadcast %eq3A_195 : i32 to vector<16xi32>
      %eq3A_197 = arith.cmpi eq, %iota3A, %eq3A_196 : vector<16xi32>
      %select_n3A_198 = arith.select %eq3A_197, %gather3A_153, %select_n3A_190 : vector<16xi1>, vector<16xf32>
      %eq3A_199 = arith.constant 4 : i32
      %eq3A_200 = vector.broadcast %eq3A_199 : i32 to vector<16xi32>
      %eq3A_201 = arith.cmpi eq, %iota3A, %eq3A_200 : vector<16xi32>
      %select_n3A_202 = arith.select %eq3A_201, %gather3A_153, %select_n3A_194 : vector<16xi1>, vector<16xf32>
      %eq3A_203 = arith.constant 4 : i32
      %eq3A_204 = vector.broadcast %eq3A_203 : i32 to vector<16xi32>
      %eq3A_205 = arith.cmpi eq, %iota3A, %eq3A_204 : vector<16xi32>
      %select_n3A_206 = arith.select %eq3A_205, %gather3A_154, %select_n3A_198 : vector<16xi1>, vector<16xf32>
      %eq3A_207 = arith.constant 5 : i32
      %eq3A_208 = vector.broadcast %eq3A_207 : i32 to vector<16xi32>
      %eq3A_209 = arith.cmpi eq, %iota3A, %eq3A_208 : vector<16xi32>
      %broadcast_in_dim3A_210 = vector.broadcast %convert_element_type3A : f32 to vector<16xf32>
      %select_n3A_211 = arith.select %eq3A_209, %broadcast_in_dim3A_210, %select_n3A_202 : vector<16xi1>, vector<16xf32>
      %eq3A_212 = arith.constant 5 : i32
      %eq3A_213 = vector.broadcast %eq3A_212 : i32 to vector<16xi32>
      %eq3A_214 = arith.cmpi eq, %iota3A, %eq3A_213 : vector<16xi32>
      %jit3A_215 = arith.constant 1.000000e+00 : f32
      %broadcast_in_dim3A_216 = vector.broadcast %jit3A_215 : f32 to vector<16xf32>
      %select_n3A_217 = arith.select %eq3A_214, %broadcast_in_dim3A_216, %select_n3A_206 : vector<16xi1>, vector<16xf32>
      %eq3A_218 = arith.constant 6 : i32
      %eq3A_219 = vector.broadcast %eq3A_218 : i32 to vector<16xi32>
      %eq3A_220 = arith.cmpi eq, %iota3A, %eq3A_219 : vector<16xi32>
      %select_n3A_221 = arith.select %eq3A_220, %select_n3A, %select_n3A_211 : vector<16xi1>, vector<16xf32>
      %eq3A_222 = arith.constant 6 : i32
      %eq3A_223 = vector.broadcast %eq3A_222 : i32 to vector<16xi32>
      %eq3A_224 = arith.cmpi eq, %iota3A, %eq3A_223 : vector<16xi32>
      %select_n3A_225 = arith.select %eq3A_224, %select_n3A_163, %select_n3A_217 : vector<16xi1>, vector<16xf32>
      %eq3A_226 = arith.constant 7 : i32
      %eq3A_227 = vector.broadcast %eq3A_226 : i32 to vector<16xi32>
      %eq3A_228 = arith.cmpi eq, %iota3A, %eq3A_227 : vector<16xi32>
      %select_n3A_229 = arith.select %eq3A_228, %add3A_159, %select_n3A_221 : vector<16xi1>, vector<16xf32>
      %eq3A_230 = arith.constant 7 : i32
      %eq3A_231 = vector.broadcast %eq3A_230 : i32 to vector<16xi32>
      %eq3A_232 = arith.cmpi eq, %iota3A, %eq3A_231 : vector<16xi32>
      %jit3A_233 = arith.constant 1.000000e+00 : f32
      %broadcast_in_dim3A_234 = vector.broadcast %jit3A_233 : f32 to vector<16xf32>
      %select_n3A_235 = arith.select %eq3A_232, %broadcast_in_dim3A_234, %select_n3A_225 : vector<16xi1>, vector<16xf32>
      %mul3A_236 = arith.constant 16 : i32
      %mul3A_237 = arith.muli %while3A_121, %mul3A_236 : i32
      %div3A = arith.divf %select_n3A_229, %select_n3A_235 : vector<16xf32>
      %swap3A = arith.index_cast %mul3A_237 : i32 to index
      %swap3A_238 = tpu.vector_load %arg11[%swap3A] {strides = array<i32>} : memref<16384xf32, #tpu.memory_space<vmem>>, vector<16xf32>,
      tpu.vector_store %arg11[%swap3A], %div3A {strides = array<i32>} : memref<16384xf32, #tpu.memory_space<vmem>>, vector<16xf32>,
      %reduce_max3A_239 = arith.constant true
      %reduce_max3A_240 = vector.broadcast %reduce_max3A_239 : i1 to vector<16xi1>
      %reduce_max3A_241 = arith.constant -2147483648 : i32
      %reduce_max3A_242 = vector.broadcast %reduce_max3A_241 : i32 to vector<16xi32>
      %reduce_max3A_243 = arith.xori %gather3A, %reduce_max3A_242 : vector<16xi32>
      %reduce_max3A_244 = tpu.scan <max>, %reduce_max3A_243 masked %reduce_max3A_240 : vector<16xi32>, vector<16xi1> -> vector<16xi32>
      %reduce_max3A_245 = arith.xori %reduce_max3A_244, %reduce_max3A_242 : vector<16xi32>
      %reduce_max3A_246 = vector.extract %reduce_max3A_245[15] : i32 from vector<16xi32>
      %mul3A_247 = arith.constant 16 : i32
      %mul3A_248 = arith.muli %reduce_max3A_246, %mul3A_247 : i32
      %dma_start3A = tpu.memref_slice %arg11[%mul3A_237] : memref<16384xf32, #tpu.memory_space<vmem>> -> memref<16xf32, #tpu.memory_space<vmem>>
      %dma_start3A_249 = tpu.memref_slice %arg3[%mul3A_248] : memref<16384xf32, #tpu.memory_space<hbm>> -> memref<16xf32, #tpu.memory_space<hbm>>
      %dma_start3A_250 = tpu.memref_slice %arg3[%mul3A_248] : memref<16384xf32, #tpu.memory_space<hbm>> -> memref<16xf32, #tpu.memory_space<hbm>>
      %dma_start3A_251 = tpu.memref_slice %arg11[%mul3A_237] : memref<16384xf32, #tpu.memory_space<vmem>> -> memref<16xf32, #tpu.memory_space<vmem>>
      tpu.enqueue_dma source(%dma_start3A_251 : memref<16xf32, #tpu.memory_space<vmem>>) target(%dma_start3A_250 : memref<16xf32, #tpu.memory_space<hbm>>) target_semaphore(%arg13 : memref<!tpu.dma_semaphore, #tpu.memory_space<semaphore_mem>>)
      %add3A_252 = arith.constant 1 : i32
      %add3A_253 = arith.addi %while3A_121, %add3A_252 : i32
      scf.yield %add3A_253 : i32
    }
    %while3A_88 = arith.constant 0 : i32
    %while3A_89 = arith.subi %reduce_max3A_29, %while3A_88 : i32
    %while3A_90 = arith.addi %while3A_88, %while3A_89 : i32
    %while3A_91 = arith.constant 1 : i32
    %while3A_92 = arith.divsi %while3A_89, %while3A_91 : i32
    %while3A_93 = arith.muli %while3A_92, %while3A_91 : i32
    %while3A_94 = arith.addi %while3A_88, %while3A_93 : i32
    %while3A_95 = arith.constant 1 : i32
    %while3A_96 = scf.for %while3A_120 = %while3A_88 to %while3A_94 step %while3A_95 iter_args(%while3A_121 = %while3A_87) -> (i32)  : i32 {
      %broadcast_in_dim3A_122 = vector.broadcast %while3A_120 : i32 to vector<16xi32>
      %add3A_123 = arith.constant 1024 : i32
      %add3A_124 = vector.broadcast %add3A_123 : i32 to vector<16xi32>
      %add3A_125 = arith.addi %add3A_124, %broadcast_in_dim3A_122 : vector<16xi32>
      %gather3A = tpu.vector_load_idx %arg5[%add3A_125] : memref<3088xi32, #tpu.memory_space<vmem>>[vector<16xi32>], vector<16xi32>,
      %add3A_126 = arith.constant 1024 : i32
      %add3A_127 = vector.broadcast %add3A_126 : i32 to vector<16xi32>
      %add3A_128 = arith.addi %add3A_127, %broadcast_in_dim3A_122 : vector<16xi32>
      %gather3A_129 = tpu.vector_load_idx %arg6[%add3A_128] : memref<3072xi32, #tpu.memory_space<vmem>>[vector<16xi32>], vector<16xi32>,
      %ge3A = arith.constant 0 : i32
      %ge3A_130 = vector.broadcast %ge3A : i32 to vector<16xi32>
      %ge3A_131 = arith.cmpi sge, %gather3A_129, %ge3A_130 : vector<16xi32>
      %max3A = arith.constant 0 : i32
      %max3A_132 = vector.broadcast %max3A : i32 to vector<16xi32>
      %max3A_133 = arith.maxsi %gather3A_129, %max3A_132 : vector<16xi32>
      %add3A_134 = arith.constant 1024 : i32
      %add3A_135 = vector.broadcast %add3A_134 : i32 to vector<16xi32>
      %add3A_136 = arith.addi %add3A_135, %max3A_133 : vector<16xi32>
      %add3A_137 = arith.constant 0 : i32
      %add3A_138 = vector.broadcast %add3A_137 : i32 to vector<16xi32>
      %add3A_139 = arith.addi %add3A_138, %add3A_136 : vector<16xi32>
      %gather3A_140 = tpu.vector_load_idx %arg8[%add3A_139] : memref<12288xf32, #tpu.memory_space<vmem>>[vector<16xi32>], vector<16xf32>,
      %add3A_141 = arith.constant 3072 : i32
      %add3A_142 = vector.broadcast %add3A_141 : i32 to vector<16xi32>
      %add3A_143 = arith.addi %add3A_142, %add3A_136 : vector<16xi32>
      %gather3A_144 = tpu.vector_load_idx %arg8[%add3A_143] : memref<12288xf32, #tpu.memory_space<vmem>>[vector<16xi32>], vector<16xf32>,
      %add3A_145 = arith.constant 6144 : i32
      %add3A_146 = vector.broadcast %add3A_145 : i32 to vector<16xi32>
      %add3A_147 = arith.addi %add3A_146, %add3A_136 : vector<16xi32>
      %gather3A_148 = tpu.vector_load_idx %arg8[%add3A_147] : memref<12288xf32, #tpu.memory_space<vmem>>[vector<16xi32>], vector<16xf32>,
      %add3A_149 = arith.constant 9216 : i32
      %add3A_150 = vector.broadcast %add3A_149 : i32 to vector<16xi32>
      %add3A_151 = arith.addi %add3A_150, %add3A_136 : vector<16xi32>
      %gather3A_152 = tpu.vector_load_idx %arg8[%add3A_151] : memref<12288xf32, #tpu.memory_space<vmem>>[vector<16xi32>], vector<16xf32>,
      %gather3A_153 = tpu.vector_load_idx %arg9[%add3A_136] : memref<3072xf32, #tpu.memory_space<vmem>>[vector<16xi32>], vector<16xf32>,
      %gather3A_154 = tpu.vector_load_idx %arg10[%add3A_136] : memref<3072xf32, #tpu.memory_space<vmem>>[vector<16xi32>], vector<16xf32>,
      %mul3A_155 = arith.constant 1.024000e+03 : f32
      %mul3A_156 = arith.mulf %convert_element_type3A_5, %mul3A_155 : f32
      %convert_element_type3A_157 = arith.sitofp %gather3A : vector<16xi32> to vector<16xf32>
      %add3A_158 = vector.broadcast %mul3A_156 : f32 to vector<16xf32>
      %add3A_159 = arith.addf %add3A_158, %convert_element_type3A_157 : vector<16xf32>
      %jit3A = arith.constant -3.000000e+38 : f32
      %broadcast_in_dim3A_160 = vector.broadcast %jit3A : f32 to vector<16xf32>
      %select_n3A = arith.select %ge3A_131, %gather3A_153, %broadcast_in_dim3A_160 : vector<16xi1>, vector<16xf32>
      %jit3A_161 = arith.constant 1.000000e+00 : f32
      %broadcast_in_dim3A_162 = vector.broadcast %jit3A_161 : f32 to vector<16xf32>
      %select_n3A_163 = arith.select %ge3A_131, %gather3A_154, %broadcast_in_dim3A_162 : vector<16xi1>, vector<16xf32>
      %broadcast_in_dim3A_164 = arith.constant 0.000000e+00 : f32
      %broadcast_in_dim3A_165 = vector.broadcast %broadcast_in_dim3A_164 : f32 to vector<16xf32>
      %broadcast_in_dim3A_166 = arith.constant 1.000000e+00 : f32
      %broadcast_in_dim3A_167 = vector.broadcast %broadcast_in_dim3A_166 : f32 to vector<16xf32>
      %eq3A = arith.constant 0 : i32
      %eq3A_168 = vector.broadcast %eq3A : i32 to vector<16xi32>
      %eq3A_169 = arith.cmpi eq, %iota3A, %eq3A_168 : vector<16xi32>
      %select_n3A_170 = arith.select %eq3A_169, %gather3A_140, %broadcast_in_dim3A_165 : vector<16xi1>, vector<16xf32>
      %eq3A_171 = arith.constant 0 : i32
      %eq3A_172 = vector.broadcast %eq3A_171 : i32 to vector<16xi32>
      %eq3A_173 = arith.cmpi eq, %iota3A, %eq3A_172 : vector<16xi32>
      %select_n3A_174 = arith.select %eq3A_173, %gather3A_153, %broadcast_in_dim3A_167 : vector<16xi1>, vector<16xf32>
      %eq3A_175 = arith.constant 1 : i32
      %eq3A_176 = vector.broadcast %eq3A_175 : i32 to vector<16xi32>
      %eq3A_177 = arith.cmpi eq, %iota3A, %eq3A_176 : vector<16xi32>
      %select_n3A_178 = arith.select %eq3A_177, %gather3A_144, %select_n3A_170 : vector<16xi1>, vector<16xf32>
      %eq3A_179 = arith.constant 1 : i32
      %eq3A_180 = vector.broadcast %eq3A_179 : i32 to vector<16xi32>
      %eq3A_181 = arith.cmpi eq, %iota3A, %eq3A_180 : vector<16xi32>
      %select_n3A_182 = arith.select %eq3A_181, %gather3A_153, %select_n3A_174 : vector<16xi1>, vector<16xf32>
      %eq3A_183 = arith.constant 2 : i32
      %eq3A_184 = vector.broadcast %eq3A_183 : i32 to vector<16xi32>
      %eq3A_185 = arith.cmpi eq, %iota3A, %eq3A_184 : vector<16xi32>
      %select_n3A_186 = arith.select %eq3A_185, %gather3A_148, %select_n3A_178 : vector<16xi1>, vector<16xf32>
      %eq3A_187 = arith.constant 2 : i32
      %eq3A_188 = vector.broadcast %eq3A_187 : i32 to vector<16xi32>
      %eq3A_189 = arith.cmpi eq, %iota3A, %eq3A_188 : vector<16xi32>
      %select_n3A_190 = arith.select %eq3A_189, %gather3A_153, %select_n3A_182 : vector<16xi1>, vector<16xf32>
      %eq3A_191 = arith.constant 3 : i32
      %eq3A_192 = vector.broadcast %eq3A_191 : i32 to vector<16xi32>
      %eq3A_193 = arith.cmpi eq, %iota3A, %eq3A_192 : vector<16xi32>
      %select_n3A_194 = arith.select %eq3A_193, %gather3A_152, %select_n3A_186 : vector<16xi1>, vector<16xf32>
      %eq3A_195 = arith.constant 3 : i32
      %eq3A_196 = vector.broadcast %eq3A_195 : i32 to vector<16xi32>
      %eq3A_197 = arith.cmpi eq, %iota3A, %eq3A_196 : vector<16xi32>
      %select_n3A_198 = arith.select %eq3A_197, %gather3A_153, %select_n3A_190 : vector<16xi1>, vector<16xf32>
      %eq3A_199 = arith.constant 4 : i32
      %eq3A_200 = vector.broadcast %eq3A_199 : i32 to vector<16xi32>
      %eq3A_201 = arith.cmpi eq, %iota3A, %eq3A_200 : vector<16xi32>
      %select_n3A_202 = arith.select %eq3A_201, %gather3A_153, %select_n3A_194 : vector<16xi1>, vector<16xf32>
      %eq3A_203 = arith.constant 4 : i32
      %eq3A_204 = vector.broadcast %eq3A_203 : i32 to vector<16xi32>
      %eq3A_205 = arith.cmpi eq, %iota3A, %eq3A_204 : vector<16xi32>
      %select_n3A_206 = arith.select %eq3A_205, %gather3A_154, %select_n3A_198 : vector<16xi1>, vector<16xf32>
      %eq3A_207 = arith.constant 5 : i32
      %eq3A_208 = vector.broadcast %eq3A_207 : i32 to vector<16xi32>
      %eq3A_209 = arith.cmpi eq, %iota3A, %eq3A_208 : vector<16xi32>
      %broadcast_in_dim3A_210 = vector.broadcast %convert_element_type3A_5 : f32 to vector<16xf32>
      %select_n3A_211 = arith.select %eq3A_209, %broadcast_in_dim3A_210, %select_n3A_202 : vector<16xi1>, vector<16xf32>
      %eq3A_212 = arith.constant 5 : i32
      %eq3A_213 = vector.broadcast %eq3A_212 : i32 to vector<16xi32>
      %eq3A_214 = arith.cmpi eq, %iota3A, %eq3A_213 : vector<16xi32>
      %jit3A_215 = arith.constant 1.000000e+00 : f32
      %broadcast_in_dim3A_216 = vector.broadcast %jit3A_215 : f32 to vector<16xf32>
      %select_n3A_217 = arith.select %eq3A_214, %broadcast_in_dim3A_216, %select_n3A_206 : vector<16xi1>, vector<16xf32>
      %eq3A_218 = arith.constant 6 : i32
      %eq3A_219 = vector.broadcast %eq3A_218 : i32 to vector<16xi32>
      %eq3A_220 = arith.cmpi eq, %iota3A, %eq3A_219 : vector<16xi32>
      %select_n3A_221 = arith.select %eq3A_220, %select_n3A, %select_n3A_211 : vector<16xi1>, vector<16xf32>
      %eq3A_222 = arith.constant 6 : i32
      %eq3A_223 = vector.broadcast %eq3A_222 : i32 to vector<16xi32>
      %eq3A_224 = arith.cmpi eq, %iota3A, %eq3A_223 : vector<16xi32>
      %select_n3A_225 = arith.select %eq3A_224, %select_n3A_163, %select_n3A_217 : vector<16xi1>, vector<16xf32>
      %eq3A_226 = arith.constant 7 : i32
      %eq3A_227 = vector.broadcast %eq3A_226 : i32 to vector<16xi32>
      %eq3A_228 = arith.cmpi eq, %iota3A, %eq3A_227 : vector<16xi32>
      %select_n3A_229 = arith.select %eq3A_228, %add3A_159, %select_n3A_221 : vector<16xi1>, vector<16xf32>
      %eq3A_230 = arith.constant 7 : i32
      %eq3A_231 = vector.broadcast %eq3A_230 : i32 to vector<16xi32>
      %eq3A_232 = arith.cmpi eq, %iota3A, %eq3A_231 : vector<16xi32>
      %jit3A_233 = arith.constant 1.000000e+00 : f32
      %broadcast_in_dim3A_234 = vector.broadcast %jit3A_233 : f32 to vector<16xf32>
      %select_n3A_235 = arith.select %eq3A_232, %broadcast_in_dim3A_234, %select_n3A_225 : vector<16xi1>, vector<16xf32>
      %mul3A_236 = arith.constant 16 : i32
      %mul3A_237 = arith.muli %while3A_121, %mul3A_236 : i32
      %div3A = arith.divf %select_n3A_229, %select_n3A_235 : vector<16xf32>
      %swap3A = arith.index_cast %mul3A_237 : i32 to index
      %swap3A_238 = tpu.vector_load %arg11[%swap3A] {strides = array<i32>} : memref<16384xf32, #tpu.memory_space<vmem>>, vector<16xf32>,
      tpu.vector_store %arg11[%swap3A], %div3A {strides = array<i32>} : memref<16384xf32, #tpu.memory_space<vmem>>, vector<16xf32>,
      %reduce_max3A_239 = arith.constant true
      %reduce_max3A_240 = vector.broadcast %reduce_max3A_239 : i1 to vector<16xi1>
      %reduce_max3A_241 = arith.constant -2147483648 : i32
      %reduce_max3A_242 = vector.broadcast %reduce_max3A_241 : i32 to vector<16xi32>
      %reduce_max3A_243 = arith.xori %gather3A, %reduce_max3A_242 : vector<16xi32>
      %reduce_max3A_244 = tpu.scan <max>, %reduce_max3A_243 masked %reduce_max3A_240 : vector<16xi32>, vector<16xi1> -> vector<16xi32>
      %reduce_max3A_245 = arith.xori %reduce_max3A_244, %reduce_max3A_242 : vector<16xi32>
      %reduce_max3A_246 = vector.extract %reduce_max3A_245[15] : i32 from vector<16xi32>
      %mul3A_247 = arith.constant 16 : i32
      %mul3A_248 = arith.muli %reduce_max3A_246, %mul3A_247 : i32
      %dma_start3A = tpu.memref_slice %arg11[%mul3A_237] : memref<16384xf32, #tpu.memory_space<vmem>> -> memref<16xf32, #tpu.memory_space<vmem>>
      %dma_start3A_249 = tpu.memref_slice %arg3[%mul3A_248] : memref<16384xf32, #tpu.memory_space<hbm>> -> memref<16xf32, #tpu.memory_space<hbm>>
      %dma_start3A_250 = tpu.memref_slice %arg3[%mul3A_248] : memref<16384xf32, #tpu.memory_space<hbm>> -> memref<16xf32, #tpu.memory_space<hbm>>
      %dma_start3A_251 = tpu.memref_slice %arg11[%mul3A_237] : memref<16384xf32, #tpu.memory_space<vmem>> -> memref<16xf32, #tpu.memory_space<vmem>>
      tpu.enqueue_dma source(%dma_start3A_251 : memref<16xf32, #tpu.memory_space<vmem>>) target(%dma_start3A_250 : memref<16xf32, #tpu.memory_space<hbm>>) target_semaphore(%arg13 : memref<!tpu.dma_semaphore, #tpu.memory_space<semaphore_mem>>)
      %add3A_252 = arith.constant 1 : i32
      %add3A_253 = arith.addi %while3A_121, %add3A_252 : i32
      scf.yield %add3A_253 : i32
    }
    %while3A_97 = arith.constant 1 : i32
    %while3A_98 = scf.for %while3A_120 = %while3A_94 to %while3A_90 step %while3A_97 iter_args(%while3A_121 = %while3A_96) -> (i32)  : i32 {
      %broadcast_in_dim3A_122 = vector.broadcast %while3A_120 : i32 to vector<16xi32>
      %add3A_123 = arith.constant 1024 : i32
      %add3A_124 = vector.broadcast %add3A_123 : i32 to vector<16xi32>
      %add3A_125 = arith.addi %add3A_124, %broadcast_in_dim3A_122 : vector<16xi32>
      %gather3A = tpu.vector_load_idx %arg5[%add3A_125] : memref<3088xi32, #tpu.memory_space<vmem>>[vector<16xi32>], vector<16xi32>,
      %add3A_126 = arith.constant 1024 : i32
      %add3A_127 = vector.broadcast %add3A_126 : i32 to vector<16xi32>
      %add3A_128 = arith.addi %add3A_127, %broadcast_in_dim3A_122 : vector<16xi32>
      %gather3A_129 = tpu.vector_load_idx %arg6[%add3A_128] : memref<3072xi32, #tpu.memory_space<vmem>>[vector<16xi32>], vector<16xi32>,
      %ge3A = arith.constant 0 : i32
      %ge3A_130 = vector.broadcast %ge3A : i32 to vector<16xi32>
      %ge3A_131 = arith.cmpi sge, %gather3A_129, %ge3A_130 : vector<16xi32>
      %max3A = arith.constant 0 : i32
      %max3A_132 = vector.broadcast %max3A : i32 to vector<16xi32>
      %max3A_133 = arith.maxsi %gather3A_129, %max3A_132 : vector<16xi32>
      %add3A_134 = arith.constant 1024 : i32
      %add3A_135 = vector.broadcast %add3A_134 : i32 to vector<16xi32>
      %add3A_136 = arith.addi %add3A_135, %max3A_133 : vector<16xi32>
      %add3A_137 = arith.constant 0 : i32
      %add3A_138 = vector.broadcast %add3A_137 : i32 to vector<16xi32>
      %add3A_139 = arith.addi %add3A_138, %add3A_136 : vector<16xi32>
      %gather3A_140 = tpu.vector_load_idx %arg8[%add3A_139] : memref<12288xf32, #tpu.memory_space<vmem>>[vector<16xi32>], vector<16xf32>,
      %add3A_141 = arith.constant 3072 : i32
      %add3A_142 = vector.broadcast %add3A_141 : i32 to vector<16xi32>
      %add3A_143 = arith.addi %add3A_142, %add3A_136 : vector<16xi32>
      %gather3A_144 = tpu.vector_load_idx %arg8[%add3A_143] : memref<12288xf32, #tpu.memory_space<vmem>>[vector<16xi32>], vector<16xf32>,
      %add3A_145 = arith.constant 6144 : i32
      %add3A_146 = vector.broadcast %add3A_145 : i32 to vector<16xi32>
      %add3A_147 = arith.addi %add3A_146, %add3A_136 : vector<16xi32>
      %gather3A_148 = tpu.vector_load_idx %arg8[%add3A_147] : memref<12288xf32, #tpu.memory_space<vmem>>[vector<16xi32>], vector<16xf32>,
      %add3A_149 = arith.constant 9216 : i32
      %add3A_150 = vector.broadcast %add3A_149 : i32 to vector<16xi32>
      %add3A_151 = arith.addi %add3A_150, %add3A_136 : vector<16xi32>
      %gather3A_152 = tpu.vector_load_idx %arg8[%add3A_151] : memref<12288xf32, #tpu.memory_space<vmem>>[vector<16xi32>], vector<16xf32>,
      %gather3A_153 = tpu.vector_load_idx %arg9[%add3A_136] : memref<3072xf32, #tpu.memory_space<vmem>>[vector<16xi32>], vector<16xf32>,
      %gather3A_154 = tpu.vector_load_idx %arg10[%add3A_136] : memref<3072xf32, #tpu.memory_space<vmem>>[vector<16xi32>], vector<16xf32>,
      %mul3A_155 = arith.constant 1.024000e+03 : f32
      %mul3A_156 = arith.mulf %convert_element_type3A_5, %mul3A_155 : f32
      %convert_element_type3A_157 = arith.sitofp %gather3A : vector<16xi32> to vector<16xf32>
      %add3A_158 = vector.broadcast %mul3A_156 : f32 to vector<16xf32>
      %add3A_159 = arith.addf %add3A_158, %convert_element_type3A_157 : vector<16xf32>
      %jit3A = arith.constant -3.000000e+38 : f32
      %broadcast_in_dim3A_160 = vector.broadcast %jit3A : f32 to vector<16xf32>
      %select_n3A = arith.select %ge3A_131, %gather3A_153, %broadcast_in_dim3A_160 : vector<16xi1>, vector<16xf32>
      %jit3A_161 = arith.constant 1.000000e+00 : f32
      %broadcast_in_dim3A_162 = vector.broadcast %jit3A_161 : f32 to vector<16xf32>
      %select_n3A_163 = arith.select %ge3A_131, %gather3A_154, %broadcast_in_dim3A_162 : vector<16xi1>, vector<16xf32>
      %broadcast_in_dim3A_164 = arith.constant 0.000000e+00 : f32
      %broadcast_in_dim3A_165 = vector.broadcast %broadcast_in_dim3A_164 : f32 to vector<16xf32>
      %broadcast_in_dim3A_166 = arith.constant 1.000000e+00 : f32
      %broadcast_in_dim3A_167 = vector.broadcast %broadcast_in_dim3A_166 : f32 to vector<16xf32>
      %eq3A = arith.constant 0 : i32
      %eq3A_168 = vector.broadcast %eq3A : i32 to vector<16xi32>
      %eq3A_169 = arith.cmpi eq, %iota3A, %eq3A_168 : vector<16xi32>
      %select_n3A_170 = arith.select %eq3A_169, %gather3A_140, %broadcast_in_dim3A_165 : vector<16xi1>, vector<16xf32>
      %eq3A_171 = arith.constant 0 : i32
      %eq3A_172 = vector.broadcast %eq3A_171 : i32 to vector<16xi32>
      %eq3A_173 = arith.cmpi eq, %iota3A, %eq3A_172 : vector<16xi32>
      %select_n3A_174 = arith.select %eq3A_173, %gather3A_153, %broadcast_in_dim3A_167 : vector<16xi1>, vector<16xf32>
      %eq3A_175 = arith.constant 1 : i32
      %eq3A_176 = vector.broadcast %eq3A_175 : i32 to vector<16xi32>
      %eq3A_177 = arith.cmpi eq, %iota3A, %eq3A_176 : vector<16xi32>
      %select_n3A_178 = arith.select %eq3A_177, %gather3A_144, %select_n3A_170 : vector<16xi1>, vector<16xf32>
      %eq3A_179 = arith.constant 1 : i32
      %eq3A_180 = vector.broadcast %eq3A_179 : i32 to vector<16xi32>
      %eq3A_181 = arith.cmpi eq, %iota3A, %eq3A_180 : vector<16xi32>
      %select_n3A_182 = arith.select %eq3A_181, %gather3A_153, %select_n3A_174 : vector<16xi1>, vector<16xf32>
      %eq3A_183 = arith.constant 2 : i32
      %eq3A_184 = vector.broadcast %eq3A_183 : i32 to vector<16xi32>
      %eq3A_185 = arith.cmpi eq, %iota3A, %eq3A_184 : vector<16xi32>
      %select_n3A_186 = arith.select %eq3A_185, %gather3A_148, %select_n3A_178 : vector<16xi1>, vector<16xf32>
      %eq3A_187 = arith.constant 2 : i32
      %eq3A_188 = vector.broadcast %eq3A_187 : i32 to vector<16xi32>
      %eq3A_189 = arith.cmpi eq, %iota3A, %eq3A_188 : vector<16xi32>
      %select_n3A_190 = arith.select %eq3A_189, %gather3A_153, %select_n3A_182 : vector<16xi1>, vector<16xf32>
      %eq3A_191 = arith.constant 3 : i32
      %eq3A_192 = vector.broadcast %eq3A_191 : i32 to vector<16xi32>
      %eq3A_193 = arith.cmpi eq, %iota3A, %eq3A_192 : vector<16xi32>
      %select_n3A_194 = arith.select %eq3A_193, %gather3A_152, %select_n3A_186 : vector<16xi1>, vector<16xf32>
      %eq3A_195 = arith.constant 3 : i32
      %eq3A_196 = vector.broadcast %eq3A_195 : i32 to vector<16xi32>
      %eq3A_197 = arith.cmpi eq, %iota3A, %eq3A_196 : vector<16xi32>
      %select_n3A_198 = arith.select %eq3A_197, %gather3A_153, %select_n3A_190 : vector<16xi1>, vector<16xf32>
      %eq3A_199 = arith.constant 4 : i32
      %eq3A_200 = vector.broadcast %eq3A_199 : i32 to vector<16xi32>
      %eq3A_201 = arith.cmpi eq, %iota3A, %eq3A_200 : vector<16xi32>
      %select_n3A_202 = arith.select %eq3A_201, %gather3A_153, %select_n3A_194 : vector<16xi1>, vector<16xf32>
      %eq3A_203 = arith.constant 4 : i32
      %eq3A_204 = vector.broadcast %eq3A_203 : i32 to vector<16xi32>
      %eq3A_205 = arith.cmpi eq, %iota3A, %eq3A_204 : vector<16xi32>
      %select_n3A_206 = arith.select %eq3A_205, %gather3A_154, %select_n3A_198 : vector<16xi1>, vector<16xf32>
      %eq3A_207 = arith.constant 5 : i32
      %eq3A_208 = vector.broadcast %eq3A_207 : i32 to vector<16xi32>
      %eq3A_209 = arith.cmpi eq, %iota3A, %eq3A_208 : vector<16xi32>
      %broadcast_in_dim3A_210 = vector.broadcast %convert_element_type3A_5 : f32 to vector<16xf32>
      %select_n3A_211 = arith.select %eq3A_209, %broadcast_in_dim3A_210, %select_n3A_202 : vector<16xi1>, vector<16xf32>
      %eq3A_212 = arith.constant 5 : i32
      %eq3A_213 = vector.broadcast %eq3A_212 : i32 to vector<16xi32>
      %eq3A_214 = arith.cmpi eq, %iota3A, %eq3A_213 : vector<16xi32>
      %jit3A_215 = arith.constant 1.000000e+00 : f32
      %broadcast_in_dim3A_216 = vector.broadcast %jit3A_215 : f32 to vector<16xf32>
      %select_n3A_217 = arith.select %eq3A_214, %broadcast_in_dim3A_216, %select_n3A_206 : vector<16xi1>, vector<16xf32>
      %eq3A_218 = arith.constant 6 : i32
      %eq3A_219 = vector.broadcast %eq3A_218 : i32 to vector<16xi32>
      %eq3A_220 = arith.cmpi eq, %iota3A, %eq3A_219 : vector<16xi32>
      %select_n3A_221 = arith.select %eq3A_220, %select_n3A, %select_n3A_211 : vector<16xi1>, vector<16xf32>
      %eq3A_222 = arith.constant 6 : i32
      %eq3A_223 = vector.broadcast %eq3A_222 : i32 to vector<16xi32>
      %eq3A_224 = arith.cmpi eq, %iota3A, %eq3A_223 : vector<16xi32>
      %select_n3A_225 = arith.select %eq3A_224, %select_n3A_163, %select_n3A_217 : vector<16xi1>, vector<16xf32>
      %eq3A_226 = arith.constant 7 : i32
      %eq3A_227 = vector.broadcast %eq3A_226 : i32 to vector<16xi32>
      %eq3A_228 = arith.cmpi eq, %iota3A, %eq3A_227 : vector<16xi32>
      %select_n3A_229 = arith.select %eq3A_228, %add3A_159, %select_n3A_221 : vector<16xi1>, vector<16xf32>
      %eq3A_230 = arith.constant 7 : i32
      %eq3A_231 = vector.broadcast %eq3A_230 : i32 to vector<16xi32>
      %eq3A_232 = arith.cmpi eq, %iota3A, %eq3A_231 : vector<16xi32>
      %jit3A_233 = arith.constant 1.000000e+00 : f32
      %broadcast_in_dim3A_234 = vector.broadcast %jit3A_233 : f32 to vector<16xf32>
      %select_n3A_235 = arith.select %eq3A_232, %broadcast_in_dim3A_234, %select_n3A_225 : vector<16xi1>, vector<16xf32>
      %mul3A_236 = arith.constant 16 : i32
      %mul3A_237 = arith.muli %while3A_121, %mul3A_236 : i32
      %div3A = arith.divf %select_n3A_229, %select_n3A_235 : vector<16xf32>
      %swap3A = arith.index_cast %mul3A_237 : i32 to index
      %swap3A_238 = tpu.vector_load %arg11[%swap3A] {strides = array<i32>} : memref<16384xf32, #tpu.memory_space<vmem>>, vector<16xf32>,
      tpu.vector_store %arg11[%swap3A], %div3A {strides = array<i32>} : memref<16384xf32, #tpu.memory_space<vmem>>, vector<16xf32>,
      %reduce_max3A_239 = arith.constant true
      %reduce_max3A_240 = vector.broadcast %reduce_max3A_239 : i1 to vector<16xi1>
      %reduce_max3A_241 = arith.constant -2147483648 : i32
      %reduce_max3A_242 = vector.broadcast %reduce_max3A_241 : i32 to vector<16xi32>
      %reduce_max3A_243 = arith.xori %gather3A, %reduce_max3A_242 : vector<16xi32>
      %reduce_max3A_244 = tpu.scan <max>, %reduce_max3A_243 masked %reduce_max3A_240 : vector<16xi32>, vector<16xi1> -> vector<16xi32>
      %reduce_max3A_245 = arith.xori %reduce_max3A_244, %reduce_max3A_242 : vector<16xi32>
      %reduce_max3A_246 = vector.extract %reduce_max3A_245[15] : i32 from vector<16xi32>
      %mul3A_247 = arith.constant 16 : i32
      %mul3A_248 = arith.muli %reduce_max3A_246, %mul3A_247 : i32
      %dma_start3A = tpu.memref_slice %arg11[%mul3A_237] : memref<16384xf32, #tpu.memory_space<vmem>> -> memref<16xf32, #tpu.memory_space<vmem>>
      %dma_start3A_249 = tpu.memref_slice %arg3[%mul3A_248] : memref<16384xf32, #tpu.memory_space<hbm>> -> memref<16xf32, #tpu.memory_space<hbm>>
      %dma_start3A_250 = tpu.memref_slice %arg3[%mul3A_248] : memref<16384xf32, #tpu.memory_space<hbm>> -> memref<16xf32, #tpu.memory_space<hbm>>
      %dma_start3A_251 = tpu.memref_slice %arg11[%mul3A_237] : memref<16384xf32, #tpu.memory_space<vmem>> -> memref<16xf32, #tpu.memory_space<vmem>>
      tpu.enqueue_dma source(%dma_start3A_251 : memref<16xf32, #tpu.memory_space<vmem>>) target(%dma_start3A_250 : memref<16xf32, #tpu.memory_space<hbm>>) target_semaphore(%arg13 : memref<!tpu.dma_semaphore, #tpu.memory_space<semaphore_mem>>)
      %add3A_252 = arith.constant 1 : i32
      %add3A_253 = arith.addi %while3A_121, %add3A_252 : i32
      scf.yield %add3A_253 : i32
    }
    %while3A_99 = arith.constant 0 : i32
    %while3A_100 = arith.subi %reduce_max3A_37, %while3A_99 : i32
    %while3A_101 = arith.addi %while3A_99, %while3A_100 : i32
    %while3A_102 = arith.constant 1 : i32
    %while3A_103 = arith.divsi %while3A_100, %while3A_102 : i32
    %while3A_104 = arith.muli %while3A_103, %while3A_102 : i32
    %while3A_105 = arith.addi %while3A_99, %while3A_104 : i32
    %while3A_106 = arith.constant 1 : i32
    %while3A_107 = scf.for %while3A_120 = %while3A_99 to %while3A_105 step %while3A_106 iter_args(%while3A_121 = %while3A_98) -> (i32)  : i32 {
      %broadcast_in_dim3A_122 = vector.broadcast %while3A_120 : i32 to vector<16xi32>
      %add3A_123 = arith.constant 2048 : i32
      %add3A_124 = vector.broadcast %add3A_123 : i32 to vector<16xi32>
      %add3A_125 = arith.addi %add3A_124, %broadcast_in_dim3A_122 : vector<16xi32>
      %gather3A = tpu.vector_load_idx %arg5[%add3A_125] : memref<3088xi32, #tpu.memory_space<vmem>>[vector<16xi32>], vector<16xi32>,
      %add3A_126 = arith.constant 2048 : i32
      %add3A_127 = vector.broadcast %add3A_126 : i32 to vector<16xi32>
      %add3A_128 = arith.addi %add3A_127, %broadcast_in_dim3A_122 : vector<16xi32>
      %gather3A_129 = tpu.vector_load_idx %arg6[%add3A_128] : memref<3072xi32, #tpu.memory_space<vmem>>[vector<16xi32>], vector<16xi32>,
      %ge3A = arith.constant 0 : i32
      %ge3A_130 = vector.broadcast %ge3A : i32 to vector<16xi32>
      %ge3A_131 = arith.cmpi sge, %gather3A_129, %ge3A_130 : vector<16xi32>
      %max3A = arith.constant 0 : i32
      %max3A_132 = vector.broadcast %max3A : i32 to vector<16xi32>
      %max3A_133 = arith.maxsi %gather3A_129, %max3A_132 : vector<16xi32>
      %add3A_134 = arith.constant 2048 : i32
      %add3A_135 = vector.broadcast %add3A_134 : i32 to vector<16xi32>
      %add3A_136 = arith.addi %add3A_135, %max3A_133 : vector<16xi32>
      %add3A_137 = arith.constant 0 : i32
      %add3A_138 = vector.broadcast %add3A_137 : i32 to vector<16xi32>
      %add3A_139 = arith.addi %add3A_138, %add3A_136 : vector<16xi32>
      %gather3A_140 = tpu.vector_load_idx %arg8[%add3A_139] : memref<12288xf32, #tpu.memory_space<vmem>>[vector<16xi32>], vector<16xf32>,
      %add3A_141 = arith.constant 3072 : i32
      %add3A_142 = vector.broadcast %add3A_141 : i32 to vector<16xi32>
      %add3A_143 = arith.addi %add3A_142, %add3A_136 : vector<16xi32>
      %gather3A_144 = tpu.vector_load_idx %arg8[%add3A_143] : memref<12288xf32, #tpu.memory_space<vmem>>[vector<16xi32>], vector<16xf32>,
      %add3A_145 = arith.constant 6144 : i32
      %add3A_146 = vector.broadcast %add3A_145 : i32 to vector<16xi32>
      %add3A_147 = arith.addi %add3A_146, %add3A_136 : vector<16xi32>
      %gather3A_148 = tpu.vector_load_idx %arg8[%add3A_147] : memref<12288xf32, #tpu.memory_space<vmem>>[vector<16xi32>], vector<16xf32>,
      %add3A_149 = arith.constant 9216 : i32
      %add3A_150 = vector.broadcast %add3A_149 : i32 to vector<16xi32>
      %add3A_151 = arith.addi %add3A_150, %add3A_136 : vector<16xi32>
      %gather3A_152 = tpu.vector_load_idx %arg8[%add3A_151] : memref<12288xf32, #tpu.memory_space<vmem>>[vector<16xi32>], vector<16xf32>,
      %gather3A_153 = tpu.vector_load_idx %arg9[%add3A_136] : memref<3072xf32, #tpu.memory_space<vmem>>[vector<16xi32>], vector<16xf32>,
      %gather3A_154 = tpu.vector_load_idx %arg10[%add3A_136] : memref<3072xf32, #tpu.memory_space<vmem>>[vector<16xi32>], vector<16xf32>,
      %mul3A_155 = arith.constant 1.024000e+03 : f32
      %mul3A_156 = arith.mulf %convert_element_type3A_8, %mul3A_155 : f32
      %convert_element_type3A_157 = arith.sitofp %gather3A : vector<16xi32> to vector<16xf32>
      %add3A_158 = vector.broadcast %mul3A_156 : f32 to vector<16xf32>
      %add3A_159 = arith.addf %add3A_158, %convert_element_type3A_157 : vector<16xf32>
      %jit3A = arith.constant -3.000000e+38 : f32
      %broadcast_in_dim3A_160 = vector.broadcast %jit3A : f32 to vector<16xf32>
      %select_n3A = arith.select %ge3A_131, %gather3A_153, %broadcast_in_dim3A_160 : vector<16xi1>, vector<16xf32>
      %jit3A_161 = arith.constant 1.000000e+00 : f32
      %broadcast_in_dim3A_162 = vector.broadcast %jit3A_161 : f32 to vector<16xf32>
      %select_n3A_163 = arith.select %ge3A_131, %gather3A_154, %broadcast_in_dim3A_162 : vector<16xi1>, vector<16xf32>
      %broadcast_in_dim3A_164 = arith.constant 0.000000e+00 : f32
      %broadcast_in_dim3A_165 = vector.broadcast %broadcast_in_dim3A_164 : f32 to vector<16xf32>
      %broadcast_in_dim3A_166 = arith.constant 1.000000e+00 : f32
      %broadcast_in_dim3A_167 = vector.broadcast %broadcast_in_dim3A_166 : f32 to vector<16xf32>
      %eq3A = arith.constant 0 : i32
      %eq3A_168 = vector.broadcast %eq3A : i32 to vector<16xi32>
      %eq3A_169 = arith.cmpi eq, %iota3A, %eq3A_168 : vector<16xi32>
      %select_n3A_170 = arith.select %eq3A_169, %gather3A_140, %broadcast_in_dim3A_165 : vector<16xi1>, vector<16xf32>
      %eq3A_171 = arith.constant 0 : i32
      %eq3A_172 = vector.broadcast %eq3A_171 : i32 to vector<16xi32>
      %eq3A_173 = arith.cmpi eq, %iota3A, %eq3A_172 : vector<16xi32>
      %select_n3A_174 = arith.select %eq3A_173, %gather3A_153, %broadcast_in_dim3A_167 : vector<16xi1>, vector<16xf32>
      %eq3A_175 = arith.constant 1 : i32
      %eq3A_176 = vector.broadcast %eq3A_175 : i32 to vector<16xi32>
      %eq3A_177 = arith.cmpi eq, %iota3A, %eq3A_176 : vector<16xi32>
      %select_n3A_178 = arith.select %eq3A_177, %gather3A_144, %select_n3A_170 : vector<16xi1>, vector<16xf32>
      %eq3A_179 = arith.constant 1 : i32
      %eq3A_180 = vector.broadcast %eq3A_179 : i32 to vector<16xi32>
      %eq3A_181 = arith.cmpi eq, %iota3A, %eq3A_180 : vector<16xi32>
      %select_n3A_182 = arith.select %eq3A_181, %gather3A_153, %select_n3A_174 : vector<16xi1>, vector<16xf32>
      %eq3A_183 = arith.constant 2 : i32
      %eq3A_184 = vector.broadcast %eq3A_183 : i32 to vector<16xi32>
      %eq3A_185 = arith.cmpi eq, %iota3A, %eq3A_184 : vector<16xi32>
      %select_n3A_186 = arith.select %eq3A_185, %gather3A_148, %select_n3A_178 : vector<16xi1>, vector<16xf32>
      %eq3A_187 = arith.constant 2 : i32
      %eq3A_188 = vector.broadcast %eq3A_187 : i32 to vector<16xi32>
      %eq3A_189 = arith.cmpi eq, %iota3A, %eq3A_188 : vector<16xi32>
      %select_n3A_190 = arith.select %eq3A_189, %gather3A_153, %select_n3A_182 : vector<16xi1>, vector<16xf32>
      %eq3A_191 = arith.constant 3 : i32
      %eq3A_192 = vector.broadcast %eq3A_191 : i32 to vector<16xi32>
      %eq3A_193 = arith.cmpi eq, %iota3A, %eq3A_192 : vector<16xi32>
      %select_n3A_194 = arith.select %eq3A_193, %gather3A_152, %select_n3A_186 : vector<16xi1>, vector<16xf32>
      %eq3A_195 = arith.constant 3 : i32
      %eq3A_196 = vector.broadcast %eq3A_195 : i32 to vector<16xi32>
      %eq3A_197 = arith.cmpi eq, %iota3A, %eq3A_196 : vector<16xi32>
      %select_n3A_198 = arith.select %eq3A_197, %gather3A_153, %select_n3A_190 : vector<16xi1>, vector<16xf32>
      %eq3A_199 = arith.constant 4 : i32
      %eq3A_200 = vector.broadcast %eq3A_199 : i32 to vector<16xi32>
      %eq3A_201 = arith.cmpi eq, %iota3A, %eq3A_200 : vector<16xi32>
      %select_n3A_202 = arith.select %eq3A_201, %gather3A_153, %select_n3A_194 : vector<16xi1>, vector<16xf32>
      %eq3A_203 = arith.constant 4 : i32
      %eq3A_204 = vector.broadcast %eq3A_203 : i32 to vector<16xi32>
      %eq3A_205 = arith.cmpi eq, %iota3A, %eq3A_204 : vector<16xi32>
      %select_n3A_206 = arith.select %eq3A_205, %gather3A_154, %select_n3A_198 : vector<16xi1>, vector<16xf32>
      %eq3A_207 = arith.constant 5 : i32
      %eq3A_208 = vector.broadcast %eq3A_207 : i32 to vector<16xi32>
      %eq3A_209 = arith.cmpi eq, %iota3A, %eq3A_208 : vector<16xi32>
      %broadcast_in_dim3A_210 = vector.broadcast %convert_element_type3A_8 : f32 to vector<16xf32>
      %select_n3A_211 = arith.select %eq3A_209, %broadcast_in_dim3A_210, %select_n3A_202 : vector<16xi1>, vector<16xf32>
      %eq3A_212 = arith.constant 5 : i32
      %eq3A_213 = vector.broadcast %eq3A_212 : i32 to vector<16xi32>
      %eq3A_214 = arith.cmpi eq, %iota3A, %eq3A_213 : vector<16xi32>
      %jit3A_215 = arith.constant 1.000000e+00 : f32
      %broadcast_in_dim3A_216 = vector.broadcast %jit3A_215 : f32 to vector<16xf32>
      %select_n3A_217 = arith.select %eq3A_214, %broadcast_in_dim3A_216, %select_n3A_206 : vector<16xi1>, vector<16xf32>
      %eq3A_218 = arith.constant 6 : i32
      %eq3A_219 = vector.broadcast %eq3A_218 : i32 to vector<16xi32>
      %eq3A_220 = arith.cmpi eq, %iota3A, %eq3A_219 : vector<16xi32>
      %select_n3A_221 = arith.select %eq3A_220, %select_n3A, %select_n3A_211 : vector<16xi1>, vector<16xf32>
      %eq3A_222 = arith.constant 6 : i32
      %eq3A_223 = vector.broadcast %eq3A_222 : i32 to vector<16xi32>
      %eq3A_224 = arith.cmpi eq, %iota3A, %eq3A_223 : vector<16xi32>
      %select_n3A_225 = arith.select %eq3A_224, %select_n3A_163, %select_n3A_217 : vector<16xi1>, vector<16xf32>
      %eq3A_226 = arith.constant 7 : i32
      %eq3A_227 = vector.broadcast %eq3A_226 : i32 to vector<16xi32>
      %eq3A_228 = arith.cmpi eq, %iota3A, %eq3A_227 : vector<16xi32>
      %select_n3A_229 = arith.select %eq3A_228, %add3A_159, %select_n3A_221 : vector<16xi1>, vector<16xf32>
      %eq3A_230 = arith.constant 7 : i32
      %eq3A_231 = vector.broadcast %eq3A_230 : i32 to vector<16xi32>
      %eq3A_232 = arith.cmpi eq, %iota3A, %eq3A_231 : vector<16xi32>
      %jit3A_233 = arith.constant 1.000000e+00 : f32
      %broadcast_in_dim3A_234 = vector.broadcast %jit3A_233 : f32 to vector<16xf32>
      %select_n3A_235 = arith.select %eq3A_232, %broadcast_in_dim3A_234, %select_n3A_225 : vector<16xi1>, vector<16xf32>
      %mul3A_236 = arith.constant 16 : i32
      %mul3A_237 = arith.muli %while3A_121, %mul3A_236 : i32
      %div3A = arith.divf %select_n3A_229, %select_n3A_235 : vector<16xf32>
      %swap3A = arith.index_cast %mul3A_237 : i32 to index
      %swap3A_238 = tpu.vector_load %arg11[%swap3A] {strides = array<i32>} : memref<16384xf32, #tpu.memory_space<vmem>>, vector<16xf32>,
      tpu.vector_store %arg11[%swap3A], %div3A {strides = array<i32>} : memref<16384xf32, #tpu.memory_space<vmem>>, vector<16xf32>,
      %reduce_max3A_239 = arith.constant true
      %reduce_max3A_240 = vector.broadcast %reduce_max3A_239 : i1 to vector<16xi1>
      %reduce_max3A_241 = arith.constant -2147483648 : i32
      %reduce_max3A_242 = vector.broadcast %reduce_max3A_241 : i32 to vector<16xi32>
      %reduce_max3A_243 = arith.xori %gather3A, %reduce_max3A_242 : vector<16xi32>
      %reduce_max3A_244 = tpu.scan <max>, %reduce_max3A_243 masked %reduce_max3A_240 : vector<16xi32>, vector<16xi1> -> vector<16xi32>
      %reduce_max3A_245 = arith.xori %reduce_max3A_244, %reduce_max3A_242 : vector<16xi32>
      %reduce_max3A_246 = vector.extract %reduce_max3A_245[15] : i32 from vector<16xi32>
      %mul3A_247 = arith.constant 16 : i32
      %mul3A_248 = arith.muli %reduce_max3A_246, %mul3A_247 : i32
      %dma_start3A = tpu.memref_slice %arg11[%mul3A_237] : memref<16384xf32, #tpu.memory_space<vmem>> -> memref<16xf32, #tpu.memory_space<vmem>>
      %dma_start3A_249 = tpu.memref_slice %arg3[%mul3A_248] : memref<16384xf32, #tpu.memory_space<hbm>> -> memref<16xf32, #tpu.memory_space<hbm>>
      %dma_start3A_250 = tpu.memref_slice %arg3[%mul3A_248] : memref<16384xf32, #tpu.memory_space<hbm>> -> memref<16xf32, #tpu.memory_space<hbm>>
      %dma_start3A_251 = tpu.memref_slice %arg11[%mul3A_237] : memref<16384xf32, #tpu.memory_space<vmem>> -> memref<16xf32, #tpu.memory_space<vmem>>
      tpu.enqueue_dma source(%dma_start3A_251 : memref<16xf32, #tpu.memory_space<vmem>>) target(%dma_start3A_250 : memref<16xf32, #tpu.memory_space<hbm>>) target_semaphore(%arg13 : memref<!tpu.dma_semaphore, #tpu.memory_space<semaphore_mem>>)
      %add3A_252 = arith.constant 1 : i32
      %add3A_253 = arith.addi %while3A_121, %add3A_252 : i32
      scf.yield %add3A_253 : i32
    }
    %while3A_108 = arith.constant 1 : i32
    %while3A_109 = scf.for %while3A_120 = %while3A_105 to %while3A_101 step %while3A_108 iter_args(%while3A_121 = %while3A_107) -> (i32)  : i32 {
      %broadcast_in_dim3A_122 = vector.broadcast %while3A_120 : i32 to vector<16xi32>
      %add3A_123 = arith.constant 2048 : i32
      %add3A_124 = vector.broadcast %add3A_123 : i32 to vector<16xi32>
      %add3A_125 = arith.addi %add3A_124, %broadcast_in_dim3A_122 : vector<16xi32>
      %gather3A = tpu.vector_load_idx %arg5[%add3A_125] : memref<3088xi32, #tpu.memory_space<vmem>>[vector<16xi32>], vector<16xi32>,
      %add3A_126 = arith.constant 2048 : i32
      %add3A_127 = vector.broadcast %add3A_126 : i32 to vector<16xi32>
      %add3A_128 = arith.addi %add3A_127, %broadcast_in_dim3A_122 : vector<16xi32>
      %gather3A_129 = tpu.vector_load_idx %arg6[%add3A_128] : memref<3072xi32, #tpu.memory_space<vmem>>[vector<16xi32>], vector<16xi32>,
      %ge3A = arith.constant 0 : i32
      %ge3A_130 = vector.broadcast %ge3A : i32 to vector<16xi32>
      %ge3A_131 = arith.cmpi sge, %gather3A_129, %ge3A_130 : vector<16xi32>
      %max3A = arith.constant 0 : i32
      %max3A_132 = vector.broadcast %max3A : i32 to vector<16xi32>
      %max3A_133 = arith.maxsi %gather3A_129, %max3A_132 : vector<16xi32>
      %add3A_134 = arith.constant 2048 : i32
      %add3A_135 = vector.broadcast %add3A_134 : i32 to vector<16xi32>
      %add3A_136 = arith.addi %add3A_135, %max3A_133 : vector<16xi32>
      %add3A_137 = arith.constant 0 : i32
      %add3A_138 = vector.broadcast %add3A_137 : i32 to vector<16xi32>
      %add3A_139 = arith.addi %add3A_138, %add3A_136 : vector<16xi32>
      %gather3A_140 = tpu.vector_load_idx %arg8[%add3A_139] : memref<12288xf32, #tpu.memory_space<vmem>>[vector<16xi32>], vector<16xf32>,
      %add3A_141 = arith.constant 3072 : i32
      %add3A_142 = vector.broadcast %add3A_141 : i32 to vector<16xi32>
      %add3A_143 = arith.addi %add3A_142, %add3A_136 : vector<16xi32>
      %gather3A_144 = tpu.vector_load_idx %arg8[%add3A_143] : memref<12288xf32, #tpu.memory_space<vmem>>[vector<16xi32>], vector<16xf32>,
      %add3A_145 = arith.constant 6144 : i32
      %add3A_146 = vector.broadcast %add3A_145 : i32 to vector<16xi32>
      %add3A_147 = arith.addi %add3A_146, %add3A_136 : vector<16xi32>
      %gather3A_148 = tpu.vector_load_idx %arg8[%add3A_147] : memref<12288xf32, #tpu.memory_space<vmem>>[vector<16xi32>], vector<16xf32>,
      %add3A_149 = arith.constant 9216 : i32
      %add3A_150 = vector.broadcast %add3A_149 : i32 to vector<16xi32>
      %add3A_151 = arith.addi %add3A_150, %add3A_136 : vector<16xi32>
      %gather3A_152 = tpu.vector_load_idx %arg8[%add3A_151] : memref<12288xf32, #tpu.memory_space<vmem>>[vector<16xi32>], vector<16xf32>,
      %gather3A_153 = tpu.vector_load_idx %arg9[%add3A_136] : memref<3072xf32, #tpu.memory_space<vmem>>[vector<16xi32>], vector<16xf32>,
      %gather3A_154 = tpu.vector_load_idx %arg10[%add3A_136] : memref<3072xf32, #tpu.memory_space<vmem>>[vector<16xi32>], vector<16xf32>,
      %mul3A_155 = arith.constant 1.024000e+03 : f32
      %mul3A_156 = arith.mulf %convert_element_type3A_8, %mul3A_155 : f32
      %convert_element_type3A_157 = arith.sitofp %gather3A : vector<16xi32> to vector<16xf32>
      %add3A_158 = vector.broadcast %mul3A_156 : f32 to vector<16xf32>
      %add3A_159 = arith.addf %add3A_158, %convert_element_type3A_157 : vector<16xf32>
      %jit3A = arith.constant -3.000000e+38 : f32
      %broadcast_in_dim3A_160 = vector.broadcast %jit3A : f32 to vector<16xf32>
      %select_n3A = arith.select %ge3A_131, %gather3A_153, %broadcast_in_dim3A_160 : vector<16xi1>, vector<16xf32>
      %jit3A_161 = arith.constant 1.000000e+00 : f32
      %broadcast_in_dim3A_162 = vector.broadcast %jit3A_161 : f32 to vector<16xf32>
      %select_n3A_163 = arith.select %ge3A_131, %gather3A_154, %broadcast_in_dim3A_162 : vector<16xi1>, vector<16xf32>
      %broadcast_in_dim3A_164 = arith.constant 0.000000e+00 : f32
      %broadcast_in_dim3A_165 = vector.broadcast %broadcast_in_dim3A_164 : f32 to vector<16xf32>
      %broadcast_in_dim3A_166 = arith.constant 1.000000e+00 : f32
      %broadcast_in_dim3A_167 = vector.broadcast %broadcast_in_dim3A_166 : f32 to vector<16xf32>
      %eq3A = arith.constant 0 : i32
      %eq3A_168 = vector.broadcast %eq3A : i32 to vector<16xi32>
      %eq3A_169 = arith.cmpi eq, %iota3A, %eq3A_168 : vector<16xi32>
      %select_n3A_170 = arith.select %eq3A_169, %gather3A_140, %broadcast_in_dim3A_165 : vector<16xi1>, vector<16xf32>
      %eq3A_171 = arith.constant 0 : i32
      %eq3A_172 = vector.broadcast %eq3A_171 : i32 to vector<16xi32>
      %eq3A_173 = arith.cmpi eq, %iota3A, %eq3A_172 : vector<16xi32>
      %select_n3A_174 = arith.select %eq3A_173, %gather3A_153, %broadcast_in_dim3A_167 : vector<16xi1>, vector<16xf32>
      %eq3A_175 = arith.constant 1 : i32
      %eq3A_176 = vector.broadcast %eq3A_175 : i32 to vector<16xi32>
      %eq3A_177 = arith.cmpi eq, %iota3A, %eq3A_176 : vector<16xi32>
      %select_n3A_178 = arith.select %eq3A_177, %gather3A_144, %select_n3A_170 : vector<16xi1>, vector<16xf32>
      %eq3A_179 = arith.constant 1 : i32
      %eq3A_180 = vector.broadcast %eq3A_179 : i32 to vector<16xi32>
      %eq3A_181 = arith.cmpi eq, %iota3A, %eq3A_180 : vector<16xi32>
      %select_n3A_182 = arith.select %eq3A_181, %gather3A_153, %select_n3A_174 : vector<16xi1>, vector<16xf32>
      %eq3A_183 = arith.constant 2 : i32
      %eq3A_184 = vector.broadcast %eq3A_183 : i32 to vector<16xi32>
      %eq3A_185 = arith.cmpi eq, %iota3A, %eq3A_184 : vector<16xi32>
      %select_n3A_186 = arith.select %eq3A_185, %gather3A_148, %select_n3A_178 : vector<16xi1>, vector<16xf32>
      %eq3A_187 = arith.constant 2 : i32
      %eq3A_188 = vector.broadcast %eq3A_187 : i32 to vector<16xi32>
      %eq3A_189 = arith.cmpi eq, %iota3A, %eq3A_188 : vector<16xi32>
      %select_n3A_190 = arith.select %eq3A_189, %gather3A_153, %select_n3A_182 : vector<16xi1>, vector<16xf32>
      %eq3A_191 = arith.constant 3 : i32
      %eq3A_192 = vector.broadcast %eq3A_191 : i32 to vector<16xi32>
      %eq3A_193 = arith.cmpi eq, %iota3A, %eq3A_192 : vector<16xi32>
      %select_n3A_194 = arith.select %eq3A_193, %gather3A_152, %select_n3A_186 : vector<16xi1>, vector<16xf32>
      %eq3A_195 = arith.constant 3 : i32
      %eq3A_196 = vector.broadcast %eq3A_195 : i32 to vector<16xi32>
      %eq3A_197 = arith.cmpi eq, %iota3A, %eq3A_196 : vector<16xi32>
      %select_n3A_198 = arith.select %eq3A_197, %gather3A_153, %select_n3A_190 : vector<16xi1>, vector<16xf32>
      %eq3A_199 = arith.constant 4 : i32
      %eq3A_200 = vector.broadcast %eq3A_199 : i32 to vector<16xi32>
      %eq3A_201 = arith.cmpi eq, %iota3A, %eq3A_200 : vector<16xi32>
      %select_n3A_202 = arith.select %eq3A_201, %gather3A_153, %select_n3A_194 : vector<16xi1>, vector<16xf32>
      %eq3A_203 = arith.constant 4 : i32
      %eq3A_204 = vector.broadcast %eq3A_203 : i32 to vector<16xi32>
      %eq3A_205 = arith.cmpi eq, %iota3A, %eq3A_204 : vector<16xi32>
      %select_n3A_206 = arith.select %eq3A_205, %gather3A_154, %select_n3A_198 : vector<16xi1>, vector<16xf32>
      %eq3A_207 = arith.constant 5 : i32
      %eq3A_208 = vector.broadcast %eq3A_207 : i32 to vector<16xi32>
      %eq3A_209 = arith.cmpi eq, %iota3A, %eq3A_208 : vector<16xi32>
      %broadcast_in_dim3A_210 = vector.broadcast %convert_element_type3A_8 : f32 to vector<16xf32>
      %select_n3A_211 = arith.select %eq3A_209, %broadcast_in_dim3A_210, %select_n3A_202 : vector<16xi1>, vector<16xf32>
      %eq3A_212 = arith.constant 5 : i32
      %eq3A_213 = vector.broadcast %eq3A_212 : i32 to vector<16xi32>
      %eq3A_214 = arith.cmpi eq, %iota3A, %eq3A_213 : vector<16xi32>
      %jit3A_215 = arith.constant 1.000000e+00 : f32
      %broadcast_in_dim3A_216 = vector.broadcast %jit3A_215 : f32 to vector<16xf32>
      %select_n3A_217 = arith.select %eq3A_214, %broadcast_in_dim3A_216, %select_n3A_206 : vector<16xi1>, vector<16xf32>
      %eq3A_218 = arith.constant 6 : i32
      %eq3A_219 = vector.broadcast %eq3A_218 : i32 to vector<16xi32>
      %eq3A_220 = arith.cmpi eq, %iota3A, %eq3A_219 : vector<16xi32>
      %select_n3A_221 = arith.select %eq3A_220, %select_n3A, %select_n3A_211 : vector<16xi1>, vector<16xf32>
      %eq3A_222 = arith.constant 6 : i32
      %eq3A_223 = vector.broadcast %eq3A_222 : i32 to vector<16xi32>
      %eq3A_224 = arith.cmpi eq, %iota3A, %eq3A_223 : vector<16xi32>
      %select_n3A_225 = arith.select %eq3A_224, %select_n3A_163, %select_n3A_217 : vector<16xi1>, vector<16xf32>
      %eq3A_226 = arith.constant 7 : i32
      %eq3A_227 = vector.broadcast %eq3A_226 : i32 to vector<16xi32>
      %eq3A_228 = arith.cmpi eq, %iota3A, %eq3A_227 : vector<16xi32>
      %select_n3A_229 = arith.select %eq3A_228, %add3A_159, %select_n3A_221 : vector<16xi1>, vector<16xf32>
      %eq3A_230 = arith.constant 7 : i32
      %eq3A_231 = vector.broadcast %eq3A_230 : i32 to vector<16xi32>
      %eq3A_232 = arith.cmpi eq, %iota3A, %eq3A_231 : vector<16xi32>
      %jit3A_233 = arith.constant 1.000000e+00 : f32
      %broadcast_in_dim3A_234 = vector.broadcast %jit3A_233 : f32 to vector<16xf32>
      %select_n3A_235 = arith.select %eq3A_232, %broadcast_in_dim3A_234, %select_n3A_225 : vector<16xi1>, vector<16xf32>
      %mul3A_236 = arith.constant 16 : i32
      %mul3A_237 = arith.muli %while3A_121, %mul3A_236 : i32
      %div3A = arith.divf %select_n3A_229, %select_n3A_235 : vector<16xf32>
      %swap3A = arith.index_cast %mul3A_237 : i32 to index
      %swap3A_238 = tpu.vector_load %arg11[%swap3A] {strides = array<i32>} : memref<16384xf32, #tpu.memory_space<vmem>>, vector<16xf32>,
      tpu.vector_store %arg11[%swap3A], %div3A {strides = array<i32>} : memref<16384xf32, #tpu.memory_space<vmem>>, vector<16xf32>,
      %reduce_max3A_239 = arith.constant true
      %reduce_max3A_240 = vector.broadcast %reduce_max3A_239 : i1 to vector<16xi1>
      %reduce_max3A_241 = arith.constant -2147483648 : i32
      %reduce_max3A_242 = vector.broadcast %reduce_max3A_241 : i32 to vector<16xi32>
      %reduce_max3A_243 = arith.xori %gather3A, %reduce_max3A_242 : vector<16xi32>
      %reduce_max3A_244 = tpu.scan <max>, %reduce_max3A_243 masked %reduce_max3A_240 : vector<16xi32>, vector<16xi1> -> vector<16xi32>
      %reduce_max3A_245 = arith.xori %reduce_max3A_244, %reduce_max3A_242 : vector<16xi32>
      %reduce_max3A_246 = vector.extract %reduce_max3A_245[15] : i32 from vector<16xi32>
      %mul3A_247 = arith.constant 16 : i32
      %mul3A_248 = arith.muli %reduce_max3A_246, %mul3A_247 : i32
      %dma_start3A = tpu.memref_slice %arg11[%mul3A_237] : memref<16384xf32, #tpu.memory_space<vmem>> -> memref<16xf32, #tpu.memory_space<vmem>>
      %dma_start3A_249 = tpu.memref_slice %arg3[%mul3A_248] : memref<16384xf32, #tpu.memory_space<hbm>> -> memref<16xf32, #tpu.memory_space<hbm>>
      %dma_start3A_250 = tpu.memref_slice %arg3[%mul3A_248] : memref<16384xf32, #tpu.memory_space<hbm>> -> memref<16xf32, #tpu.memory_space<hbm>>
      %dma_start3A_251 = tpu.memref_slice %arg11[%mul3A_237] : memref<16384xf32, #tpu.memory_space<vmem>> -> memref<16xf32, #tpu.memory_space<vmem>>
      tpu.enqueue_dma source(%dma_start3A_251 : memref<16xf32, #tpu.memory_space<vmem>>) target(%dma_start3A_250 : memref<16xf32, #tpu.memory_space<hbm>>) target_semaphore(%arg13 : memref<!tpu.dma_semaphore, #tpu.memory_space<semaphore_mem>>)
      %add3A_252 = arith.constant 1 : i32
      %add3A_253 = arith.addi %while3A_121, %add3A_252 : i32
      scf.yield %add3A_253 : i32
    }
    %while3A_110 = arith.constant 0 : i32
    %while3A_111 = arith.constant 0 : i32
    %while3A_112 = arith.subi %while3A_109, %while3A_111 : i32
    %while3A_113 = arith.addi %while3A_111, %while3A_112 : i32
    %while3A_114 = arith.constant 1 : i32
    %while3A_115 = arith.divsi %while3A_112, %while3A_114 : i32
    %while3A_116 = arith.muli %while3A_115, %while3A_114 : i32
    %while3A_117 = arith.addi %while3A_111, %while3A_116 : i32
    %while3A_118 = arith.constant 1 : i32
    scf.for %while3A_120 = %while3A_111 to %while3A_117 step %while3A_118  : i32 {
      %dma_wait3A = arith.constant 0 : i32
      %dma_wait3A_121 = tpu.memref_slice %arg2[%dma_wait3A] : memref<7200xf32, #tpu.memory_space<hbm>> -> memref<16xf32, #tpu.memory_space<hbm>>
      %dma_wait3A_122 = arith.constant 0 : i32
      %dma_wait3A_123 = tpu.memref_slice %arg2[%dma_wait3A_122] : memref<7200xf32, #tpu.memory_space<hbm>> -> memref<16xf32, #tpu.memory_space<hbm>>
      tpu.wait_dma2 semaphore(%arg13 : memref<!tpu.dma_semaphore, #tpu.memory_space<semaphore_mem>>) src(%dma_wait3A_123 : memref<16xf32, #tpu.memory_space<hbm>>) dst(%arg12 : memref<16xf32, #tpu.memory_space<vmem>>)
    }
    %while3A_119 = arith.constant 1 : i32
    scf.for %while3A_120 = %while3A_117 to %while3A_113 step %while3A_119  : i32 {
      %dma_wait3A = arith.constant 0 : i32
      %dma_wait3A_121 = tpu.memref_slice %arg2[%dma_wait3A] : memref<7200xf32, #tpu.memory_space<hbm>> -> memref<16xf32, #tpu.memory_space<hbm>>
      %dma_wait3A_122 = arith.constant 0 : i32
      %dma_wait3A_123 = tpu.memref_slice %arg2[%dma_wait3A_122] : memref<7200xf32, #tpu.memory_space<hbm>> -> memref<16xf32, #tpu.memory_space<hbm>>
      tpu.wait_dma2 semaphore(%arg13 : memref<!tpu.dma_semaphore, #tpu.memory_space<semaphore_mem>>) src(%dma_wait3A_123 : memref<16xf32, #tpu.memory_space<hbm>>) dst(%arg12 : memref<16xf32, #tpu.memory_space<vmem>>)
    }
    return
  }
}

module attributes {stable_mosaic.version = 14 : i64} {
  func.func @_rank_tc_body(%arg0: memref<1024x16xf32, #tpu.memory_space<vmem>>, %arg1: memref<300x6xf32, #tpu.memory_space<vmem>>) attributes {dimension_semantics = [], scalar_prefetch = 0 : i64, scratch_operands = 0 : i64, tpu.core_type = #tpu.core_type<tc>} {
    %iota3A = tpu.iota {dimensions = array<i32: 0>} : vector<1024x1xi32>
    %lt3A = arith.constant 1000 : i32
    %lt3A_0 = vector.broadcast %lt3A : i32 to vector<1024x1xi32>
    %lt3A_1 = arith.cmpi slt, %iota3A, %lt3A_0 : vector<1024x1xi32>
    %get3A = arith.constant 0 : index
    %get3A_2 = arith.constant 6 : index
    %get3A_3 = vector.load %arg0[%get3A, %get3A_2] : memref<1024x16xf32, #tpu.memory_space<vmem>>, vector<1024x1xf32>
    %jit3A = arith.constant -3.000000e+38 : f32
    %broadcast_in_dim3A = vector.broadcast %jit3A : f32 to vector<1024x1xf32>
    %select_n3A = arith.select %lt3A_1, %get3A_3, %broadcast_in_dim3A : vector<1024x1xi1>, vector<1024x1xf32>
    %get3A_4 = arith.constant 0 : index
    %get3A_5 = arith.constant 7 : index
    %get3A_6 = vector.load %arg0[%get3A_4, %get3A_5] : memref<1024x16xf32, #tpu.memory_space<vmem>>, vector<1024x1xf32>
    %convert_element_type3A = arith.sitofp %iota3A : vector<1024x1xi32> to vector<1024x1xf32>
    %add3A = arith.constant 2.000000e+08 : f32
    %add3A_7 = vector.broadcast %add3A : f32 to vector<1024x1xf32>
    %add3A_8 = arith.addf %add3A_7, %convert_element_type3A : vector<1024x1xf32>
    %select_n3A_9 = arith.select %lt3A_1, %get3A_6, %add3A_8 : vector<1024x1xi1>, vector<1024x1xf32>
    %reshape3A = vector.shape_cast %select_n3A : vector<1024x1xf32> to vector<1x1024xf32>
    %reshape3A_10 = vector.shape_cast %select_n3A_9 : vector<1024x1xf32> to vector<1x1024xf32>
    %gt3A = vector.broadcast %select_n3A : vector<1024x1xf32> to vector<1024x1024xf32>
    %gt3A_11 = vector.broadcast %reshape3A : vector<1x1024xf32> to vector<1024x1024xf32>
    %gt3A_12 = arith.cmpf ogt, %gt3A, %gt3A_11 : vector<1024x1024xf32>
    %eq3A = vector.broadcast %select_n3A : vector<1024x1xf32> to vector<1024x1024xf32>
    %eq3A_13 = vector.broadcast %reshape3A : vector<1x1024xf32> to vector<1024x1024xf32>
    %eq3A_14 = arith.cmpf oeq, %eq3A, %eq3A_13 : vector<1024x1024xf32>
    %lt3A_15 = vector.broadcast %select_n3A_9 : vector<1024x1xf32> to vector<1024x1024xf32>
    %lt3A_16 = vector.broadcast %reshape3A_10 : vector<1x1024xf32> to vector<1024x1024xf32>
    %lt3A_17 = arith.cmpf olt, %lt3A_15, %lt3A_16 : vector<1024x1024xf32>
    %and3A = arith.andi %eq3A_14, %lt3A_17 : vector<1024x1024xi1>
    %or3A = arith.ori %gt3A_12, %and3A : vector<1024x1024xi1>
    %convert_element_type3A_18 = arith.extui %or3A : vector<1024x1024xi1> to vector<1024x1024xi32>
    %convert_element_type3A_19 = arith.sitofp %convert_element_type3A_18 : vector<1024x1024xi32> to vector<1024x1024xf32>
    %reduce_sum3A = arith.constant dense<0.000000e+00> : vector<1024xf32>
    %reduce_sum3A_20 = vector.multi_reduction <add>, %convert_element_type3A_19, %reduce_sum3A [0] : vector<1024x1024xf32> to vector<1024xf32>
    %broadcast_in_dim3A_21 = vector.shape_cast %reduce_sum3A_20 : vector<1024xf32> to vector<1x1024xf32>
    %iota3A_22 = tpu.iota {dimensions = array<i32: 0>} : vector<304x1xi32>
    %convert_element_type3A_23 = arith.sitofp %iota3A_22 : vector<304x1xi32> to vector<304x1xf32>
    %eq3A_24 = vector.broadcast %broadcast_in_dim3A_21 : vector<1x1024xf32> to vector<304x1024xf32>
    %eq3A_25 = vector.broadcast %convert_element_type3A_23 : vector<304x1xf32> to vector<304x1024xf32>
    %eq3A_26 = arith.cmpf oeq, %eq3A_24, %eq3A_25 : vector<304x1024xf32>
    %convert_element_type3A_27 = arith.extui %eq3A_26 : vector<304x1024xi1> to vector<304x1024xi32>
    %convert_element_type3A_28 = arith.sitofp %convert_element_type3A_27 : vector<304x1024xi32> to vector<304x1024xf32>
    %get3A_29 = arith.constant 0 : index
    %get3A_30 = arith.constant 0 : index
    %get3A_31 = vector.load %arg0[%get3A_29, %get3A_30] : memref<1024x16xf32, #tpu.memory_space<vmem>>, vector<1024x16xf32>
    %jit3A_32 = arith.constant 0.000000e+00 : f32
    %broadcast_in_dim3A_33 = vector.shape_cast %lt3A_1 : vector<1024x1xi1> to vector<1024x1xi1>
    %broadcast_in_dim3A_34 = vector.broadcast %broadcast_in_dim3A_33 : vector<1024x1xi1> to vector<1024x16xi1>
    %broadcast_in_dim3A_35 = vector.broadcast %jit3A_32 : f32 to vector<1024x16xf32>
    %select_n3A_36 = arith.select %broadcast_in_dim3A_34, %get3A_31, %broadcast_in_dim3A_35 : vector<1024x16xi1>, vector<1024x16xf32>
    %dot_general3A = arith.constant dense<0.000000e+00> : vector<304x16xf32>
    %dot_general3A_37 = tpu.matmul %convert_element_type3A_28, %select_n3A_36, %dot_general3A {dimension_numbers = #tpu.dot_dimension_numbers<[1], [0], [0], [1], [0, 0, 1, 1], [], []>, precision = #tpu.contract_precision<fp32>, transpose_lhs_hint = false} : vector<304x1024xf32>, vector<1024x16xf32>, vector<304x16xf32> -> vector<304x16xf32>
    %slice3A = vector.extract_strided_slice %dot_general3A_37 {offsets = [0, 0], sizes = [300, 6], strides = [1, 1]} : vector<304x16xf32> to vector<300x6xf32>
    %swap3A = arith.constant 0 : index
    %swap3A_38 = arith.constant 0 : index
    %swap3A_39 = vector.load %arg1[%swap3A, %swap3A_38] : memref<300x6xf32, #tpu.memory_space<vmem>>, vector<300x6xf32>
    tpu.vector_store %arg1[%swap3A, %swap3A_38], %slice3A {strides = array<i32>} : memref<300x6xf32, #tpu.memory_space<vmem>>, vector<300x6xf32>,
    return
  }
}

</mosaic_0001>

<sc_bundles>
// kernel: kernel.4.cloned.1.call-start
scs
__scs_entry_jumppad:
0x0: {  	(pc) =	sbr.rel $0x88, $3  }
0x1: {  	(tag) =	ssettag $0x0;
	lr =	simm.s32 $0x1  }
0x2: {  	[smem:$0x3FA0] =	sst lr;
	_ =	strace $0xD0000000  }
0x3: {  	_ = 	snop  }
0x4: {  	_ = 	snop  }
0x5: {  	_ = 	snop  }
0x6: {  	_ = 	snop  }
0x7: {  	_ = 	snop  }
__scs_overlays_trampoline_lowered:
0x8: {  	[smem:$0x3FAF] =	sst s0  }
0x9: {  	[smem:$0x3FB0] =	sst s1  }
0xa: {  	[smem:$0x3FB1] =	sst s2  }
0xb: {  	[smem:$0x3FB2] =	sst s3  }
0xc: {  	[smem:$0x3FB3] =	sst s4  }
0xd: {  	[smem:$0x3FB4] =	sst s5  }
0xe: {  	[smem:$0x3FB5] =	sst s6  }
0xf: {  	[smem:$0x3FB6] =	sst s7  }
0x10: {  	[smem:$0x3FB7] =	sst s8  }
0x11: {  	[smem:$0x3FB8] =	sst s9;
	s0 =	simm.s32 @!p0 $0x0  }
0x12: {  	s1 =	sld [smem:$0x3F9E];
	s0 =	simm.s32 @p0 $0x1  }
0x13: {  	[smem:$0x3FB9] =	sst s0;
	s0 =	simm.s32 @!p1 $0x0  }
0x14: {  	s2 =	sld [smem:$0x3F9D];
	s0 =	simm.s32 @p1 $0x1  }
0x15: {  	[smem:$0x3FBA] =	sst s0;
	s0 =	simm.s32 @!p2 $0x0  }
0x16: {  	s3 =	sld [smem:$0x3FDB];
	s0 =	simm.s32 @p2 $0x1  }
0x17: {  	s4 =	simm.s32 $0x1BF5;
	[smem:$0x3FBC] =	sst s0  }
0x18: {  	s0 =	sld [smem:$0x3F9F];
	_ =	swait.ge [sflag:s4], $0x0  }
0x19: {  	s7 =	sld [smem:$0x3FA0]  }
0x1a: {  	s8 =	sadd.s32 $0xFFFFE003, lr  }
0x1b: {  	s9 =	sadd.s32 $0xFFFFFEF7, lr;
	s5 =	simm.s32 $0xFFFFFFFF;
	p2 =	slt.u32 s8, $0xFFFFF086  }
0x1c: {  	p1 =	slt.u32 s9, $0xF7A;
	s5 =	simm.s32 @!p2 $0x0  }
0x1d: {  	s5 =	simm.s32 @p1 $0x1;
	p0 =	seq.s32 s7, s2  }
0x1e: {  	s7 =	smul.u32 @!p0 $0xF7A, s2;
	p2 =	seq.s32 @!p0 s5, $0x0  }
0x1f: {  	s9 =	smul.u32 $0xF7A, s1;
	s8 =	simm.s32 @!p0 $0x1BF5;
	p2 =	por !p2, p0  }
0x20: {  	[sflag:s8] =	ssyncset.s32 @!p0 $0xFFFFF086;
	s6 =	sadd.s32 @!p0 s3, s7;
	s7 =	simm.s32 @!p0 $0x108  }
0x21: {  	s3 =	sadd.s32 s3, s9;
	s6 =	sadd.s32 @!p0 $0x88, s6;
	s7 =	simm.s32 @p2 $0x1082  }
0x22: {  	[simem:s7], [sflag:s8] =	dma.local @!p0 [hbm:s6], $0xF7A  }
0x23: {  	s9 =	sor.u32 $0xD0000000, s2;
	s6 =	simm.s32 $0x108;
	_ =	swait.ge @!p0 [sflag:s8], $0x0  }
0x24: {  	s3 =	sadd.s32 $0x88, s3;
	s6 =	simm.s32 @!p1 $0x1082;
	[sflag:s4] =	ssyncset.s32 $0xFFFFF086  }
0x25: {  	[simem:s6], [sflag:s4] =	dma.local [hbm:s3], $0xF7A  }
0x26: {  	[smem:$0x3FA0] =	sst s1;
	(tag) =	ssettag s2;
	_ =	strace s9  }
0x27: {  	s1 =	sld [smem:$0x3FB0]  }
0x28: {  	s2 =	sld [smem:$0x3FB1]  }
0x29: {  	s4 =	sld [smem:$0x3FB3]  }
0x2a: {  	p0 =	seq.s32 s5, $0x0;
	s5 =	sld [smem:$0x3FB4]  }
0x2b: {  	s6 =	sld [smem:$0x3FB5]  }
0x2c: {  	s7 =	sld [smem:$0x3FB6]  }
0x2d: {  	s3 =	simm.s32 $0x108;
	s8 =	sld [smem:$0x3FB7]  }
0x2e: {  	s3 =	simm.s32 @!p0 $0x1082;
	s9 =	sld [smem:$0x3FB8]  }
0x2f: {  	lr =	sadd.s32 s0, s3;
	s0 =	sld [smem:$0x3FAF]  }
0x30: {  	s3 =	sld [smem:$0x3FB2]  }
0x31: {  	[smem:$0x3FBB] =	sst s10  }
0x32: {  	s10 =	sld [smem:$0x3FB9];
	_ =	sdelay $0x3  }
0x33: {  	p0 =	seq.s32 s10, $0x1;
	s10 =	sld [smem:$0x3FBB];
	_ =	sdelay $0x3  }
0x34: {  	[smem:$0x3FBB] =	sst s10  }
0x35: {  	s10 =	sld [smem:$0x3FBA];
	_ =	sdelay $0x3  }
0x36: {  	p1 =	seq.s32 s10, $0x1;
	s10 =	sld [smem:$0x3FBB];
	_ =	sdelay $0x3  }
0x37: {  	[smem:$0x3FBB] =	sst s10  }
0x38: {  	s10 =	sld [smem:$0x3FBC]  }
0x39: {  	_ = 	snop;
	(pc) =	sbr.ind lr, $3  }
0x3a: {  	_ = 	snop  }
0x3b: {  	_ = 	snop  }
0x3c: {  	p2 =	seq.s32 s10, $0x1;
	s10 =	sld [smem:$0x3FBB]  }
0x3d: {  	_ =	shalt  }
0x3e: {  	_ =	shalt  }
0x3f: {  	_ =	shalt  }
0x40: {  	_ =	shalt  }
0x41: {  	_ =	shalt  }
0x42: {  	_ =	shalt  }
0x43: {  	_ =	shalt  }
0x44: {  	_ =	shalt  }
0x45: {  	_ =	shalt  }
0x46: {  	_ =	shalt  }
0x47: {  	_ =	shalt  }
0x48: {  	_ =	shalt  }
0x49: {  	_ =	shalt  }
0x4a: {  	_ =	shalt  }
0x4b: {  	_ =	shalt  }
0x4c: {  	_ =	shalt  }
0x4d: {  	_ =	shalt  }
0x4e: {  	_ =	shalt  }
0x4f: {  	_ =	shalt  }
0x50: {  	_ =	shalt  }
0x51: {  	_ =	shalt  }
0x52: {  	_ =	shalt  }
0x53: {  	_ =	shalt  }
0x54: {  	_ =	shalt  }
0x55: {  	_ =	shalt  }
0x56: {  	_ =	shalt  }
0x57: {  	_ =	shalt  }
0x58: {  	_ =	shalt  }
0x59: {  	_ =	shalt  }
0x5a: {  	_ =	shalt  }
0x5b: {  	_ =	shalt  }
0x5c: {  	_ =	shalt  }
0x5d: {  	_ =	shalt  }
0x5e: {  	_ =	shalt  }
0x5f: {  	_ =	shalt  }
0x60: {  	_ =	shalt  }
0x61: {  	_ =	shalt  }
0x62: {  	_ =	shalt  }
0x63: {  	_ =	shalt  }
0x64: {  	_ =	shalt  }
0x65: {  	_ =	shalt  }
0x66: {  	_ =	shalt  }
0x67: {  	_ =	shalt  }
0x68: {  	_ =	shalt  }
0x69: {  	_ =	shalt  }
0x6a: {  	_ =	shalt  }
0x6b: {  	_ =	shalt  }
0x6c: {  	_ =	shalt  }
0x6d: {  	_ =	shalt  }
0x6e: {  	_ =	shalt  }
0x6f: {  	_ =	shalt  }
0x70: {  	_ =	shalt  }
0x71: {  	_ =	shalt  }
0x72: {  	_ =	shalt  }
0x73: {  	_ =	shalt  }
0x74: {  	_ =	shalt  }
0x75: {  	_ =	shalt  }
0x76: {  	_ =	shalt  }
0x77: {  	_ =	shalt  }
0x78: {  	_ =	shalt  }
0x79: {  	_ =	shalt  }
0x7a: {  	_ =	shalt  }
0x7b: {  	_ =	shalt  }
0x7c: {  	_ =	shalt  }
0x7d: {  	_ =	shalt  }
0x7e: {  	_ =	shalt  }
0x7f: {  	_ =	shalt  }
0x80: {  	_ =	shalt  }
0x81: {  	_ =	shalt  }
0x82: {  	_ =	shalt  }
0x83: {  	_ =	shalt  }
0x84: {  	_ =	shalt  }
0x85: {  	_ =	shalt  }
0x86: {  	_ =	shalt  }
0x87: {  	_ =	shalt  }
.Lfunc_end0:
.L_simem_size_0:
called_computation_lowered:
.L_overlay_start_0:
0x88: {  	s2 =	sld [smem:$0x3FD9]  }
0x89: {  	s3 =	sld [smem:$0x3FFE];
	_ =	sdelay $0x1  }
0x8a: {  	s1 =	srdreg.scid  }
0x8b: {  	s0 =	sand.u32 $0x1, s1  }
0x8c: {  	s16 =	sshll.u32 s0, $0xA;
	s2 =	sadd.s32 s3, s2  }
0x8d: {  	s2 =	sadd.s32 s2, s16  }
0x8e: {  	[smem:$0x3FC7] =	sst s2  }
0x8f: {  	_ = 	snop  }
0x90: {  	(tm) =	ssettm $0x1  }
0x91: {  	s17 =	sld [smem:$0x3FFB];
	_ =	sdelay $0x3  }
0x92: {  	_ =	strace s17  }
0x93: {  	s2 =	sld [smem:$0x3FFC];
	_ =	sdelay $0x3  }
0x94: {  	_ =	strace s2  }
0x95: {  	s2 =	sld [smem:$0x3FFD];
	_ =	sdelay $0x3  }
0x96: {  	_ =	strace s2  }
0x97: {  	_ =	strace $0x8FFFFFFF  }
0x98: {  	s18 =	sld [smem:$0x3FDB];
	_ =	sdelay $0x1  }
0x99: {  	s19 =	simm.s32 $_scs_section_size  }
0x9a: {  	s4 =	simm.s32 $_size__tile_overlayer_lowered;
	s5 =	simm.s32 $_tile_overlayer_lowered  }
0x9b: {  	s22 =	simm.s32 $0x1BFF;
	s21 =	sshll.u32 s5, $0x1;
	s2 =	sadd.s32 s19, s18  }
0x9c: {  	s6 =	simm.s32 $0x0;
	s20 =	sshll.u32 s4, $0x1;
	s4 =	sadd.s32 s21, s2  }
0x9d: {  	[timem:s6], [sflag:s22] =	dma.local [hbm:s4], s20  }
0x9e: {  	_ =	swait.ge [sflag:s22], s20  }
0x9f: {  	s3 =	ssub.s32 $0x0, s20;
	[sflag:s22] =	ssyncset.done $0x0  }
0xa0: {  	[sflag:s22] =	ssyncadd.s32 s3;
	_ =	sdelay $0x1  }
0xa1: {  	s23 =	simm.s32 $0x1B8B  }
0xa2: {  	_ =	swait.ge [sflag:s23], $0x1  }
0xa3: {  	[sflag:s23] =	ssyncset.done $0x0  }
0xa4: {  	s25 =	simm.s32 $0x1B8E;
	s24 =	sld [smem:$0x3FFE];
	[sflag:s23] =	ssyncadd.s32 $0xFFFFFFFF  }
0xa5: {  	s26 =	simm.s32 $execute0_lowered;
	[smem:$0x3FD2] =	sst s25  }
0xa6: {  	s4 =	sshll.u32 s26, $0x1;
	_ =	strace $0x80000046;
	[dreg:$0x1] =	wrdreg $0xFFFFFFFF  }
0xa7: {  	s28 =	simm.s32 $_size_execute0_lowered;
	s2 =	sadd.s32 s2, s4;
	[dreg:$0x0] =	wrdreg $0x0  }
0xa8: {  	s4 =	sshll.u32 s28, $0x1;
	[dreg:$0x2] =	wrdreg s2  }
0xa9: {  	[dreg:$0x3] =	wrdreg s4  }
0xaa: {  	[dreg:$0x4] =	wrdreg $0xC0  }
0xab: {  	_ =	task [dreg:s6], $0x5FFFF  }
0xac: {  	[dreg:$0x1] =	wrdreg $0xFFFFFFFF  }
0xad: {  	[dreg:$0x0] =	wrdreg $0x60  }
0xae: {  	[dreg:$0x2] =	wrdreg s24  }
0xaf: {  	[dreg:$0x3] =	wrdreg $0x9  }
0xb0: {  	_ =	task.clear_ibuf [dreg:s6], $0x4FFFF;
	_ =	strace $0x90000046  }
0xb1: {  	s29 =	simm.s32 $0x9;
	_ =	strace $0x80000048  }
0xb2: {  	_ =	swait.ge [sflag:s29], $0x1  }
0xb3: {  	[sflag:s29] =	ssyncadd.s32 $0xFFFFFFFF  }
0xb4: {  	_ =	strace $0x90000048  }
0xb5: {  	_ =	sfence  }
0xb6: {  	s30 =	sld [smem:$0x0];
	_ =	sdelay $0x2  }
0xb7: {  	s31 =	sshll.u32 s1, $0xD;
	s1 =	sshrl.u32 s1, $0x2  }
0xb8: {  	s3 =	sand.u32 $0x4000, s31;
	s1 =	sadd.s32 s1, s30  }
0xb9: {  	s0 =	sor.u32 s3, s0;
	s1 =	sshll.u32 s1, $0x11  }
0xba: {  	s0 =	sor.u32 s1, s0  }
0xbb: {  	s0 =	sadd.s32 $0x8F2B, s0  }
0xbc: {  	[sflag:s0] =	ssyncadd.remote.s32 $0x1  }
0xbd: {  	_ =	sfence.sel $0xFFFF  }
0xbe: {  	[dreg:$0x0] =	wrdreg $0xFFFFFFFF;
	(pc) =	sbr.abs _section_cstart, $3  }
0xbf: {  	[dreg:$0x1] =	wrdreg $0xFFFFFFFF  }
0xc0: {  	_ =	task.clear_ibuf [dreg:s6], $0x2FFFF;
	_ =	strace $0x9FFFFFFF  }
0xc1: {  	(tm) =	ssettm $0x7FFFFFFF  }
tec
execute0_lowered:
.L_overlay_start_1:
0x0: {  	(tag) =	ssettag $0x1  }
0x1: {  	s7 =	rddreg [dreg:$0x0];
	s2 =	srdreg.scid  }
0x2: {  	s1 =	stileid.u32;
	s0 =	rddreg [dreg:$0x1]  }
0x3: {  	s12 =	simm.s32 $0xA100;
	s13 =	simm.s32 $0x6500;
	s14 =	simm.s32 $0x3500  }
0x4: {  	s15 =	simm.s32 $0x2900;
	s16 =	simm.s32 $0x1;
	s17 =	simm.s32 $0x0  }
0x5: {  	s3 =	sand.u32 $0x1, s2;
	s4 =	sshll.u32 s1, $0x1;
	s2 =	simm.s32 $0x0  }
0x6: {  	s6 =	ssub.s32 $0x2, s3;
	s8 =	sor.u32 s3, s4;
	[smem:$0x7FF] =	sst s2  }
0x7: {  	s9 =	sshrl.u32 s6, $0x1;
	s10 =	sor.u32 $0x20, s8;
	s3 =	scvt.s32.f32 s8  }
0x8: {  	s11 =	sor.u32 $0x40, s8;
	s8 =	sshll.u32 s8, $0xA;
	s4 =	scvt.s32.f32 s10  }
.Ltmp0:
0x9: {  	v5 =	vlaneseq.u32;
	v7 =	vimm.s32 $0x0;
	vm0 =	vcmask $0x320;
	_ =	strace $0x80000047;
	s5 =	scvt.s32.f32 s11;
	(pc) =	sbr.rel .LBB2_1-.Ltmp0, $4  }
0xa: {  	vm1 =	vcmask $0x720;
	vm2 =	vcmask $0xB20;
	vm3 =	vcmask $0xF20;
	s10 =	sshll.u32 s10, $0xA;
	s8 =	scvt.s32.f32 s8;
	s11 =	sshll.u32 s11, $0xA  }
0xb: {  	vm4 =	vcmask $0x1720;
	vm5 =	vcmask $0x1B20;
	v8 =	vor.u32 $0xC00, v5;
	s9 =	ssub.s32 s6, s9;
	s10 =	scvt.s32.f32 s10;
	s11 =	scvt.s32.f32 s11  }
0xc: {  	s6 =	sadd.s32 $0x400, s7;
	s7 =	sadd.s32 $0x800, s7;
	v0 =	vmov s3;
	v1 =	vmov s4;
	v3 =	vmov s8;
	s8 =	smax.u32 s9, $0x1  }
0xd: {  	v2 =	vmov s5;
	s9 =	simm.s32 $0x2;
	v4 =	vmov s10;
	v6 =	vmov s11;
	s10 =	simm.s32 $0x1C80;
	s11 =	simm.s32 $0x9500  }
.LBB2_62:
0xe: {  	[sflag:s16] =	ssyncadd.s32 $0xFFFFFFF0  }
.LBB2_63:
0xf: {  	s17 =	sadd.s32 $0x1, s17  }
0x10: {  	p0 =	sne.s32 s17, s8  }
.Ltmp1:
0x11: {  	_ = 	snop;
	(pc) =	sbr.rel @!p0 .LBB2_64-.Ltmp1, $1  }
0x12: {  	_ =	sdelay $0x3  }
.LBB2_1:
0x13: {  	v9 =	vor.u32 s2, v5  }
0x14: {  	v10 =	vmul.u32 $0x6, v9;
	_ =	sdelay $0x1  }
0x15: {  	v10 =	vadd.s32 $0x5, v10  }
0x16: {  	[tilespmem:s2], [sflag:$0x2] =	stream.linear.gather [hbm4b:s6+s2], $0x1C80, $0x38;
	[tilespmem:$0xED00] =	vst v63  }
0x17: {  	_ =	swait.ge [sflag:s9], $0x1C80  }
0x18: {  	[sflag:s9] =	ssyncset.done $0x0  }
0x19: {  	[sflag:s9] =	ssyncadd.s32 $0xFFFFE380  }
0x1a: {  	v10 =	vld.idx.msk [tilespmem:v10+s2+$0x0], $0xffff;
	_ =	sdelay $0x4  }
0x1b: {  	vm6 =	vlt.u32 v9, $0x3E8;
	vm7 =	veq.f32 v10, v0  }
0x1c: {  	vm8 =	veq.f32 v10, v1;
	vm7 =	vmand vm6, vm7  }
0x1d: {  	vm9 =	veq.f32 v10, v2;
	vm8 =	vmand vm6, vm8;
	v11 =	vsel vm7, $0x1, v7  }
0x1e: {  	vm6 =	vmand vm6, vm9;
	v10 =	vsel vm8, $0x1, v7;
	(xrf0) =	vadd.scan.msk.s32 $0xffff, v11  }
0x1f: {  	v11 =	vsel vm6, $0x1, v7;
	(xrf0) =	vadd.scan.msk.s32 $0xffff, v10  }
0x20: {  	(xrf0) =	vadd.scan.msk.s32 $0xffff, v11  }
0x21: {  	v10 =	vmpcnt.ones.xlane vm7;
	_ =	sdelay $0x2  }
0x22: {  	s18 =	simm.s32 $0x10;
	v13, _, _ =	vpop (xrf0)  }
0x23: {  	v16 =	vor.u32 s18, v5;
	v14 =	vadd.s32 v7, v10;
	v10, _, _ =	vpop (xrf0)  }
0x24: {  	v12 =	vmpcnt.ones.xlane vm6;
	v11 =	vmpcnt.ones.xlane vm8;
	v13 =	vadd.s32 v13, v7;
	v15, _, _ =	vpop (xrf0)  }
0x25: {  	v13 =	vadd.s32 $0xFFFFFFFF, v13;
	v10 =	vadd.s32 v10, v7;
	v15 =	vadd.s32 v15, v7  }
0x26: {  	v17 =	vsel vm7, v13, v8;
	v10 =	vadd.s32 $0x3FF, v10;
	v13 =	vadd.s32 $0x7FF, v15  }
0x27: {  	v20 =	vmul.u32 $0x6, v16  }
0x28: {  	v12 =	vadd.s32 v7, v12;
	v11 =	vadd.s32 v7, v11;
	v18 =	vsel vm8, v10, v8  }
0x29: {  	s18 =	simm.s32 $0x20;
	v19 =	vsel vm6, v13, v8;
	v15 =	vmovc v11;
	v10 =	vmov v12;
	v13 =	vmov v14  }
.LBB2_2:
0x2a: {  	p0 =	sne.s32 s18, $0x3F0;
	v20 =	vadd.s32 $0x5, v20;
	_ =	sdelay $0x1  }
0x2b: {  	[tilespmem:v17+s10+$0x0] =	vst.idx.msk $0xffff, v9  }
0x2c: {  	[tilespmem:v18+s10+$0x0] =	vst.idx.msk $0xffff, v9  }
0x2d: {  	[tilespmem:v19+s10+$0x0] =	vst.idx.msk $0xffff, v9;
	v9 =	vmov v16  }
0x2e: {  	v16 =	vld.idx.msk [tilespmem:v20+s2+$0x0], $0xffff;
	_ =	sdelay $0x5  }
0x2f: {  	vm7 =	vlt.u32 v9, $0x3E8;
	vm6 =	veq.f32 v16, v0  }
0x30: {  	vm8 =	vmand vm7, vm6;
	vm6 =	veq.f32 v16, v1  }
0x31: {  	vm9 =	veq.f32 v16, v2;
	v17 =	vsel vm8, $0x1, v7;
	vm6 =	vmand vm7, vm6  }
0x32: {  	v16 =	vmpcnt.ones.xlane vm8;
	vm7 =	vmand vm7, vm9;
	v18 =	vsel vm6, $0x1, v7;
	(xrf0) =	vadd.scan.msk.s32 $0xffff, v17  }
0x33: {  	v19 =	vsel vm7, $0x1, v7;
	v20 =	vmpcnt.ones.xlane vm7;
	v17 =	vmpcnt.ones.xlane vm6;
	(xrf0) =	vadd.scan.msk.s32 $0xffff, v18  }
0x34: {  	v14 =	vadd.s32 v14, v16;
	(xrf0) =	vadd.scan.msk.s32 $0xffff, v19  }
0x35: {  	v12 =	vadd.s32 v12, v20;
	v11 =	vadd.s32 v11, v17;
	_ =	sdelay $0x2  }
0x36: {  	v16, _, _ =	vpop (xrf0)  }
.Ltmp2:
0x37: {  	v17 =	vadd.s32 v16, v13;
	v18, _, _ =	vpop (xrf0);
	v13 =	vmov v14;
	(pc) =	sbr.rel @p0 .LBB2_2-.Ltmp2, $4  }
0x38: {  	v16 =	vor.u32 s18, v5;
	v17 =	vadd.s32 $0xFFFFFFFF, v17;
	v20 =	vadd.s32 v18, v15;
	v18, _, _ =	vpop (xrf0)  }
0x39: {  	v15 =	vmovc v11;
	v17 =	vsel vm8, v17, v8;
	v19 =	vadd.s32 $0x3FF, v20;
	v21 =	vadd.s32 v18, v10;
	v10 =	vmovc v12  }
0x3a: {  	v20 =	vmul.u32 $0x6, v16;
	v18 =	vsel vm6, v19, v8;
	v19 =	vadd.s32 $0x7FF, v21  }
0x3b: {  	s18 =	sadd.s32 $0x10, s18;
	v19 =	vsel vm7, v19, v8  }
0x3c: {  	_ =	sdelay $0x1  }
0x3d: {  	v20 =	vadd.s32 $0x5, v20;
	_ =	sdelay $0x1  }
0x3e: {  	[tilespmem:v17+s10+$0x0] =	vst.idx.msk $0xffff, v9  }
0x3f: {  	[tilespmem:v18+s10+$0x0] =	vst.idx.msk $0xffff, v9  }
0x40: {  	[tilespmem:v19+s10+$0x0] =	vst.idx.msk $0xffff, v9  }
0x41: {  	v9 =	vld.idx.msk [tilespmem:v20+s2+$0x0], $0xffff;
	_ =	sdelay $0x4  }
0x42: {  	vm8 =	vlt.u32 v16, $0x3E8;
	vm6 =	veq.f32 v9, v0  }
0x43: {  	vm7 =	veq.f32 v9, v1;
	vm9 =	veq.f32 v9, v2;
	vm6 =	vmand vm8, vm6  }
0x44: {  	vm7 =	vmand vm8, vm7;
	v55 =	vsel vm6, $0x1, v7;
	v9 =	vmpcnt.ones.xlane vm6  }
0x45: {  	vm8 =	vmand vm8, vm9;
	v56 =	vsel vm7, $0x1, v7;
	v57 =	vmpcnt.ones.xlane vm7;
	(xrf0) =	vadd.scan.msk.s32 $0xffff, v55  }
0x46: {  	v58 =	vsel vm8, $0x1, v7;
	v59 =	vmpcnt.ones.xlane vm8;
	(xrf0) =	vadd.scan.msk.s32 $0xffff, v56;
	v9 =	vadd.s32 v14, v9  }
0x47: {  	v11 =	vadd.s32 v11, v57;
	(xrf0) =	vadd.scan.msk.s32 $0xffff, v58;
	v9 =	vxor.u32 $0x80000000, v9  }
0x48: {  	v11 =	vxor.u32 $0x80000000, v11;
	(xrf0) =	vmax.scan.msk.u32 $0xffff, v9;
	v9 =	vadd.s32 v12, v59  }
0x49: {  	v9 =	vxor.u32 $0x80000000, v9;
	_ =	sdelay $0x1  }
0x4a: {  	(xrf0) =	vmax.scan.msk.u32 $0xffff, v11;
	v11, _, _ =	vpop (xrf0)  }
0x4b: {  	(xrf0) =	vmax.scan.msk.u32 $0xffff, v9;
	v9, _, _ =	vpop (xrf0)  }
0x4c: {  	v60, _, _ =	vpop (xrf0)  }
0x4d: {  	v61, _, _ =	vpop (xrf0)  }
0x4e: {  	(v2sf) =	vpush v61, $0xF;
	_ =	sdelay $0x4  }
0x4f: {  	v62, _, _ =	vpop (xrf0)  }
0x50: {  	(v2sf) =	vpush v62, $0xF;
	v63, _, _ =	vpop (xrf0)  }
0x51: {  	(v2sf) =	vpush v63, $0xF;
	_ =	sdelay $0x5  }
0x52: {  	v11 =	vadd.s32 v11, v13  }
0x53: {  	v11 =	vadd.s32 $0xFFFFFFFF, v11;
	v9 =	vadd.s32 v9, v15  }
0x54: {  	v11 =	vsel vm6, v11, v8;
	v9 =	vadd.s32 $0x3FF, v9;
	v10 =	vadd.s32 v60, v10;
	s18 =	spop (v2sf)  }
0x55: {  	v9 =	vsel vm7, v9, v8;
	v10 =	vadd.s32 $0x7FF, v10;
	s18 =	sxor.u32 $0x80000000, s18  }
0x56: {  	v10 =	vsel vm8, v10, v8;
	p0 =	sgt.s32 s18, $0x0  }
.Ltmp3:
0x57: {  	_ = 	snop;
	(pc) =	sbr.rel @!p0 .LBB2_4-.Ltmp3, $4  }
0x58: {  	_ = 	snop  }
0x59: {  	[tilespmem:v11+s10+$0x0] =	vst.idx.msk $0xffff, v16  }
0x5a: {  	[tilespmem:v9+s10+$0x0] =	vst.idx.msk $0xffff, v16;
	s19 =	spop (v2sf)  }
0x5b: {  	s21 =	simm.s32 $0x0;
	s22 =	simm.s32 $0x0;
	v9 =	vimm.s32 $0x0;
	[tilespmem:v10+s10+$0x0] =	vst.idx.msk $0xffff, v16;
	s20 =	spop (v2sf)  }
.LBB2_11:
0x5c: {  	v10 =	vmov s22;
	_ =	sdelay $0x4  }
0x5d: {  	v11 =	vld.idx.msk [tilespmem:v10+s10+$0x0], $0xffff;
	_ =	sdelay $0x4  }
0x5e: {  	v14 =	vmul.u32 $0x6, v11;
	_ =	sdelay $0x1  }
0x5f: {  	v11 =	vor.u32 $0x1, v14  }
0x60: {  	v12 =	vadd.s32 $0x2, v14  }
0x61: {  	s23 =	simm.s32 $0x3500;
	v16 =	vadd.s32 $0x3, v14  }
0x62: {  	v28 =	vld [tilespmem:s23+$0x0]  }
0x63: {  	v15 =	vld.idx.msk [tilespmem:v14+s21+$0x0], $0xffff  }
0x64: {  	v13 =	vld.idx.msk [tilespmem:v11+s21+$0x0], $0xffff  }
0x65: {  	v12 =	vld.idx.msk [tilespmem:v12+s21+$0x0], $0xffff  }
0x66: {  	s31 =	sand.u32 $0xFFFFFFF0, s21;
	s24 =	sand.u32 $0xFFFFFFF0, s22;
	v11 =	vld.idx.msk [tilespmem:v16+s21+$0x0], $0xffff  }
0x67: {  	v29 =	vld [tilespmem:s31+$0x4D00];
	s25 =	sadd.s32 $0x10, s24  }
0x68: {  	v18 =	vld [tilespmem:s31+$0x5900];
	p4 =	sne.s32 s25, $0x10;
	v14 =	vadd.s32 $0x4, v14  }
.Ltmp4:
0x69: {  	_ = 	snop;
	(pc) =	sbr.rel @!p4 .LBB2_12-.Ltmp4, $4  }
0x6a: {  	_ = 	snop  }
0x6b: {  	v16 =	vsub.f32 v12, v15;
	v17 =	vsub.f32 v11, v13  }
0x6c: {  	p1 =	por $0x0, $0x0;
	p2 =	por $0x0, $0x0;
	v22 =	vld [tilespmem:s31+$0x4100];
	v23 =	vmax.f32 v15, v28;
	v21 =	vmin.f32 v12, v29  }
0x6d: {  	p3 =	por $0x0, $0x0;
	s24 =	simm.s32 $0x10;
	s23 =	simm.s32 $0x3510;
	v14 =	vld.idx.msk [tilespmem:v14+s21+$0x0], $0xffff;
	v25 =	vmin.f32 v11, v18;
	v17 =	vmul.f32 v17, v16;
	v16 =	vimm.s32 $0x4000  }
0x6e: {  	_ =	sdelay $0x1  }
0x6f: {  	v27 =	vld [tilespmem:s23+$0x0];
	s31 =	sand.u32 $0xFFFFFFF0, s24  }
0x70: {  	v20 =	vsub.f32 v29, v28;
	v31 =	vld [tilespmem:s31+$0x4D00];
	v19 =	vmax.f32 v13, v22;
	v22 =	vsub.f32 v18, v22  }
0x71: {  	v21 =	vsub.f32 v21, v23;
	p4 =	sne.s32 s25, $0x20;
	v18 =	vld [tilespmem:s31+$0x5900];
	v19 =	vsub.f32 v25, v19  }
.Ltmp5:
0x72: {  	v20 =	vmul.f32 v22, v20;
	(pc) =	sbr.rel @!p4 .LBB2_14-.Ltmp5, $4  }
0x73: {  	v21 =	vmax.f32 v21, $0.0e+00;
	v19 =	vmax.f32 v19, $0.0e+00  }
0x74: {  	v19 =	vmul.f32 v19, v21;
	v20 =	vadd.f32 v20, v17  }
0x75: {  	v23 =	vmax.f32 v15, v27  }
0x76: {  	s26 =	simm.s32 $0x20;
	s23 =	simm.s32 $0x3520;
	p1 =	por $0x1, $0x1;
	v22 =	vld [tilespmem:s31+$0x4100];
	v21 =	vmin.f32 v12, v31;
	v25 =	vmin.f32 v11, v18;
	v24 =	vsub.f32 v20, v19  }
0x77: {  	_ =	sdelay $0x2  }
0x78: {  	v28 =	vld [tilespmem:s23+$0x0];
	s31 =	sand.u32 $0xFFFFFFF0, s26  }
0x79: {  	v26 =	vsub.f32 v31, v27;
	v29 =	vld [tilespmem:s31+$0x4D00];
	v20 =	vmax.f32 v13, v22;
	v22 =	vsub.f32 v18, v22  }
0x7a: {  	v21 =	vsub.f32 v21, v23;
	p4 =	sne.s32 s25, $0x30;
	v18 =	vld [tilespmem:s31+$0x5900];
	v20 =	vsub.f32 v25, v20  }
.Ltmp6:
0x7b: {  	v22 =	vmul.f32 v22, v26;
	(pc) =	sbr.rel @!p4 .LBB2_16-.Ltmp6, $4  }
0x7c: {  	v21 =	vmax.f32 v21, $0.0e+00;
	v20 =	vmax.f32 v20, $0.0e+00  }
0x7d: {  	v20 =	vmul.f32 v20, v21;
	v25 =	vadd.f32 v22, v17  }
0x7e: {  	(erf) = vrcp.f32 v24;
	v23 =	vmax.f32 v15, v28  }
0x7f: {  	s23 =	simm.s32 $0x30;
	s28 =	simm.s32 $0x3530;
	p2 =	por $0x1, $0x1;
	v21 =	vmin.f32 v12, v29;
	v22 =	vld [tilespmem:s31+$0x4100];
	v24 =	vsub.f32 v25, v20;
	v25 =	vmin.f32 v11, v18  }
0x80: {  	_ =	sdelay $0x4  }
0x81: {  	v29 =	vsub.f32 v29, v28;
	v26 =	vmax.f32 v13, v22;
	v22 =	vsub.f32 v18, v22  }
0x82: {  	v21 =	vsub.f32 v21, v23;
	v23 =	vsub.f32 v25, v26  }
0x83: {  	s29 =	sand.u32 $0xFFFFFFF0, s23;
	v28 =	vld [tilespmem:s28+$0x0];
	v22 =	vmul.f32 v22, v29;
	v30 =	vpop (erf);
	(erf) = vrcp.f32 v24  }
0x84: {  	v27 =	vld [tilespmem:s29+$0x4D00];
	v21 =	vmax.f32 v21, $0.0e+00;
	v23 =	vmax.f32 v23, $0.0e+00;
	v30 =	vmul.f32 v30, v19  }
0x85: {  	v18 =	vld [tilespmem:s29+$0x5900];
	v25 =	vor.u32 s21, v5;
	v31 =	vmul.f32 v23, v21;
	v22 =	vadd.f32 v22, v17  }
0x86: {  	p4 =	sne.s32 s25, $0x40;
	vm7 =	vlt.s32 v25, v9;
	vm6 =	vgt.f32 v30, $5.500000120e-01  }
.Ltmp7:
0x87: {  	v24 =	vsub.f32 v22, v31;
	v22 =	vld [tilespmem:s29+$0x4100];
	vm6 =	vmand vm7, vm6;
	(pc) =	sbr.rel @!p4 .LBB2_18-.Ltmp7, $4  }
0x88: {  	v25 =	vmpcnt.ones.xlane vm6  }
0x89: {  	v21 =	vmin.f32 v12, v27;
	v23 =	vmax.f32 v15, v28;
	v26 =	vmctz.xlane vm6  }
0x8a: {  	vm6 =	vgt.s32 v16, $0x3FFF;
	vm7 =	vgt.s32 v25, $0x0;
	v25 =	vmin.f32 v11, v18  }
0x8b: {  	s28 =	simm.s32 $0x40;
	p3 =	por $0x1, $0x1;
	s29 =	simm.s32 $0x3540;
	v30 =	vadd.s32 s21, v26;
	v26 =	vimm.s32 $0x4000;
	vm6 =	vmand vm6, vm7  }
.LBB2_19:
0x8c: {  	v29 =	vld [tilespmem:s29+$0x0];
	s30 =	sand.u32 $0xFFFFFFF0, s28;
	v32 =	vmax.f32 v13, v22;
	(erf) = vrcp.f32 v24;
	v24 =	vpop (erf);
	v26 =	vsel vm6, v30, v26;
	s31 =	smov.u32 s23;
	s23 =	smov.u32 s28  }
0x8d: {  	v28 =	vsub.f32 v27, v28;
	v22 =	vsub.f32 v18, v22;
	v27 =	vld [tilespmem:s30+$0x4D00];
	v24 =	vmul.f32 v24, v20;
	v20 =	vmovc v31  }
0x8e: {  	v21 =	vsub.f32 v21, v23;
	s28 =	sadd.s32 $0x10, s28;
	v23 =	vsub.f32 v25, v32;
	v25 =	vor.u32 s24, v5  }
0x8f: {  	p4 =	sne.s32 s25, s28;
	v30 =	vmul.f32 v22, v28;
	vm7 =	vlt.s32 v25, v9;
	v18 =	vld [tilespmem:s30+$0x5900];
	vm6 =	vgt.f32 v24, $5.500000120e-01  }
.Ltmp8:
0x90: {  	v21 =	vmax.f32 v21, $0.0e+00;
	v23 =	vmax.f32 v23, $0.0e+00;
	v22 =	vld [tilespmem:s30+$0x4100];
	vm6 =	vmand vm7, vm6;
	(pc) =	sbr.rel @p4 .LBB2_19-.Ltmp8, $4  }
0x91: {  	v31 =	vmul.f32 v23, v21;
	v24 =	vadd.f32 v30, v17;
	v25 =	vmpcnt.ones.xlane vm6;
	v28 =	vmovc v29  }
0x92: {  	v29 =	vmctz.xlane vm6;
	v21 =	vmin.f32 v12, v27;
	v23 =	vmax.f32 v15, v28  }
0x93: {  	vm6 =	vgt.s32 v26, $0x3FFF;
	v24 =	vsub.f32 v24, v31;
	vm7 =	vgt.s32 v25, $0x0  }
0x94: {  	s29 =	sadd.s32 $0x10, s29;
	v30 =	vadd.s32 s24, v29;
	s24 =	smov.u32 s26;
	s26 =	smov.u32 s31;
	v25 =	vmin.f32 v11, v18;
	vm6 =	vmand vm6, vm7  }
0x95: {  	v32 =	vmov v20;
	s25 =	smov.u32 s24;
	v29 =	vmov v27;
	v20 =	vmov v31;
	s24 =	smov.u32 s26  }
.LBB2_21:
0x96: {  	v27 =	vmax.f32 v13, v22;
	v28 =	vsub.f32 v29, v28;
	v18 =	vsub.f32 v18, v22  }
0x97: {  	v21 =	vsub.f32 v21, v23;
	v46 =	vsub.f32 v25, v27  }
0x98: {  	v18 =	vmul.f32 v18, v28  }
0x99: {  	(erf) = vrcp.f32 @p1 v24;
	v21 =	vmax.f32 v21, $0.0e+00;
	v22 =	vmax.f32 v46, $0.0e+00  }
0x9a: {  	v21 =	vmul.f32 v22, v21;
	v17 =	vadd.f32 v18, v17;
	_ =	sdelay $0x1  }
0x9b: {  	v18 =	vpop @p2 (erf);
	v17 =	vsub.f32 v17, v21  }
0x9c: {  	v18 =	vmul.f32 @p2 v18, v32  }
0x9d: {  	(erf) = vrcp.f32 v17  }
0x9e: {  	v22 =	vor.u32 @p2 s25, v5  }
0x9f: {  	vm8 =	vlt.s32 @p2 v22, v9;
	v17 =	vsel @p3 vm6, v30, v26;
	vm7 =	vgt.f32 @p2 v18, $5.500000120e-01  }
0xa0: {  	v17 =	vpsel p3, v17, v16;
	vm7 =	vmand @p2 vm8, vm7;
	v18 =	vmov @p1 v20  }
0xa1: {  	s26 =	smov.u32 s21;
	v20 =	vmpcnt.ones.xlane @p2 vm7;
	v22 =	vmctz.xlane @p2 vm7;
	v18 =	vpsel p1, v18, v19;
	v19 =	vpop @p1 (erf)  }
0xa2: {  	s26 =	smov.u32 @p1 s24;
	vm6 =	vgt.s32 @p2 v17, $0x3FFF;
	v18 =	vmul.f32 @p1 v19, v18  }
0xa3: {  	vm7 =	vgt.s32 @p2 v20, $0x0;
	v19 =	vor.u32 @p1 s26, v5;
	v20 =	vadd.s32 @p2 s25, v22  }
0xa4: {  	vm6 =	vmand @p2 vm6, vm7;
	vm8 =	vlt.s32 @p1 v19, v9;
	vm7 =	vgt.f32 @p1 v18, $5.500000120e-01  }
0xa5: {  	vm6 =	vmmov @p2 vm6;
	v18 =	vpsel p2, v20, v0;
	vm7 =	vmand @p1 vm8, vm7  }
0xa6: {  	v49 =	vor.u32 s23, v5;
	v17 =	vsel @p2 vm6, v18, v17;
	v18 =	vmpcnt.ones.xlane @p1 vm7;
	v47 =	vpop (erf)  }
0xa7: {  	v19 =	vmctz.xlane @p1 vm7;
	v17 =	vpsel p2, v17, v16;
	v48 =	vmul.f32 v47, v21  }
0xa8: {  	vm15 =	vlt.s32 v49, v9;
	vm6 =	vgt.s32 @p1 v17, $0x3FFF;
	vm7 =	vgt.s32 @p1 v18, $0x0  }
0xa9: {  	v19 =	vadd.s32 @p1 s26, v19;
	vm6 =	vmand @p1 vm6, vm7;
	vm7 =	vgt.f32 v48, $5.500000120e-01  }
0xaa: {  	v18 =	vpsel p1, v19, v0;
	vm7 =	vmand vm15, vm7;
	vm6 =	vmmov @p1 vm6  }
0xab: {  	v17 =	vsel @p1 vm6, v18, v17;
	v50 =	vmpcnt.ones.xlane vm7  }
0xac: {  	v51 =	vmctz.xlane vm7;
	v52 =	vpsel p1, v17, v16  }
0xad: {  	vm6 =	vgt.s32 v52, $0x3FFF;
	vm7 =	vgt.s32 v50, $0x0  }
0xae: {  	v53 =	vadd.s32 s23, v51;
	vm6 =	vmand vm6, vm7  }
0xaf: {  	v16 =	vsel vm6, v53, v52  }
0xb0: {  	vm6 =	vgt.s32 v16, $0x3FFF  }
0xb1: {  	v16 =	vsel vm6, v9, v16;
	_ =	sdelay $0x4  }
0xb2: {  	v54 =	vld.idx.msk [tilespmem:v16+s11+$0x0], $0xffff;
	_ =	sdelay $0x4  }
0xb3: {  	v17 =	vadd.f32 v54, v14;
	_ =	sdelay $0x1  }
0xb4: {  	v17 =	vsel vm6, v14, v17  }
0xb5: {  	[tilespmem:v16+s11+$0x0] =	vst.idx.msk $0xffff, v17  }
0xb6: {  	v55 =	vld.idx.msk [tilespmem:v16+s12+$0x0], $0xffff;
	_ =	sdelay $0x4  }
0xb7: {  	v18 =	vadd.f32 $1.000000000e+00, v55;
	_ =	sdelay $0x1  }
0xb8: {  	(erf) = vrcp.f32 v17;
	v18 =	vsel vm6, $0x3F800000, v18  }
0xb9: {  	[tilespmem:v16+s12+$0x0] =	vst.idx.msk $0xffff, v18  }
0xba: {  	v56 =	vld.idx.msk [tilespmem:v16+s13+$0x0], $0xffff;
	_ =	sdelay $0x2  }
0xbb: {  	v15 =	vmul.f32 v14, v15;
	_ =	sdelay $0x1  }
0xbc: {  	v17 =	vadd.f32 v56, v15  }
0xbd: {  	v57 =	vadd.s32 $0xC00, v16  }
0xbe: {  	v58 =	vpop (erf);
	v15 =	vsel vm6, v15, v17  }
0xbf: {  	v59 =	vmul.f32 v15, v58  }
0xc0: {  	[tilespmem:v16+s13+$0x0] =	vst.idx.msk $0xffff, v15  }
0xc1: {  	[tilespmem:v16+s14+$0x0] =	vst.idx.msk $0xffff, v59  }
0xc2: {  	v15 =	vld.idx.msk [tilespmem:v57+s13+$0x0], $0xffff;
	_ =	sdelay $0x2  }
0xc3: {  	v60 =	vmul.f32 v14, v13;
	_ =	sdelay $0x1  }
0xc4: {  	v15 =	vadd.f32 v15, v60  }
0xc5: {  	v61 =	vadd.s32 $0x1800, v16  }
0xc6: {  	v13 =	vsel vm6, v60, v15  }
0xc7: {  	v15 =	vmul.f32 v13, v58  }
0xc8: {  	[tilespmem:v57+s13+$0x0] =	vst.idx.msk $0xffff, v13  }
0xc9: {  	[tilespmem:v57+s14+$0x0] =	vst.idx.msk $0xffff, v15  }
0xca: {  	v13 =	vld.idx.msk [tilespmem:v61+s13+$0x0], $0xffff;
	_ =	sdelay $0x2  }
0xcb: {  	v12 =	vmul.f32 v14, v12;
	_ =	sdelay $0x1  }
0xcc: {  	v13 =	vadd.f32 v13, v12  }
0xcd: {  	v62 =	vadd.s32 $0x2400, v16  }
0xce: {  	v12 =	vsel vm6, v12, v13  }
0xcf: {  	v13 =	vmul.f32 v12, v58  }
0xd0: {  	[tilespmem:v61+s13+$0x0] =	vst.idx.msk $0xffff, v12  }
0xd1: {  	[tilespmem:v61+s14+$0x0] =	vst.idx.msk $0xffff, v13  }
0xd2: {  	v12 =	vld.idx.msk [tilespmem:v62+s13+$0x0], $0xffff;
	_ =	sdelay $0x2  }
0xd3: {  	v11 =	vmul.f32 v14, v11;
	_ =	sdelay $0x1  }
0xd4: {  	s22 =	sadd.s32 $0x1, s22;
	v12 =	vadd.f32 v12, v11  }
0xd5: {  	p1 =	seq.s32 s22, s18  }
.Ltmp9:
0xd6: {  	v11 =	vsel vm6, v11, v12;
	(pc) =	sbr.rel @!p1 .LBB2_11-.Ltmp9, $4  }
.Ltmp10:
0xd7: {  	v12 =	vmul.f32 v11, v58;
	(pc) =	sbr.rel @p1 .LBB2_4-.Ltmp10, $4  }
0xd8: {  	[tilespmem:v62+s13+$0x0] =	vst.idx.msk $0xffff, v11  }
0xd9: {  	v63 =	vsel vm6, $0x1, v7;
	v11 =	vnsel vm6, $0xFFFFFFFF, v9;
	[tilespmem:v62+s14+$0x0] =	vst.idx.msk $0xffff, v12  }
0xda: {  	v9 =	vadd.s32 v63, v9;
	[tilespmem:v10+s15+$0x0] =	vst.idx.msk $0xffff, v11  }
0xdb: {  	_ = 	snop  }
.LBB2_12:
.Ltmp11:
0xdc: {  	(pc) =	sbr.rel .LBB2_21-.Ltmp11, $2  }
0xdd: {  	_ =	sdelay $0x2  }
0xde: {  	v26 =	vimm.s32 $0x4000;
	s23 =	simm.s32 $0x0  }
.LBB2_14:
.Ltmp12:
0xdf: {  	(pc) =	sbr.rel .LBB2_21-.Ltmp12, $2  }
0xe0: {  	_ =	sdelay $0x2  }
0xe1: {  	v20 =	vmovc v19;
	v26 =	vimm.s32 $0x4000;
	s23 =	simm.s32 $0x10;
	v29 =	vmov v31;
	v28 =	vmov v27;
	s24 =	simm.s32 $0x0  }
.LBB2_16:
.Ltmp13:
0xe2: {  	(pc) =	sbr.rel .LBB2_21-.Ltmp13, $2  }
0xe3: {  	_ =	sdelay $0x2  }
0xe4: {  	v26 =	vimm.s32 $0x4000;
	s23 =	simm.s32 $0x20;
	v32 =	vmov v19;
	s25 =	simm.s32 $0x0  }
.LBB2_18:
.Ltmp14:
0xe5: {  	(pc) =	sbr.rel .LBB2_21-.Ltmp14, $2  }
0xe6: {  	_ =	sdelay $0x2  }
0xe7: {  	v32 =	vmovc v20;
	v26 =	vimm.s32 $0x4000;
	v29 =	vmov v27;
	v20 =	vmov v31;
	s25 =	simm.s32 $0x10;
	s24 =	simm.s32 $0x20  }
.LBB2_4:
0xe8: {  	s19 =	sxor.u32 $0x80000000, s19  }
0xe9: {  	p1 =	sgt.s32 s19, $0x0  }
.Ltmp15:
0xea: {  	_ = 	snop;
	(pc) =	sbr.rel @!p1 .LBB2_5-.Ltmp15, $2  }
0xeb: {  	_ =	sdelay $0x2  }
0xec: {  	s21 =	simm.s32 $0x0;
	v9 =	vimm.s32 $0x0;
	s22 =	simm.s32 $0x0  }
.LBB2_22:
0xed: {  	v10 =	vmov s22  }
0xee: {  	v10 =	vadd.s32 $0x400, v10  }
0xef: {  	v10 =	vbroadcast v10, $0x0;
	_ =	sdelay $0x5  }
0xf0: {  	v11 =	vld.idx.msk [tilespmem:v10+s10+$0x0], $0xffff;
	_ =	sdelay $0x4  }
0xf1: {  	v14 =	vmul.u32 $0x6, v11;
	_ =	sdelay $0x1  }
0xf2: {  	v11 =	vor.u32 $0x1, v14  }
0xf3: {  	v12 =	vadd.s32 $0x2, v14  }
0xf4: {  	v16 =	vadd.s32 $0x3, v14;
	_ =	sdelay $0x1  }
0xf5: {  	v15 =	vld.idx.msk [tilespmem:v14+s21+$0x0], $0xffff  }
0xf6: {  	v13 =	vld.idx.msk [tilespmem:v11+s21+$0x0], $0xffff  }
0xf7: {  	v12 =	vld.idx.msk [tilespmem:v12+s21+$0x0], $0xffff  }
0xf8: {  	s23 =	sand.u32 $0xFFFFFFF0, s21;
	s24 =	sand.u32 $0xFFFFFFF0, s22;
	v11 =	vld.idx.msk [tilespmem:v16+s21+$0x0], $0xffff  }
0xf9: {  	v28 =	vld [tilespmem:s23+$0x3900];
	s25 =	sadd.s32 $0x10, s24  }
0xfa: {  	v29 =	vld [tilespmem:s23+$0x5100];
	p4 =	sne.s32 s25, $0x10;
	v14 =	vadd.s32 $0x4, v14  }
.Ltmp16:
0xfb: {  	_ = 	snop;
	(pc) =	sbr.rel @!p4 .LBB2_23-.Ltmp16, $4  }
0xfc: {  	_ = 	snop  }
0xfd: {  	v19 =	vld [tilespmem:s23+$0x5D00];
	v16 =	vsub.f32 v12, v15;
	v17 =	vsub.f32 v11, v13  }
0xfe: {  	p1 =	por $0x0, $0x0;
	v21 =	vld [tilespmem:s23+$0x4500];
	v23 =	vmax.f32 v15, v28  }
0xff: {  	p2 =	por $0x0, $0x0;
	p3 =	por $0x0, $0x0;
	s23 =	simm.s32 $0x10;
	v14 =	vld.idx.msk [tilespmem:v14+s21+$0x0], $0xffff;
	v22 =	vmin.f32 v12, v29;
	v17 =	vmul.f32 v17, v16;
	v16 =	vimm.s32 $0x4000  }
0x100: {  	_ =	sdelay $0x1  }
0x101: {  	s24 =	sand.u32 $0xFFFFFFF0, s23;
	v24 =	vsub.f32 v29, v28  }
0x102: {  	v26 =	vld [tilespmem:s24+$0x3900];
	v18 =	vmin.f32 v11, v19;
	v20 =	vmax.f32 v13, v21;
	v19 =	vsub.f32 v19, v21  }
0x103: {  	p4 =	sne.s32 s25, $0x20;
	v29 =	vld [tilespmem:s24+$0x5100];
	v21 =	vsub.f32 v22, v23;
	v18 =	vsub.f32 v18, v20  }
.Ltmp17:
0x104: {  	v19 =	vmul.f32 v19, v24;
	(pc) =	sbr.rel @!p4 .LBB2_25-.Ltmp17, $4  }
0x105: {  	v20 =	vmax.f32 v21, $0.0e+00;
	v18 =	vmax.f32 v18, $0.0e+00  }
0x106: {  	v18 =	vmul.f32 v18, v20;
	v20 =	vadd.f32 v19, v17  }
0x107: {  	v21 =	vld [tilespmem:s24+$0x4500]  }
0x108: {  	p1 =	por $0x1, $0x1;
	v22 =	vmin.f32 v12, v29;
	v23 =	vmax.f32 v15, v26;
	v19 =	vld [tilespmem:s24+$0x5D00];
	s24 =	simm.s32 $0x20;
	v24 =	vsub.f32 v20, v18  }
0x109: {  	_ =	sdelay $0x2  }
0x10a: {  	s26 =	sand.u32 $0xFFFFFFF0, s24;
	v26 =	vsub.f32 v29, v26  }
0x10b: {  	v28 =	vld [tilespmem:s26+$0x3900];
	v25 =	vmax.f32 v13, v21;
	v20 =	vmin.f32 v11, v19;
	v19 =	vsub.f32 v19, v21  }
0x10c: {  	p4 =	sne.s32 s25, $0x30;
	v29 =	vld [tilespmem:s26+$0x5100];
	v21 =	vsub.f32 v22, v23;
	v20 =	vsub.f32 v20, v25  }
.Ltmp18:
0x10d: {  	v19 =	vmul.f32 v19, v26;
	(pc) =	sbr.rel @!p4 .LBB2_27-.Ltmp18, $4  }
0x10e: {  	v21 =	vmax.f32 v21, $0.0e+00;
	v20 =	vmax.f32 v20, $0.0e+00  }
0x10f: {  	v20 =	vmul.f32 v20, v21;
	v25 =	vadd.f32 v19, v17  }
0x110: {  	(erf) = vrcp.f32 v24;
	v19 =	vld [tilespmem:s26+$0x5D00]  }
0x111: {  	s28 =	simm.s32 $0x30;
	p2 =	por $0x1, $0x1;
	v22 =	vmin.f32 v12, v29;
	v23 =	vmax.f32 v15, v28;
	v21 =	vld [tilespmem:s26+$0x4500];
	v24 =	vsub.f32 v25, v20  }
0x112: {  	_ =	sdelay $0x5  }
0x113: {  	v29 =	vsub.f32 v29, v28  }
0x114: {  	v25 =	vmin.f32 v11, v19;
	v27 =	vmax.f32 v13, v21;
	v19 =	vsub.f32 v19, v21;
	v30 =	vpop (erf)  }
0x115: {  	s26 =	sand.u32 $0xFFFFFFF0, s28;
	v22 =	vsub.f32 v22, v23;
	v23 =	vsub.f32 v25, v27;
	v21 =	vmul.f32 v30, v18  }
0x116: {  	v26 =	vld [tilespmem:s26+$0x5100];
	v19 =	vmul.f32 v19, v29;
	(erf) = vrcp.f32 v24  }
0x117: {  	v28 =	vld [tilespmem:s26+$0x3900];
	vm6 =	vgt.f32 v21, $5.500000120e-01;
	v21 =	vmax.f32 v22, $0.0e+00;
	v22 =	vmax.f32 v23, $0.0e+00  }
0x118: {  	p4 =	sne.s32 s25, $0x40;
	v25 =	vor.u32 s21, v5;
	v30 =	vmul.f32 v22, v21;
	v21 =	vadd.f32 v19, v17  }
.Ltmp19:
0x119: {  	vm7 =	vlt.s32 v25, v9;
	v19 =	vld [tilespmem:s26+$0x5D00];
	(pc) =	sbr.rel @!p4 .LBB2_29-.Ltmp19, $4  }
0x11a: {  	vm6 =	vmand vm7, vm6;
	v24 =	vsub.f32 v21, v30;
	v21 =	vld [tilespmem:s26+$0x4500]  }
0x11b: {  	v25 =	vmpcnt.ones.xlane vm6  }
0x11c: {  	v23 =	vmax.f32 v15, v28;
	v22 =	vmin.f32 v12, v26;
	v27 =	vmctz.xlane vm6  }
0x11d: {  	s29 =	simm.s32 $0x40;
	p3 =	por $0x1, $0x1;
	vm6 =	vgt.s32 v16, $0x3FFF;
	s26 =	simm.s32 $0x0;
	vm7 =	vgt.s32 v25, $0x0;
	v25 =	vimm.s32 $0x4000  }
.LBB2_30:
0x11e: {  	s30 =	sand.u32 $0xFFFFFFF0, s29;
	v29 =	vmin.f32 v11, v19;
	vm6 =	vmand vm6, vm7;
	v27 =	vadd.s32 s26, v27;
	s26 =	smov.u32 s23;
	s23 =	smov.u32 s24  }
0x11f: {  	s24 =	smov.u32 s28;
	s28 =	smov.u32 s29;
	v31 =	vld [tilespmem:s30+$0x3900];
	v32 =	vmax.f32 v13, v21;
	(erf) = vrcp.f32 v24;
	v24 =	vpop (erf);
	v25 =	vsel vm6, v27, v25  }
0x120: {  	s29 =	sadd.s32 $0x10, s29;
	v27 =	vsub.f32 v26, v28;
	v21 =	vsub.f32 v19, v21;
	v26 =	vld [tilespmem:s30+$0x5100];
	v24 =	vmul.f32 v24, v20;
	v20 =	vmovc v30  }
0x121: {  	v22 =	vsub.f32 v22, v23;
	v28 =	vor.u32 s26, v5;
	p4 =	sne.s32 s25, s29;
	v23 =	vsub.f32 v29, v32  }
.Ltmp20:
0x122: {  	vm7 =	vlt.s32 v28, v9;
	v27 =	vmul.f32 v21, v27;
	v19 =	vld [tilespmem:s30+$0x5D00];
	vm6 =	vgt.f32 v24, $5.500000120e-01;
	(pc) =	sbr.rel @p4 .LBB2_30-.Ltmp20, $4  }
0x123: {  	v22 =	vmax.f32 v22, $0.0e+00;
	v23 =	vmax.f32 v23, $0.0e+00;
	v21 =	vld [tilespmem:s30+$0x4500];
	vm6 =	vmand vm7, vm6  }
0x124: {  	v30 =	vmul.f32 v23, v22;
	v24 =	vadd.f32 v27, v17;
	v29 =	vmpcnt.ones.xlane vm6;
	v28 =	vmovc v31  }
0x125: {  	v27 =	vmctz.xlane vm6;
	v22 =	vmin.f32 v12, v26;
	v23 =	vmax.f32 v15, v28  }
0x126: {  	vm6 =	vgt.s32 v25, $0x3FFF;
	v24 =	vsub.f32 v24, v30;
	vm7 =	vgt.s32 v29, $0x0  }
0x127: {  	s25 =	smov.u32 s23;
	v31 =	vmov v20;
	s23 =	smov.u32 s28;
	v29 =	vmov v26;
	v20 =	vmov v30  }
.LBB2_32:
0x128: {  	v28 =	vsub.f32 v29, v28;
	v43 =	vsub.f32 v19, v21  }
0x129: {  	v26 =	vmin.f32 v11, v19;
	v42 =	vmax.f32 v13, v21  }
0x12a: {  	v44 =	vsub.f32 v22, v23;
	v45 =	vsub.f32 v26, v42;
	v19 =	vmul.f32 v43, v28;
	_ =	sdelay $0x1  }
0x12b: {  	v21 =	vmax.f32 v44, $0.0e+00;
	v22 =	vmax.f32 v45, $0.0e+00  }
0x12c: {  	(erf) = vrcp.f32 @p1 v24;
	v21 =	vmul.f32 v22, v21;
	v17 =	vadd.f32 v19, v17  }
0x12d: {  	v19 =	vpop @p2 (erf)  }
0x12e: {  	v17 =	vsub.f32 v17, v21;
	v19 =	vmul.f32 @p2 v19, v31;
	_ =	sdelay $0x1  }
0x12f: {  	(erf) = vrcp.f32 v17  }
0x130: {  	vm6 =	vmand @p3 vm6, vm7;
	v22 =	vor.u32 @p2 s25, v5  }
0x131: {  	vm9 =	vlt.s32 @p2 v22, v9;
	v17 =	vadd.s32 @p3 s26, v27;
	vm8 =	vgt.f32 @p2 v19, $5.500000120e-01;
	v19 =	vmovc @p1 v20  }
0x132: {  	v17 =	vsel @p3 vm6, v17, v25;
	vm7 =	vmand @p2 vm9, vm8  }
0x133: {  	s26 =	smov.u32 s21;
	v17 =	vpsel p3, v17, v16;
	v20 =	vmpcnt.ones.xlane @p2 vm7  }
0x134: {  	s26 =	smov.u32 @p1 s24;
	v22 =	vmctz.xlane @p2 vm7;
	vm6 =	vgt.s32 @p2 v17, $0x3FFF;
	v18 =	vpsel p1, v19, v18;
	v19 =	vpop @p1 (erf)  }
0x135: {  	v48 =	vor.u32 s23, v5;
	s24 =	smov.u32 @p1 s26;
	vm6 =	vmmov @p2 vm6;
	v18 =	vmul.f32 @p1 v19, v18  }
0x136: {  	vm7 =	vgt.s32 @p2 v20, $0x0;
	v20 =	vpsel p2, v22, v0;
	v19 =	vor.u32 @p1 s24, v5  }
0x137: {  	s25 =	smov.u32 @p2 s25;
	vm7 =	vmmov @p2 vm7;
	vm9 =	vlt.s32 @p1 v19, v9;
	vm8 =	vgt.f32 @p1 v18, $5.500000120e-01  }
0x138: {  	vm6 =	vmand @p2 vm6, vm7;
	v18 =	vadd.s32 @p2 s25, v20;
	v46 =	vpop (erf);
	vm7 =	vmand @p1 vm9, vm8  }
0x139: {  	v17 =	vsel @p2 vm6, v18, v17;
	v47 =	vmul.f32 v46, v21;
	v18 =	vmpcnt.ones.xlane @p1 vm7  }
0x13a: {  	vm15 =	vlt.s32 v48, v9;
	v19 =	vmctz.xlane @p1 vm7;
	v17 =	vpsel p2, v17, v16  }
0x13b: {  	vm6 =	vgt.s32 @p1 v17, $0x3FFF;
	vm14 =	vgt.f32 v47, $5.500000120e-01;
	vm7 =	vgt.s32 @p1 v18, $0x0  }
0x13c: {  	s24 =	smov.u32 @p1 s24;
	vm6 =	vmmov @p1 vm6;
	v19 =	vpsel p1, v19, v0;
	vm7 =	vmmov @p1 vm7  }
0x13d: {  	v18 =	vadd.s32 @p1 s24, v19;
	vm6 =	vmand @p1 vm6, vm7;
	vm7 =	vmand vm15, vm14  }
0x13e: {  	v17 =	vsel @p1 vm6, v18, v17;
	v49 =	vmpcnt.ones.xlane vm7  }
0x13f: {  	v50 =	vmctz.xlane vm7;
	v51 =	vpsel p1, v17, v16  }
0x140: {  	vm6 =	vgt.s32 v51, $0x3FFF;
	vm7 =	vgt.s32 v49, $0x0  }
0x141: {  	v52 =	vadd.s32 s23, v50;
	vm6 =	vmand vm6, vm7  }
0x142: {  	v16 =	vsel vm6, v52, v51  }
0x143: {  	vm6 =	vgt.s32 v16, $0x3FFF  }
0x144: {  	v16 =	vsel vm6, v9, v16  }
0x145: {  	v53 =	vadd.s32 $0x400, v16;
	_ =	sdelay $0x4  }
0x146: {  	v54 =	vld.idx.msk [tilespmem:v53+s11+$0x0], $0xffff;
	_ =	sdelay $0x4  }
0x147: {  	v18 =	vadd.f32 v54, v14;
	_ =	sdelay $0x1  }
0x148: {  	v18 =	vsel vm6, v14, v18  }
0x149: {  	[tilespmem:v53+s11+$0x0] =	vst.idx.msk $0xffff, v18  }
0x14a: {  	v55 =	vld.idx.msk [tilespmem:v53+s12+$0x0], $0xffff;
	_ =	sdelay $0x4  }
0x14b: {  	v19 =	vadd.f32 $1.000000000e+00, v55;
	_ =	sdelay $0x1  }
0x14c: {  	(erf) = vrcp.f32 v18;
	v19 =	vsel vm6, $0x3F800000, v19  }
0x14d: {  	[tilespmem:v53+s12+$0x0] =	vst.idx.msk $0xffff, v19  }
0x14e: {  	v56 =	vld.idx.msk [tilespmem:v53+s13+$0x0], $0xffff;
	_ =	sdelay $0x2  }
0x14f: {  	v15 =	vmul.f32 v14, v15;
	_ =	sdelay $0x1  }
0x150: {  	v18 =	vadd.f32 v56, v15  }
0x151: {  	v57 =	vadd.s32 $0x1000, v16  }
0x152: {  	v58 =	vpop (erf);
	v15 =	vsel vm6, v15, v18  }
0x153: {  	v59 =	vmul.f32 v15, v58  }
0x154: {  	[tilespmem:v53+s13+$0x0] =	vst.idx.msk $0xffff, v15  }
0x155: {  	[tilespmem:v53+s14+$0x0] =	vst.idx.msk $0xffff, v59  }
0x156: {  	v15 =	vld.idx.msk [tilespmem:v57+s13+$0x0], $0xffff;
	_ =	sdelay $0x2  }
0x157: {  	v60 =	vmul.f32 v14, v13;
	_ =	sdelay $0x1  }
0x158: {  	v15 =	vadd.f32 v15, v60  }
0x159: {  	v61 =	vadd.s32 $0x1C00, v16  }
0x15a: {  	v13 =	vsel vm6, v60, v15  }
0x15b: {  	v15 =	vmul.f32 v13, v58  }
0x15c: {  	[tilespmem:v57+s13+$0x0] =	vst.idx.msk $0xffff, v13  }
0x15d: {  	[tilespmem:v57+s14+$0x0] =	vst.idx.msk $0xffff, v15  }
0x15e: {  	v13 =	vld.idx.msk [tilespmem:v61+s13+$0x0], $0xffff;
	_ =	sdelay $0x2  }
0x15f: {  	v12 =	vmul.f32 v14, v12;
	_ =	sdelay $0x1  }
0x160: {  	v13 =	vadd.f32 v13, v12  }
0x161: {  	v62 =	vadd.s32 $0x2800, v16  }
0x162: {  	v12 =	vsel vm6, v12, v13  }
0x163: {  	v13 =	vmul.f32 v12, v58  }
0x164: {  	[tilespmem:v61+s13+$0x0] =	vst.idx.msk $0xffff, v12  }
0x165: {  	[tilespmem:v61+s14+$0x0] =	vst.idx.msk $0xffff, v13  }
0x166: {  	v12 =	vld.idx.msk [tilespmem:v62+s13+$0x0], $0xffff;
	_ =	sdelay $0x2  }
0x167: {  	v11 =	vmul.f32 v14, v11;
	_ =	sdelay $0x1  }
0x168: {  	s22 =	sadd.s32 $0x1, s22;
	v12 =	vadd.f32 v12, v11  }
0x169: {  	p1 =	seq.s32 s22, s19  }
.Ltmp21:
0x16a: {  	v11 =	vsel vm6, v11, v12;
	(pc) =	sbr.rel @!p1 .LBB2_22-.Ltmp21, $4  }
.Ltmp22:
0x16b: {  	v12 =	vmul.f32 v11, v58;
	(pc) =	sbr.rel @p1 .LBB2_5-.Ltmp22, $4  }
0x16c: {  	[tilespmem:v62+s13+$0x0] =	vst.idx.msk $0xffff, v11  }
0x16d: {  	v63 =	vsel vm6, $0x1, v7;
	v11 =	vnsel vm6, $0xFFFFFFFF, v9;
	[tilespmem:v62+s14+$0x0] =	vst.idx.msk $0xffff, v12  }
0x16e: {  	v9 =	vadd.s32 v63, v9;
	[tilespmem:v10+s15+$0x0] =	vst.idx.msk $0xffff, v11  }
0x16f: {  	_ = 	snop  }
.LBB2_23:
.Ltmp23:
0x170: {  	(pc) =	sbr.rel .LBB2_32-.Ltmp23, $2  }
0x171: {  	_ =	sdelay $0x2  }
0x172: {  	v25 =	vimm.s32 $0x4000;
	s23 =	simm.s32 $0x0  }
.LBB2_25:
.Ltmp24:
0x173: {  	(pc) =	sbr.rel .LBB2_32-.Ltmp24, $2  }
0x174: {  	_ =	sdelay $0x2  }
0x175: {  	v20 =	vmov v18;
	s24 =	simm.s32 $0x0;
	v25 =	vimm.s32 $0x4000;
	v28 =	vmov v26  }
.LBB2_27:
.Ltmp25:
0x176: {  	(pc) =	sbr.rel .LBB2_32-.Ltmp25, $2  }
0x177: {  	_ =	sdelay $0x2  }
0x178: {  	s25 =	simm.s32 $0x0;
	s24 =	simm.s32 $0x10;
	v25 =	vimm.s32 $0x4000;
	s23 =	simm.s32 $0x20;
	v31 =	vmov v18  }
.LBB2_29:
.Ltmp26:
0x179: {  	(pc) =	sbr.rel .LBB2_32-.Ltmp26, $2  }
0x17a: {  	_ =	sdelay $0x2  }
0x17b: {  	v31 =	vmovc v20;
	s26 =	smov.u32 s21;
	s25 =	simm.s32 $0x10;
	v25 =	vimm.s32 $0x4000;
	s23 =	simm.s32 $0x30;
	v29 =	vmov v26;
	v20 =	vmov v30  }
.LBB2_5:
0x17c: {  	s20 =	sxor.u32 $0x80000000, s20  }
0x17d: {  	p1 =	sgt.s32 s20, $0x0  }
.Ltmp27:
0x17e: {  	_ = 	snop;
	(pc) =	sbr.rel @!p1 .LBB2_6-.Ltmp27, $2  }
0x17f: {  	_ =	sdelay $0x2  }
0x180: {  	s21 =	simm.s32 $0x0;
	v9 =	vimm.s32 $0x0;
	s22 =	simm.s32 $0x0  }
.LBB2_33:
0x181: {  	v10 =	vmov s22  }
0x182: {  	v10 =	vadd.s32 $0x800, v10  }
0x183: {  	v10 =	vbroadcast v10, $0x0;
	_ =	sdelay $0x5  }
0x184: {  	v11 =	vld.idx.msk [tilespmem:v10+s10+$0x0], $0xffff;
	_ =	sdelay $0x4  }
0x185: {  	v14 =	vmul.u32 $0x6, v11;
	_ =	sdelay $0x1  }
0x186: {  	v11 =	vor.u32 $0x1, v14  }
0x187: {  	v12 =	vadd.s32 $0x2, v14  }
0x188: {  	v16 =	vadd.s32 $0x3, v14;
	_ =	sdelay $0x1  }
0x189: {  	v15 =	vld.idx.msk [tilespmem:v14+s21+$0x0], $0xffff  }
0x18a: {  	v13 =	vld.idx.msk [tilespmem:v11+s21+$0x0], $0xffff  }
0x18b: {  	v12 =	vld.idx.msk [tilespmem:v12+s21+$0x0], $0xffff  }
0x18c: {  	s23 =	sand.u32 $0xFFFFFFF0, s21;
	s24 =	sand.u32 $0xFFFFFFF0, s22;
	v11 =	vld.idx.msk [tilespmem:v16+s21+$0x0], $0xffff  }
0x18d: {  	v28 =	vld [tilespmem:s23+$0x3D00];
	s25 =	sadd.s32 $0x10, s24  }
0x18e: {  	v29 =	vld [tilespmem:s23+$0x5500];
	p4 =	sne.s32 s25, $0x10;
	v14 =	vadd.s32 $0x4, v14  }
.Ltmp28:
0x18f: {  	_ = 	snop;
	(pc) =	sbr.rel @!p4 .LBB2_34-.Ltmp28, $4  }
0x190: {  	_ = 	snop  }
0x191: {  	v19 =	vld [tilespmem:s23+$0x6100];
	v16 =	vsub.f32 v12, v15;
	v17 =	vsub.f32 v11, v13  }
0x192: {  	p1 =	por $0x0, $0x0;
	v21 =	vld [tilespmem:s23+$0x4900];
	v23 =	vmax.f32 v15, v28  }
0x193: {  	p2 =	por $0x0, $0x0;
	p3 =	por $0x0, $0x0;
	s23 =	simm.s32 $0x10;
	v14 =	vld.idx.msk [tilespmem:v14+s21+$0x0], $0xffff;
	v22 =	vmin.f32 v12, v29;
	v17 =	vmul.f32 v17, v16;
	v16 =	vimm.s32 $0x4000  }
0x194: {  	_ =	sdelay $0x1  }
0x195: {  	s24 =	sand.u32 $0xFFFFFFF0, s23;
	v24 =	vsub.f32 v29, v28  }
0x196: {  	v26 =	vld [tilespmem:s24+$0x3D00];
	v18 =	vmin.f32 v11, v19;
	v20 =	vmax.f32 v13, v21;
	v19 =	vsub.f32 v19, v21  }
0x197: {  	p4 =	sne.s32 s25, $0x20;
	v29 =	vld [tilespmem:s24+$0x5500];
	v21 =	vsub.f32 v22, v23;
	v18 =	vsub.f32 v18, v20  }
.Ltmp29:
0x198: {  	v19 =	vmul.f32 v19, v24;
	(pc) =	sbr.rel @!p4 .LBB2_36-.Ltmp29, $4  }
0x199: {  	v20 =	vmax.f32 v21, $0.0e+00;
	v18 =	vmax.f32 v18, $0.0e+00  }
0x19a: {  	v18 =	vmul.f32 v18, v20;
	v20 =	vadd.f32 v19, v17  }
0x19b: {  	v21 =	vld [tilespmem:s24+$0x4900]  }
0x19c: {  	p1 =	por $0x1, $0x1;
	v22 =	vmin.f32 v12, v29;
	v23 =	vmax.f32 v15, v26;
	v19 =	vld [tilespmem:s24+$0x6100];
	s24 =	simm.s32 $0x20;
	v24 =	vsub.f32 v20, v18  }
0x19d: {  	_ =	sdelay $0x2  }
0x19e: {  	s26 =	sand.u32 $0xFFFFFFF0, s24;
	v26 =	vsub.f32 v29, v26  }
0x19f: {  	v28 =	vld [tilespmem:s26+$0x3D00];
	v25 =	vmax.f32 v13, v21;
	v20 =	vmin.f32 v11, v19;
	v19 =	vsub.f32 v19, v21  }
0x1a0: {  	p4 =	sne.s32 s25, $0x30;
	v29 =	vld [tilespmem:s26+$0x5500];
	v21 =	vsub.f32 v22, v23;
	v20 =	vsub.f32 v20, v25  }
.Ltmp30:
0x1a1: {  	v19 =	vmul.f32 v19, v26;
	(pc) =	sbr.rel @!p4 .LBB2_38-.Ltmp30, $4  }
0x1a2: {  	v21 =	vmax.f32 v21, $0.0e+00;
	v20 =	vmax.f32 v20, $0.0e+00  }
0x1a3: {  	v20 =	vmul.f32 v20, v21;
	v25 =	vadd.f32 v19, v17  }
0x1a4: {  	(erf) = vrcp.f32 v24;
	v19 =	vld [tilespmem:s26+$0x6100]  }
0x1a5: {  	s28 =	simm.s32 $0x30;
	p2 =	por $0x1, $0x1;
	v22 =	vmin.f32 v12, v29;
	v23 =	vmax.f32 v15, v28;
	v21 =	vld [tilespmem:s26+$0x4900];
	v24 =	vsub.f32 v25, v20  }
0x1a6: {  	_ =	sdelay $0x5  }
0x1a7: {  	v29 =	vsub.f32 v29, v28  }
0x1a8: {  	v25 =	vmin.f32 v11, v19;
	v27 =	vmax.f32 v13, v21;
	v19 =	vsub.f32 v19, v21;
	v30 =	vpop (erf)  }
0x1a9: {  	s26 =	sand.u32 $0xFFFFFFF0, s28;
	v22 =	vsub.f32 v22, v23;
	v23 =	vsub.f32 v25, v27;
	v21 =	vmul.f32 v30, v18  }
0x1aa: {  	v26 =	vld [tilespmem:s26+$0x5500];
	v19 =	vmul.f32 v19, v29;
	(erf) = vrcp.f32 v24  }
0x1ab: {  	v28 =	vld [tilespmem:s26+$0x3D00];
	vm6 =	vgt.f32 v21, $5.500000120e-01;
	v21 =	vmax.f32 v22, $0.0e+00;
	v22 =	vmax.f32 v23, $0.0e+00  }
0x1ac: {  	p4 =	sne.s32 s25, $0x40;
	v25 =	vor.u32 s21, v5;
	v30 =	vmul.f32 v22, v21;
	v21 =	vadd.f32 v19, v17  }
.Ltmp31:
0x1ad: {  	vm7 =	vlt.s32 v25, v9;
	v19 =	vld [tilespmem:s26+$0x6100];
	(pc) =	sbr.rel @!p4 .LBB2_40-.Ltmp31, $4  }
0x1ae: {  	vm6 =	vmand vm7, vm6;
	v24 =	vsub.f32 v21, v30;
	v21 =	vld [tilespmem:s26+$0x4900]  }
0x1af: {  	v25 =	vmpcnt.ones.xlane vm6  }
0x1b0: {  	v23 =	vmax.f32 v15, v28;
	v22 =	vmin.f32 v12, v26;
	v27 =	vmctz.xlane vm6  }
0x1b1: {  	s29 =	simm.s32 $0x40;
	p3 =	por $0x1, $0x1;
	vm6 =	vgt.s32 v16, $0x3FFF;
	s26 =	simm.s32 $0x0;
	vm7 =	vgt.s32 v25, $0x0;
	v25 =	vimm.s32 $0x4000  }
.LBB2_41:
0x1b2: {  	s30 =	sand.u32 $0xFFFFFFF0, s29;
	v29 =	vmin.f32 v11, v19;
	vm6 =	vmand vm6, vm7;
	v27 =	vadd.s32 s26, v27;
	s26 =	smov.u32 s23;
	s23 =	smov.u32 s24  }
0x1b3: {  	s24 =	smov.u32 s28;
	s28 =	smov.u32 s29;
	v31 =	vld [tilespmem:s30+$0x3D00];
	v32 =	vmax.f32 v13, v21;
	(erf) = vrcp.f32 v24;
	v24 =	vpop (erf);
	v25 =	vsel vm6, v27, v25  }
0x1b4: {  	s29 =	sadd.s32 $0x10, s29;
	v27 =	vsub.f32 v26, v28;
	v21 =	vsub.f32 v19, v21;
	v26 =	vld [tilespmem:s30+$0x5500];
	v24 =	vmul.f32 v24, v20;
	v20 =	vmovc v30  }
0x1b5: {  	v22 =	vsub.f32 v22, v23;
	v28 =	vor.u32 s26, v5;
	p4 =	sne.s32 s25, s29;
	v23 =	vsub.f32 v29, v32  }
.Ltmp32:
0x1b6: {  	vm7 =	vlt.s32 v28, v9;
	v27 =	vmul.f32 v21, v27;
	v19 =	vld [tilespmem:s30+$0x6100];
	vm6 =	vgt.f32 v24, $5.500000120e-01;
	(pc) =	sbr.rel @p4 .LBB2_41-.Ltmp32, $4  }
0x1b7: {  	v22 =	vmax.f32 v22, $0.0e+00;
	v23 =	vmax.f32 v23, $0.0e+00;
	v21 =	vld [tilespmem:s30+$0x4900];
	vm6 =	vmand vm7, vm6  }
0x1b8: {  	v30 =	vmul.f32 v23, v22;
	v24 =	vadd.f32 v27, v17;
	v29 =	vmpcnt.ones.xlane vm6;
	v28 =	vmovc v31  }
0x1b9: {  	v27 =	vmctz.xlane vm6;
	v22 =	vmin.f32 v12, v26;
	v23 =	vmax.f32 v15, v28  }
0x1ba: {  	vm6 =	vgt.s32 v25, $0x3FFF;
	v24 =	vsub.f32 v24, v30;
	vm7 =	vgt.s32 v29, $0x0  }
0x1bb: {  	s25 =	smov.u32 s23;
	v31 =	vmov v20;
	s23 =	smov.u32 s28;
	v29 =	vmov v26;
	v20 =	vmov v30  }
.LBB2_43:
0x1bc: {  	v28 =	vsub.f32 v29, v28;
	v43 =	vsub.f32 v19, v21  }
0x1bd: {  	v26 =	vmin.f32 v11, v19;
	v42 =	vmax.f32 v13, v21  }
0x1be: {  	v44 =	vsub.f32 v22, v23;
	v45 =	vsub.f32 v26, v42;
	v19 =	vmul.f32 v43, v28;
	_ =	sdelay $0x1  }
0x1bf: {  	v21 =	vmax.f32 v44, $0.0e+00;
	v22 =	vmax.f32 v45, $0.0e+00  }
0x1c0: {  	(erf) = vrcp.f32 @p1 v24;
	v21 =	vmul.f32 v22, v21;
	v17 =	vadd.f32 v19, v17  }
0x1c1: {  	v19 =	vpop @p2 (erf)  }
0x1c2: {  	v17 =	vsub.f32 v17, v21;
	v19 =	vmul.f32 @p2 v19, v31;
	_ =	sdelay $0x1  }
0x1c3: {  	(erf) = vrcp.f32 v17  }
0x1c4: {  	vm6 =	vmand @p3 vm6, vm7;
	v22 =	vor.u32 @p2 s25, v5  }
0x1c5: {  	vm9 =	vlt.s32 @p2 v22, v9;
	v17 =	vadd.s32 @p3 s26, v27;
	vm8 =	vgt.f32 @p2 v19, $5.500000120e-01;
	v19 =	vmovc @p1 v20  }
0x1c6: {  	v17 =	vsel @p3 vm6, v17, v25;
	vm7 =	vmand @p2 vm9, vm8  }
0x1c7: {  	s26 =	smov.u32 s21;
	v17 =	vpsel p3, v17, v16;
	v20 =	vmpcnt.ones.xlane @p2 vm7  }
0x1c8: {  	s26 =	smov.u32 @p1 s24;
	v22 =	vmctz.xlane @p2 vm7;
	vm6 =	vgt.s32 @p2 v17, $0x3FFF;
	v18 =	vpsel p1, v19, v18;
	v19 =	vpop @p1 (erf)  }
0x1c9: {  	v48 =	vor.u32 s23, v5;
	s24 =	smov.u32 @p1 s26;
	vm6 =	vmmov @p2 vm6;
	v18 =	vmul.f32 @p1 v19, v18  }
0x1ca: {  	vm7 =	vgt.s32 @p2 v20, $0x0;
	v20 =	vpsel p2, v22, v0;
	v19 =	vor.u32 @p1 s24, v5  }
0x1cb: {  	s25 =	smov.u32 @p2 s25;
	vm7 =	vmmov @p2 vm7;
	vm9 =	vlt.s32 @p1 v19, v9;
	vm8 =	vgt.f32 @p1 v18, $5.500000120e-01  }
0x1cc: {  	vm6 =	vmand @p2 vm6, vm7;
	v18 =	vadd.s32 @p2 s25, v20;
	v46 =	vpop (erf);
	vm7 =	vmand @p1 vm9, vm8  }
0x1cd: {  	v17 =	vsel @p2 vm6, v18, v17;
	v47 =	vmul.f32 v46, v21;
	v18 =	vmpcnt.ones.xlane @p1 vm7  }
0x1ce: {  	vm15 =	vlt.s32 v48, v9;
	v19 =	vmctz.xlane @p1 vm7;
	v17 =	vpsel p2, v17, v16  }
0x1cf: {  	vm6 =	vgt.s32 @p1 v17, $0x3FFF;
	vm14 =	vgt.f32 v47, $5.500000120e-01;
	vm7 =	vgt.s32 @p1 v18, $0x0  }
0x1d0: {  	s24 =	smov.u32 @p1 s24;
	vm6 =	vmmov @p1 vm6;
	v19 =	vpsel p1, v19, v0;
	vm7 =	vmmov @p1 vm7  }
0x1d1: {  	v18 =	vadd.s32 @p1 s24, v19;
	vm6 =	vmand @p1 vm6, vm7;
	vm7 =	vmand vm15, vm14  }
0x1d2: {  	v17 =	vsel @p1 vm6, v18, v17;
	v49 =	vmpcnt.ones.xlane vm7  }
0x1d3: {  	v50 =	vmctz.xlane vm7;
	v51 =	vpsel p1, v17, v16  }
0x1d4: {  	vm6 =	vgt.s32 v51, $0x3FFF;
	vm7 =	vgt.s32 v49, $0x0  }
0x1d5: {  	v52 =	vadd.s32 s23, v50;
	vm6 =	vmand vm6, vm7  }
0x1d6: {  	v16 =	vsel vm6, v52, v51  }
0x1d7: {  	vm6 =	vgt.s32 v16, $0x3FFF  }
0x1d8: {  	v16 =	vsel vm6, v9, v16  }
0x1d9: {  	v53 =	vadd.s32 $0x800, v16;
	_ =	sdelay $0x4  }
0x1da: {  	v54 =	vld.idx.msk [tilespmem:v53+s11+$0x0], $0xffff;
	_ =	sdelay $0x4  }
0x1db: {  	v18 =	vadd.f32 v54, v14;
	_ =	sdelay $0x1  }
0x1dc: {  	v18 =	vsel vm6, v14, v18  }
0x1dd: {  	[tilespmem:v53+s11+$0x0] =	vst.idx.msk $0xffff, v18  }
0x1de: {  	v55 =	vld.idx.msk [tilespmem:v53+s12+$0x0], $0xffff;
	_ =	sdelay $0x4  }
0x1df: {  	v19 =	vadd.f32 $1.000000000e+00, v55;
	_ =	sdelay $0x1  }
0x1e0: {  	(erf) = vrcp.f32 v18;
	v19 =	vsel vm6, $0x3F800000, v19  }
0x1e1: {  	[tilespmem:v53+s12+$0x0] =	vst.idx.msk $0xffff, v19  }
0x1e2: {  	v56 =	vld.idx.msk [tilespmem:v53+s13+$0x0], $0xffff;
	_ =	sdelay $0x2  }
0x1e3: {  	v15 =	vmul.f32 v14, v15;
	_ =	sdelay $0x1  }
0x1e4: {  	v18 =	vadd.f32 v56, v15  }
0x1e5: {  	v57 =	vadd.s32 $0x1400, v16  }
0x1e6: {  	v58 =	vpop (erf);
	v15 =	vsel vm6, v15, v18  }
0x1e7: {  	v59 =	vmul.f32 v15, v58  }
0x1e8: {  	[tilespmem:v53+s13+$0x0] =	vst.idx.msk $0xffff, v15  }
0x1e9: {  	[tilespmem:v53+s14+$0x0] =	vst.idx.msk $0xffff, v59  }
0x1ea: {  	v15 =	vld.idx.msk [tilespmem:v57+s13+$0x0], $0xffff;
	_ =	sdelay $0x2  }
0x1eb: {  	v60 =	vmul.f32 v14, v13;
	_ =	sdelay $0x1  }
0x1ec: {  	v15 =	vadd.f32 v15, v60  }
0x1ed: {  	v61 =	vadd.s32 $0x2000, v16  }
0x1ee: {  	v13 =	vsel vm6, v60, v15  }
0x1ef: {  	v15 =	vmul.f32 v13, v58  }
0x1f0: {  	[tilespmem:v57+s13+$0x0] =	vst.idx.msk $0xffff, v13  }
0x1f1: {  	[tilespmem:v57+s14+$0x0] =	vst.idx.msk $0xffff, v15  }
0x1f2: {  	v13 =	vld.idx.msk [tilespmem:v61+s13+$0x0], $0xffff;
	_ =	sdelay $0x2  }
0x1f3: {  	v12 =	vmul.f32 v14, v12;
	_ =	sdelay $0x1  }
0x1f4: {  	v13 =	vadd.f32 v13, v12  }
0x1f5: {  	v62 =	vadd.s32 $0x2C00, v16  }
0x1f6: {  	v12 =	vsel vm6, v12, v13  }
0x1f7: {  	v13 =	vmul.f32 v12, v58  }
0x1f8: {  	[tilespmem:v61+s13+$0x0] =	vst.idx.msk $0xffff, v12  }
0x1f9: {  	[tilespmem:v61+s14+$0x0] =	vst.idx.msk $0xffff, v13  }
0x1fa: {  	v12 =	vld.idx.msk [tilespmem:v62+s13+$0x0], $0xffff;
	_ =	sdelay $0x2  }
0x1fb: {  	v11 =	vmul.f32 v14, v11;
	_ =	sdelay $0x1  }
0x1fc: {  	s22 =	sadd.s32 $0x1, s22;
	v12 =	vadd.f32 v12, v11  }
0x1fd: {  	p1 =	seq.s32 s22, s20  }
.Ltmp33:
0x1fe: {  	v11 =	vsel vm6, v11, v12;
	(pc) =	sbr.rel @!p1 .LBB2_33-.Ltmp33, $4  }
.Ltmp34:
0x1ff: {  	v12 =	vmul.f32 v11, v58;
	(pc) =	sbr.rel @p1 .LBB2_6-.Ltmp34, $4  }
0x200: {  	[tilespmem:v62+s13+$0x0] =	vst.idx.msk $0xffff, v11  }
0x201: {  	v63 =	vsel vm6, $0x1, v7;
	v11 =	vnsel vm6, $0xFFFFFFFF, v9;
	[tilespmem:v62+s14+$0x0] =	vst.idx.msk $0xffff, v12  }
0x202: {  	v9 =	vadd.s32 v63, v9;
	[tilespmem:v10+s15+$0x0] =	vst.idx.msk $0xffff, v11  }
0x203: {  	_ = 	snop  }
.LBB2_34:
.Ltmp35:
0x204: {  	(pc) =	sbr.rel .LBB2_43-.Ltmp35, $2  }
0x205: {  	_ =	sdelay $0x2  }
0x206: {  	v25 =	vimm.s32 $0x4000;
	s23 =	simm.s32 $0x0  }
.LBB2_36:
.Ltmp36:
0x207: {  	(pc) =	sbr.rel .LBB2_43-.Ltmp36, $2  }
0x208: {  	_ =	sdelay $0x2  }
0x209: {  	v20 =	vmov v18;
	s24 =	simm.s32 $0x0;
	v25 =	vimm.s32 $0x4000;
	v28 =	vmov v26  }
.LBB2_38:
.Ltmp37:
0x20a: {  	(pc) =	sbr.rel .LBB2_43-.Ltmp37, $2  }
0x20b: {  	_ =	sdelay $0x2  }
0x20c: {  	s25 =	simm.s32 $0x0;
	s24 =	simm.s32 $0x10;
	v25 =	vimm.s32 $0x4000;
	s23 =	simm.s32 $0x20;
	v31 =	vmov v18  }
.LBB2_40:
.Ltmp38:
0x20d: {  	(pc) =	sbr.rel .LBB2_43-.Ltmp38, $2  }
0x20e: {  	_ =	sdelay $0x2  }
0x20f: {  	v31 =	vmovc v20;
	s26 =	smov.u32 s21;
	s25 =	simm.s32 $0x10;
	v25 =	vimm.s32 $0x4000;
	s23 =	simm.s32 $0x30;
	v29 =	vmov v26;
	v20 =	vmov v30  }
.LBB2_6:
.Ltmp39:
0x210: {  	(pc) =	sbr.rel @!p0 .LBB2_7-.Ltmp39, $2  }
0x211: {  	_ =	sdelay $0x2  }
0x212: {  	s22 =	simm.s32 $0x0;
	s21 =	simm.s32 $0xAD00  }
0x213: {  	v9 =	vmov s22;
	_ =	sdelay $0x4  }
0x214: {  	v10 =	vld.idx.msk [tilespmem:v9+s15+$0x0], $0xffff;
	_ =	sdelay $0x4  }
0x215: {  	vm6 =	vgt.s32 v10, $0x0  }
0x216: {  	v11 =	vnsel vm6, $0x0, v10;
	_ =	sdelay $0x2  }
0x217: {  	v9 =	vld.idx.msk [tilespmem:v9+s10+$0x0], $0xffff;
	v12 =	vadd.s32 $0xC00, v11  }
0x218: {  	v13 =	vadd.s32 $0x1800, v11  }
0x219: {  	v15 =	vadd.s32 $0x2400, v11;
	v14 =	vld.idx.msk [tilespmem:v11+s11+$0x0], $0xffff  }
0x21a: {  	v16 =	vld.idx.msk [tilespmem:v11+s12+$0x0], $0xffff  }
0x21b: {  	v11 =	vld.idx.msk [tilespmem:v11+s13+$0x0], $0xffff  }
0x21c: {  	v17 =	vxor.u32 $0x80000000, v9;
	v12 =	vld.idx.msk [tilespmem:v12+s13+$0x0], $0xffff  }
0x21d: {  	(xrf0) =	vmax.scan.msk.u32 $0xffff, v17;
	v13 =	vld.idx.msk [tilespmem:v13+s13+$0x0], $0xffff  }
0x21e: {  	vm7 =	vmmov $0x1;
	v15 =	vld.idx.msk [tilespmem:v15+s13+$0x0], $0xffff  }
0x21f: {  	vm8 =	veq.s32 v5, $0x5;
	vm9 =	veq.s32 v5, $0x7;
	s22 =	sadd.s32 $0x1, s22;
	vm6 =	vmmov $0xf  }
0x220: {  	p1 =	seq.s32 s18, s22;
	vm10 =	vgt.s32 v10, $0xFFFFFFFF;
	v61 =	vnsel vm6, $0x3F800000, v14;
	v11 =	vnsel vm7, $0x0, v11  }
.Ltmp40:
0x221: {  	v9 =	vcvt.s32.f32 v9;
	v10 =	vsel vm3, v61, v16;
	v11 =	vsel vm0, v11, v12;
	(pc) =	sbr.rel @p1 .LBB2_45-.Ltmp40, $4  }
0x222: {  	v62 =	vnsel vm10, $0x3F800000, v16;
	v10 =	vsel vm8, $0x3F800000, v10;
	v11 =	vsel vm1, v11, v13  }
0x223: {  	v9 =	vadd.f32 v9, v3;
	v63, _, _ =	vpop (xrf0);
	v10 =	vsel vm4, v10, v62;
	v11 =	vsel vm2, v11, v15  }
0x224: {  	(v2sf) =	vpush v63, $0xF;
	v10 =	vsel vm9, $0x3F800000, v10;
	v11 =	vsel vm3, v11, v14  }
0x225: {  	p0 =	por $0x0, $0x0;
	(erf) = vrcp.f32 v10;
	v10 =	vnsel vm10, $0xFF61B1E6, v14;
	v11 =	vsel vm8, s3, v11  }
0x226: {  	_ =	sdelay $0x9  }
0x227: {  	v10 =	vsel vm4, v11, v10;
	_ =	sdelay $0x2  }
0x228: {  	v11 =	vmov s22;
	v9 =	vsel vm5, v10, v9;
	v10 =	vpop (erf);
	s23 =	spop (v2sf)  }
0x229: {  	v9 =	vmul.f32 v10, v9;
	s23 =	sshll.u32 s23, $0x1  }
0x22a: {  	s23 =	sand.u32 $0x1FFFFFFE, s23  }
0x22b: {  	[tilespmem:s21+$0x0] =	vst v9;
	s23 =	sadd.s32 s7, s23  }
0x22c: {  	[hbm4b:s23+s2] =	stream.linear.scatter [tilespmem:s21], [sflag:$0x1], $0x10, $0x38;
	[tilespmem:$0xED00] =	vst v63  }
0x22d: {  	v9 =	vld.idx.msk [tilespmem:v11+s15+$0x0], $0xffff  }
0x22e: {  	v11 =	vld.idx.msk [tilespmem:v11+s10+$0x0], $0xffff;
	_ =	sdelay $0x3  }
0x22f: {  	vm10 =	vgt.s32 v9, $0x0  }
0x230: {  	v17 =	vxor.u32 $0x80000000, v11;
	v10 =	vnsel vm10, $0x0, v9  }
0x231: {  	(xrf0) =	vmax.scan.msk.u32 $0xffff, v17;
	_ =	sdelay $0x3  }
0x232: {  	v14 =	vld.idx.msk [tilespmem:v10+s11+$0x0], $0xffff  }
0x233: {  	v16 =	vld.idx.msk [tilespmem:v10+s12+$0x0], $0xffff  }
0x234: {  	v62, _, _ =	vpop (xrf0)  }
0x235: {  	v12 =	vadd.s32 $0xC00, v10;
	(v2sf) =	vpush v62, $0xF  }
0x236: {  	v13 =	vadd.s32 $0x1800, v10  }
0x237: {  	v15 =	vadd.s32 $0x2400, v10;
	v61 =	vnsel vm6, $0x3F800000, v14  }
0x238: {  	vm15 =	vgt.s32 v9, $0xFFFFFFFF;
	v9 =	vsel vm3, v61, v16  }
0x239: {  	v10 =	vld.idx.msk [tilespmem:v10+s13+$0x0], $0xffff;
	v16 =	vnsel vm15, $0x3F800000, v16;
	v9 =	vsel vm8, $0x3F800000, v9  }
0x23a: {  	v12 =	vld.idx.msk [tilespmem:v12+s13+$0x0], $0xffff;
	v9 =	vsel vm4, v9, v16  }
0x23b: {  	v13 =	vld.idx.msk [tilespmem:v13+s13+$0x0], $0xffff;
	v9 =	vsel vm9, $0x3F800000, v9  }
0x23c: {  	v15 =	vld.idx.msk [tilespmem:v15+s13+$0x0], $0xffff;
	(erf) = vrcp.f32 v9  }
0x23d: {  	s22 =	sadd.s32 $0x1, s22  }
0x23e: {  	p1 =	seq.s32 s18, s22;
	v10 =	vnsel vm7, $0x0, v10  }
.Ltmp41:
0x23f: {  	v10 =	vsel vm0, v10, v12;
	(pc) =	sbr.rel @p1 .LBB2_47-.Ltmp41, $4  }
0x240: {  	v10 =	vsel vm1, v10, v13  }
0x241: {  	v11 =	vcvt.s32.f32 v11;
	v10 =	vsel vm2, v10, v15  }
0x242: {  	v63 =	vsel vm3, v10, v14  }
0x243: {  	p0 =	por $0x1, $0x1;
	s23 =	simm.s32 $0xAD00;
	v10 =	vnsel vm15, $0xFF61B1E6, v14;
	v9 =	vadd.f32 v11, v3;
	v11 =	vsel vm8, s3, v63  }
.LBB2_48:
0x244: {  	v12 =	vmov s22;
	s22 =	sadd.s32 $0x1, s22;
	v11 =	vsel vm4, v11, v10;
	s24 =	spop (v2sf)  }
0x245: {  	p1 =	seq.s32 s18, s22;
	v9 =	vsel vm5, v11, v9;
	s24 =	sshll.u32 s24, $0x1;
	v10 =	vpop (erf)  }
0x246: {  	v9 =	vmul.f32 v10, v9;
	s24 =	sand.u32 $0x1FFFFFFE, s24  }
0x247: {  	s23 =	sadd.s32 $0x10, s23;
	s24 =	sadd.s32 s7, s24  }
0x248: {  	[tilespmem:s23+$0x0] =	vst v9;
	[hbm4b:s24+s2] =	stream.linear.scatter [tilespmem:s23], [sflag:$0x1], $0x10, $0x38  }
0x249: {  	v9 =	vld.idx.msk [tilespmem:v12+s15+$0x0], $0xffff;
	_ =	sdelay $0x1  }
0x24a: {  	v10 =	vld.idx.msk [tilespmem:v12+s10+$0x0], $0xffff;
	_ =	sdelay $0x3  }
0x24b: {  	vm8 =	vgt.s32 v9, $0x0  }
0x24c: {  	v11 =	vnsel vm8, $0x0, v9  }
0x24d: {  	v12 =	vcvt.s32.f32 v10;
	v10 =	vxor.u32 $0x80000000, v10  }
0x24e: {  	(xrf0) =	vmax.scan.msk.u32 $0xffff, v10;
	_ =	sdelay $0x2  }
0x24f: {  	v10 =	vld.idx.msk [tilespmem:v11+s11+$0x0], $0xffff  }
0x250: {  	v13 =	vld.idx.msk [tilespmem:v11+s12+$0x0], $0xffff;
	_ =	sdelay $0x1  }
0x251: {  	v14 =	vadd.s32 $0xC00, v11;
	v15, _, _ =	vpop (xrf0)  }
0x252: {  	v16 =	vadd.s32 $0x1800, v11;
	(v2sf) =	vpush v15, $0xF  }
0x253: {  	v15 =	vadd.s32 $0x2400, v11  }
0x254: {  	v17 =	vnsel vm6, $0x3F800000, v10  }
0x255: {  	vm9 =	veq.s32 v5, $0x5;
	vm8 =	vgt.s32 v9, $0xFFFFFFFF;
	v9 =	vld.idx.msk [tilespmem:v11+s13+$0x0], $0xffff;
	v11 =	vsel vm3, v17, v13  }
0x256: {  	v13 =	vnsel vm8, $0x3F800000, v13;
	v14 =	vld.idx.msk [tilespmem:v14+s13+$0x0], $0xffff;
	v11 =	vsel vm9, $0x3F800000, v11  }
0x257: {  	vm10 =	veq.s32 v5, $0x7;
	v16 =	vld.idx.msk [tilespmem:v16+s13+$0x0], $0xffff;
	v11 =	vsel vm4, v11, v13  }
0x258: {  	v13 =	vld.idx.msk [tilespmem:v15+s13+$0x0], $0xffff;
	v11 =	vsel vm10, $0x3F800000, v11  }
0x259: {  	(erf) = vrcp.f32 v11;
	_ =	sdelay $0x1  }
0x25a: {  	v9 =	vnsel vm7, $0x0, v9  }
.Ltmp42:
0x25b: {  	v9 =	vsel vm0, v9, v14;
	(pc) =	sbr.rel @!p1 .LBB2_48-.Ltmp42, $4  }
0x25c: {  	v9 =	vsel vm1, v9, v16  }
0x25d: {  	v9 =	vsel vm2, v9, v13  }
0x25e: {  	v11 =	vsel vm3, v9, v10  }
0x25f: {  	v9 =	vadd.f32 v12, v3;
	v10 =	vnsel vm8, $0xFF61B1E6, v10;
	v11 =	vsel vm9, s3, v11  }
.LBB2_49:
0x260: {  	v10 =	vsel vm4, v11, v10;
	_ =	sdelay $0x2  }
.Ltmp43:
0x261: {  	s22 =	spop (v2sf);
	v9 =	vsel vm5, v10, v9;
	v10 =	vpop (erf);
	(pc) =	sbr.rel .LBB2_8-.Ltmp43, $4  }
0x262: {  	s23 =	sadd.s32 @p0 $0x10, s23;
	s22 =	sshll.u32 s22, $0x1;
	v9 =	vmul.f32 v10, v9  }
0x263: {  	s21 =	smov.u32 @p0 s23;
	s22 =	sand.u32 $0x1FFFFFFE, s22  }
0x264: {  	s22 =	sadd.s32 s7, s22;
	[tilespmem:s21+$0x0] =	vst v9  }
0x265: {  	[hbm4b:s22+s2] =	stream.linear.scatter [tilespmem:s21], [sflag:$0x1], $0x10, $0x38;
	[tilespmem:$0xED00] =	vst v63  }
.LBB2_7:
0x266: {  	s18 =	simm.s32 $0x0  }
.LBB2_8:
0x267: {  	p0 =	slt.s32 s19, $0x1  }
.Ltmp44:
0x268: {  	_ = 	snop;
	(pc) =	sbr.rel @p0 .LBB2_51-.Ltmp44, $1  }
0x269: {  	_ =	sdelay $0x3  }
0x26a: {  	s22 =	simm.s32 $0x0  }
0x26b: {  	v9 =	vmov s22  }
0x26c: {  	v9 =	vadd.s32 $0x400, v9  }
0x26d: {  	v9 =	vbroadcast v9, $0x0;
	_ =	sdelay $0x5  }
0x26e: {  	v10 =	vld.idx.msk [tilespmem:v9+s15+$0x0], $0xffff;
	_ =	sdelay $0x4  }
0x26f: {  	vm6 =	vgt.s32 v10, $0x0  }
0x270: {  	v11 =	vnsel vm6, $0x0, v10  }
0x271: {  	v12 =	vadd.s32 $0x400, v11  }
0x272: {  	v13 =	vld.idx.msk [tilespmem:v9+s10+$0x0], $0xffff;
	_ =	sdelay $0x3  }
0x273: {  	v14 =	vadd.s32 $0x1000, v11;
	v9 =	vld.idx.msk [tilespmem:v12+s11+$0x0], $0xffff  }
0x274: {  	v15 =	vxor.u32 $0x80000000, v13;
	v16 =	vld.idx.msk [tilespmem:v12+s12+$0x0], $0xffff  }
0x275: {  	(xrf0) =	vmax.scan.msk.u32 $0xffff, v15;
	_ =	sdelay $0x1  }
0x276: {  	vm6 =	vmmov $0xf;
	v15 =	vadd.s32 $0x1C00, v11;
	v12 =	vld.idx.msk [tilespmem:v12+s13+$0x0], $0xffff  }
0x277: {  	p1 =	seq.s32 s19, $0x1;
	v17 =	vadd.s32 $0x2800, v11;
	v14 =	vld.idx.msk [tilespmem:v14+s13+$0x0], $0xffff;
	v11 =	vnsel vm6, $0x3F800000, v9  }
.Ltmp45:
0x278: {  	vm8 =	veq.s32 v5, $0x5;
	vm9 =	vgt.s32 v10, $0xFFFFFFFF;
	v10 =	vsel vm3, v11, v16;
	(pc) =	sbr.rel @p1 .LBB2_10-.Ltmp45, $4  }
0x279: {  	v11 =	vnsel vm9, $0x3F800000, v16;
	v10 =	vsel vm8, $0x3F800000, v10  }
0x27a: {  	s21 =	sshll.u32 s18, $0x6;
	vm10 =	veq.s32 v5, $0x7;
	vm7 =	vmmov $0x1;
	v63, _, _ =	vpop (xrf0);
	v10 =	vsel vm4, v10, v11  }
0x27b: {  	s21 =	sshra.s32 s21, $0x2;
	(v2sf) =	vpush v63, $0xF;
	v11 =	vld.idx.msk [tilespmem:v15+s13+$0x0], $0xffff;
	v15 =	vnsel vm7, $0x0, v12;
	v10 =	vsel vm10, $0x3F800000, v10  }
0x27c: {  	p0 =	por $0x0, $0x0;
	s22 =	simm.s32 $0x1;
	s21 =	sadd.s32 $0xAD00, s21;
	v12 =	vld.idx.msk [tilespmem:v17+s13+$0x0], $0xffff;
	(erf) = vrcp.f32 v10;
	v10 =	vcvt.s32.f32 v13;
	v13 =	vsel vm0, v15, v14  }
0x27d: {  	_ =	sdelay $0x7  }
0x27e: {  	v11 =	vsel vm1, v13, v11  }
0x27f: {  	v10 =	vadd.f32 v10, v4;
	v11 =	vsel vm2, v11, v12  }
0x280: {  	v13 =	vmov s22;
	v11 =	vsel vm3, v11, v9  }
0x281: {  	v12 =	vadd.s32 $0x400, v13;
	v9 =	vnsel vm9, $0xFF61B1E6, v9;
	v11 =	vsel vm8, s4, v11  }
0x282: {  	v12 =	vbroadcast v12, $0x0;
	v9 =	vsel vm4, v11, v9  }
0x283: {  	v9 =	vsel vm5, v9, v10;
	v10 =	vpop (erf);
	s31 =	spop (v2sf)  }
0x284: {  	v9 =	vmul.f32 v10, v9;
	s22 =	sshll.u32 s31, $0x1  }
0x285: {  	s22 =	sand.u32 $0x1FFFFFFE, s22  }
0x286: {  	[tilespmem:s21+$0x0] =	vst v9;
	s22 =	sadd.s32 s7, s22  }
0x287: {  	[hbm4b:s22+s2] =	stream.linear.scatter [tilespmem:s21], [sflag:$0x1], $0x10, $0x38;
	[tilespmem:$0xED00] =	vst v63  }
0x288: {  	v10 =	vld.idx.msk [tilespmem:v12+s15+$0x0], $0xffff;
	_ =	sdelay $0x4  }
0x289: {  	vm9 =	vgt.s32 v10, $0x0  }
0x28a: {  	v11 =	vnsel vm9, $0x0, v10  }
0x28b: {  	v13 =	vadd.s32 $0x400, v11  }
0x28c: {  	v12 =	vld.idx.msk [tilespmem:v12+s10+$0x0], $0xffff;
	_ =	sdelay $0x3  }
0x28d: {  	v9 =	vld.idx.msk [tilespmem:v13+s11+$0x0], $0xffff  }
0x28e: {  	v16 =	vxor.u32 $0x80000000, v12;
	v15 =	vld.idx.msk [tilespmem:v13+s12+$0x0], $0xffff  }
0x28f: {  	(xrf0) =	vmax.scan.msk.u32 $0xffff, v16;
	_ =	sdelay $0x1  }
0x290: {  	v14 =	vadd.s32 $0x1000, v11  }
0x291: {  	v63 =	vadd.s32 $0x1C00, v11;
	v17 =	vadd.s32 $0x2800, v11;
	v11 =	vnsel vm6, $0x3F800000, v9  }
0x292: {  	vm9 =	vgt.s32 v10, $0xFFFFFFFF;
	v10 =	vsel vm3, v11, v15  }
0x293: {  	v11 =	vnsel vm9, $0x3F800000, v15;
	v10 =	vsel vm8, $0x3F800000, v10  }
0x294: {  	v15 =	vsel vm4, v10, v11;
	v10 =	vcvt.s32.f32 v12;
	v12, _, _ =	vpop (xrf0)  }
0x295: {  	(v2sf) =	vpush v12, $0xF;
	_ =	sdelay $0x3  }
0x296: {  	v13 =	vld.idx.msk [tilespmem:v13+s13+$0x0], $0xffff  }
0x297: {  	p1 =	seq.s32 s19, $0x2;
	v14 =	vld.idx.msk [tilespmem:v14+s13+$0x0], $0xffff  }
.Ltmp46:
0x298: {  	v11 =	vld.idx.msk [tilespmem:v63+s13+$0x0], $0xffff;
	v15 =	vsel vm10, $0x3F800000, v15;
	(pc) =	sbr.rel @p1 .LBB2_55-.Ltmp46, $3  }
0x299: {  	v12 =	vld.idx.msk [tilespmem:v17+s13+$0x0], $0xffff;
	(erf) = vrcp.f32 v15;
	_ =	sdelay $0x1  }
0x29a: {  	v13 =	vnsel vm7, $0x0, v13  }
0x29b: {  	p0 =	por $0x1, $0x1;
	s23 =	smov.u32 s21;
	s22 =	simm.s32 $0x2;
	v13 =	vsel vm0, v13, v14  }
.LBB2_56:
0x29c: {  	v14 =	vmov s22;
	v11 =	vsel vm1, v13, v11  }
0x29d: {  	s22 =	sadd.s32 $0x1, s22;
	v13 =	vadd.s32 $0x400, v14;
	v11 =	vsel vm2, v11, v12  }
0x29e: {  	p1 =	seq.s32 s19, s22;
	v12 =	vbroadcast v13, $0x0;
	v11 =	vsel vm3, v11, v9  }
0x29f: {  	v13 =	vadd.f32 v10, v4;
	v9 =	vnsel vm9, $0xFF61B1E6, v9;
	v11 =	vsel vm8, s4, v11  }
0x2a0: {  	v9 =	vsel vm4, v11, v9;
	s24 =	spop (v2sf)  }
0x2a1: {  	v9 =	vsel vm5, v9, v13;
	s24 =	sshll.u32 s24, $0x1;
	v10 =	vpop (erf)  }
0x2a2: {  	v9 =	vmul.f32 v10, v9;
	s24 =	sand.u32 $0x1FFFFFFE, s24  }
0x2a3: {  	s23 =	sadd.s32 $0x10, s23;
	s24 =	sadd.s32 s7, s24  }
0x2a4: {  	[tilespmem:s23+$0x0] =	vst v9;
	[hbm4b:s24+s2] =	stream.linear.scatter [tilespmem:s23], [sflag:$0x1], $0x10, $0x38  }
0x2a5: {  	v11 =	vld.idx.msk [tilespmem:v12+s15+$0x0], $0xffff;
	_ =	sdelay $0x2  }
0x2a6: {  	v9 =	vld.idx.msk [tilespmem:v12+s10+$0x0], $0xffff;
	_ =	sdelay $0x2  }
0x2a7: {  	vm8 =	vgt.s32 v11, $0x0  }
0x2a8: {  	v12 =	vnsel vm8, $0x0, v11  }
0x2a9: {  	v13 =	vadd.s32 $0x400, v12  }
0x2aa: {  	v10 =	vcvt.s32.f32 v9;
	v9 =	vxor.u32 $0x80000000, v9  }
0x2ab: {  	(xrf0) =	vmax.scan.msk.u32 $0xffff, v9;
	_ =	sdelay $0x2  }
0x2ac: {  	v9 =	vld.idx.msk [tilespmem:v13+s11+$0x0], $0xffff  }
0x2ad: {  	v14 =	vld.idx.msk [tilespmem:v13+s12+$0x0], $0xffff;
	_ =	sdelay $0x1  }
0x2ae: {  	v15 =	vadd.s32 $0x1000, v12;
	v16, _, _ =	vpop (xrf0)  }
0x2af: {  	v17 =	vadd.s32 $0x1C00, v12;
	(v2sf) =	vpush v16, $0xF  }
0x2b0: {  	v12 =	vadd.s32 $0x2800, v12  }
0x2b1: {  	v16 =	vnsel vm6, $0x3F800000, v9  }
0x2b2: {  	vm9 =	vgt.s32 v11, $0xFFFFFFFF;
	vm8 =	veq.s32 v5, $0x5;
	v11 =	vsel vm3, v16, v14;
	v13 =	vld.idx.msk [tilespmem:v13+s13+$0x0], $0xffff  }
0x2b3: {  	v14 =	vnsel vm9, $0x3F800000, v14;
	v16 =	vsel vm8, $0x3F800000, v11;
	v15 =	vld.idx.msk [tilespmem:v15+s13+$0x0], $0xffff  }
0x2b4: {  	vm10 =	veq.s32 v5, $0x7;
	v14 =	vsel vm4, v16, v14;
	v11 =	vld.idx.msk [tilespmem:v17+s13+$0x0], $0xffff  }
.Ltmp47:
0x2b5: {  	v14 =	vsel vm10, $0x3F800000, v14;
	v12 =	vld.idx.msk [tilespmem:v12+s13+$0x0], $0xffff;
	(pc) =	sbr.rel @!p1 .LBB2_56-.Ltmp47, $3  }
0x2b6: {  	(erf) = vrcp.f32 v14;
	_ =	sdelay $0x1  }
0x2b7: {  	v13 =	vnsel vm7, $0x0, v13  }
0x2b8: {  	v13 =	vsel vm0, v13, v15  }
.LBB2_57:
0x2b9: {  	v11 =	vsel vm1, v13, v11  }
0x2ba: {  	v10 =	vadd.f32 v10, v4;
	v11 =	vsel vm2, v11, v12  }
0x2bb: {  	v11 =	vsel vm3, v11, v9  }
0x2bc: {  	v9 =	vnsel vm9, $0xFF61B1E6, v9;
	v11 =	vsel vm8, s4, v11  }
0x2bd: {  	v9 =	vsel vm4, v11, v9  }
0x2be: {  	s19 =	spop (v2sf);
	v9 =	vsel vm5, v9, v10;
	v10 =	vpop (erf)  }
0x2bf: {  	s23 =	sadd.s32 @p0 $0x10, s23;
	s19 =	sshll.u32 s19, $0x1;
	v9 =	vmul.f32 v10, v9  }
0x2c0: {  	s21 =	smov.u32 @p0 s23;
	s19 =	sand.u32 $0x1FFFFFFE, s19  }
0x2c1: {  	s19 =	sadd.s32 s7, s19;
	[tilespmem:s21+$0x0] =	vst v9  }
0x2c2: {  	[hbm4b:s19+s2] =	stream.linear.scatter [tilespmem:s21], [sflag:$0x1], $0x10, $0x38;
	[tilespmem:$0xED00] =	vst v63  }
0x2c3: {  	s18 =	sadd.s32 s22, s18  }
.LBB2_51:
0x2c4: {  	p0 =	slt.s32 s20, $0x1  }
.Ltmp48:
0x2c5: {  	_ = 	snop;
	(pc) =	sbr.rel @p0 .LBB2_59-.Ltmp48, $1  }
0x2c6: {  	_ =	sdelay $0x3  }
0x2c7: {  	s21 =	simm.s32 $0x0  }
0x2c8: {  	v9 =	vmov s21  }
0x2c9: {  	v9 =	vadd.s32 $0x800, v9  }
0x2ca: {  	v9 =	vbroadcast v9, $0x0;
	_ =	sdelay $0x5  }
0x2cb: {  	v10 =	vld.idx.msk [tilespmem:v9+s15+$0x0], $0xffff;
	_ =	sdelay $0x4  }
0x2cc: {  	vm6 =	vgt.s32 v10, $0x0  }
0x2cd: {  	v11 =	vnsel vm6, $0x0, v10  }
0x2ce: {  	v12 =	vadd.s32 $0x800, v11  }
0x2cf: {  	v13 =	vld.idx.msk [tilespmem:v9+s10+$0x0], $0xffff;
	_ =	sdelay $0x3  }
0x2d0: {  	v14 =	vadd.s32 $0x1400, v11;
	v9 =	vld.idx.msk [tilespmem:v12+s11+$0x0], $0xffff  }
0x2d1: {  	v15 =	vxor.u32 $0x80000000, v13;
	v16 =	vld.idx.msk [tilespmem:v12+s12+$0x0], $0xffff  }
0x2d2: {  	(xrf0) =	vmax.scan.msk.u32 $0xffff, v15;
	_ =	sdelay $0x1  }
0x2d3: {  	vm6 =	vmmov $0xf;
	v15 =	vadd.s32 $0x2000, v11;
	v12 =	vld.idx.msk [tilespmem:v12+s13+$0x0], $0xffff  }
0x2d4: {  	p1 =	seq.s32 s20, $0x1;
	v17 =	vadd.s32 $0x2C00, v11;
	v14 =	vld.idx.msk [tilespmem:v14+s13+$0x0], $0xffff;
	v11 =	vnsel vm6, $0x3F800000, v9  }
.Ltmp49:
0x2d5: {  	vm8 =	veq.s32 v5, $0x5;
	vm9 =	vgt.s32 v10, $0xFFFFFFFF;
	v10 =	vsel vm3, v11, v16;
	(pc) =	sbr.rel @p1 .LBB2_53-.Ltmp49, $4  }
0x2d6: {  	v11 =	vnsel vm9, $0x3F800000, v16;
	v10 =	vsel vm8, $0x3F800000, v10  }
0x2d7: {  	s19 =	sshll.u32 s18, $0x6;
	vm10 =	veq.s32 v5, $0x7;
	vm7 =	vmmov $0x1;
	v63, _, _ =	vpop (xrf0);
	v10 =	vsel vm4, v10, v11  }
0x2d8: {  	s19 =	sshra.s32 s19, $0x2;
	(v2sf) =	vpush v63, $0xF;
	v11 =	vld.idx.msk [tilespmem:v15+s13+$0x0], $0xffff;
	v15 =	vnsel vm7, $0x0, v12;
	v10 =	vsel vm10, $0x3F800000, v10  }
0x2d9: {  	p0 =	por $0x0, $0x0;
	s21 =	simm.s32 $0x1;
	s19 =	sadd.s32 $0xAD00, s19;
	v12 =	vld.idx.msk [tilespmem:v17+s13+$0x0], $0xffff;
	(erf) = vrcp.f32 v10;
	v10 =	vcvt.s32.f32 v13;
	v13 =	vsel vm0, v15, v14  }
0x2da: {  	_ =	sdelay $0x7  }
0x2db: {  	v11 =	vsel vm1, v13, v11  }
0x2dc: {  	v10 =	vadd.f32 v10, v6;
	v11 =	vsel vm2, v11, v12  }
0x2dd: {  	v13 =	vmov s21;
	v11 =	vsel vm3, v11, v9  }
0x2de: {  	v12 =	vadd.s32 $0x800, v13;
	v9 =	vnsel vm9, $0xFF61B1E6, v9;
	v11 =	vsel vm8, s5, v11  }
0x2df: {  	v12 =	vbroadcast v12, $0x0;
	v9 =	vsel vm4, v11, v9  }
0x2e0: {  	v9 =	vsel vm5, v9, v10;
	v10 =	vpop (erf);
	s31 =	spop (v2sf)  }
0x2e1: {  	v9 =	vmul.f32 v10, v9;
	s21 =	sshll.u32 s31, $0x1  }
0x2e2: {  	s21 =	sand.u32 $0x1FFFFFFE, s21  }
0x2e3: {  	[tilespmem:s19+$0x0] =	vst v9;
	s21 =	sadd.s32 s7, s21  }
0x2e4: {  	[hbm4b:s21+s2] =	stream.linear.scatter [tilespmem:s19], [sflag:$0x1], $0x10, $0x38;
	[tilespmem:$0xED00] =	vst v63  }
0x2e5: {  	v10 =	vld.idx.msk [tilespmem:v12+s15+$0x0], $0xffff;
	_ =	sdelay $0x4  }
0x2e6: {  	vm9 =	vgt.s32 v10, $0x0  }
0x2e7: {  	v11 =	vnsel vm9, $0x0, v10  }
0x2e8: {  	v13 =	vadd.s32 $0x800, v11  }
0x2e9: {  	v12 =	vld.idx.msk [tilespmem:v12+s10+$0x0], $0xffff;
	_ =	sdelay $0x3  }
0x2ea: {  	v9 =	vld.idx.msk [tilespmem:v13+s11+$0x0], $0xffff  }
0x2eb: {  	v16 =	vxor.u32 $0x80000000, v12;
	v15 =	vld.idx.msk [tilespmem:v13+s12+$0x0], $0xffff  }
0x2ec: {  	(xrf0) =	vmax.scan.msk.u32 $0xffff, v16;
	_ =	sdelay $0x1  }
0x2ed: {  	v14 =	vadd.s32 $0x1400, v11  }
0x2ee: {  	v63 =	vadd.s32 $0x2000, v11;
	v17 =	vadd.s32 $0x2C00, v11;
	v11 =	vnsel vm6, $0x3F800000, v9  }
0x2ef: {  	vm9 =	vgt.s32 v10, $0xFFFFFFFF;
	v10 =	vsel vm3, v11, v15  }
0x2f0: {  	v11 =	vnsel vm9, $0x3F800000, v15;
	v10 =	vsel vm8, $0x3F800000, v10  }
0x2f1: {  	v15 =	vsel vm4, v10, v11;
	v10 =	vcvt.s32.f32 v12;
	v12, _, _ =	vpop (xrf0)  }
0x2f2: {  	(v2sf) =	vpush v12, $0xF;
	_ =	sdelay $0x3  }
0x2f3: {  	v13 =	vld.idx.msk [tilespmem:v13+s13+$0x0], $0xffff  }
0x2f4: {  	p1 =	seq.s32 s20, $0x2;
	v14 =	vld.idx.msk [tilespmem:v14+s13+$0x0], $0xffff  }
.Ltmp50:
0x2f5: {  	v11 =	vld.idx.msk [tilespmem:v63+s13+$0x0], $0xffff;
	v15 =	vsel vm10, $0x3F800000, v15;
	(pc) =	sbr.rel @p1 .LBB2_66-.Ltmp50, $3  }
0x2f6: {  	v12 =	vld.idx.msk [tilespmem:v17+s13+$0x0], $0xffff;
	(erf) = vrcp.f32 v15;
	_ =	sdelay $0x1  }
0x2f7: {  	v13 =	vnsel vm7, $0x0, v13  }
0x2f8: {  	p0 =	por $0x1, $0x1;
	s22 =	smov.u32 s19;
	s21 =	simm.s32 $0x2;
	v13 =	vsel vm0, v13, v14  }
.LBB2_67:
0x2f9: {  	v14 =	vmov s21;
	v11 =	vsel vm1, v13, v11  }
0x2fa: {  	s21 =	sadd.s32 $0x1, s21;
	v13 =	vadd.s32 $0x800, v14;
	v11 =	vsel vm2, v11, v12  }
0x2fb: {  	p1 =	seq.s32 s20, s21;
	v12 =	vbroadcast v13, $0x0;
	v11 =	vsel vm3, v11, v9  }
0x2fc: {  	v13 =	vadd.f32 v10, v6;
	v9 =	vnsel vm9, $0xFF61B1E6, v9;
	v11 =	vsel vm8, s5, v11  }
0x2fd: {  	v9 =	vsel vm4, v11, v9;
	s23 =	spop (v2sf)  }
0x2fe: {  	v9 =	vsel vm5, v9, v13;
	s23 =	sshll.u32 s23, $0x1;
	v10 =	vpop (erf)  }
0x2ff: {  	v9 =	vmul.f32 v10, v9;
	s23 =	sand.u32 $0x1FFFFFFE, s23  }
0x300: {  	s22 =	sadd.s32 $0x10, s22;
	s23 =	sadd.s32 s7, s23  }
0x301: {  	[tilespmem:s22+$0x0] =	vst v9;
	[hbm4b:s23+s2] =	stream.linear.scatter [tilespmem:s22], [sflag:$0x1], $0x10, $0x38  }
0x302: {  	v11 =	vld.idx.msk [tilespmem:v12+s15+$0x0], $0xffff;
	_ =	sdelay $0x2  }
0x303: {  	v9 =	vld.idx.msk [tilespmem:v12+s10+$0x0], $0xffff;
	_ =	sdelay $0x2  }
0x304: {  	vm8 =	vgt.s32 v11, $0x0  }
0x305: {  	v12 =	vnsel vm8, $0x0, v11  }
0x306: {  	v13 =	vadd.s32 $0x800, v12  }
0x307: {  	v10 =	vcvt.s32.f32 v9;
	v9 =	vxor.u32 $0x80000000, v9  }
0x308: {  	(xrf0) =	vmax.scan.msk.u32 $0xffff, v9;
	_ =	sdelay $0x2  }
0x309: {  	v9 =	vld.idx.msk [tilespmem:v13+s11+$0x0], $0xffff  }
0x30a: {  	v14 =	vld.idx.msk [tilespmem:v13+s12+$0x0], $0xffff;
	_ =	sdelay $0x1  }
0x30b: {  	v15 =	vadd.s32 $0x1400, v12;
	v16, _, _ =	vpop (xrf0)  }
0x30c: {  	v17 =	vadd.s32 $0x2000, v12;
	(v2sf) =	vpush v16, $0xF  }
0x30d: {  	v12 =	vadd.s32 $0x2C00, v12  }
0x30e: {  	v16 =	vnsel vm6, $0x3F800000, v9  }
0x30f: {  	vm9 =	vgt.s32 v11, $0xFFFFFFFF;
	vm8 =	veq.s32 v5, $0x5;
	v11 =	vsel vm3, v16, v14;
	v13 =	vld.idx.msk [tilespmem:v13+s13+$0x0], $0xffff  }
0x310: {  	v14 =	vnsel vm9, $0x3F800000, v14;
	v16 =	vsel vm8, $0x3F800000, v11;
	v15 =	vld.idx.msk [tilespmem:v15+s13+$0x0], $0xffff  }
0x311: {  	vm10 =	veq.s32 v5, $0x7;
	v14 =	vsel vm4, v16, v14;
	v11 =	vld.idx.msk [tilespmem:v17+s13+$0x0], $0xffff  }
.Ltmp51:
0x312: {  	v14 =	vsel vm10, $0x3F800000, v14;
	v12 =	vld.idx.msk [tilespmem:v12+s13+$0x0], $0xffff;
	(pc) =	sbr.rel @!p1 .LBB2_67-.Ltmp51, $3  }
0x313: {  	(erf) = vrcp.f32 v14;
	_ =	sdelay $0x1  }
0x314: {  	v13 =	vnsel vm7, $0x0, v13  }
0x315: {  	v13 =	vsel vm0, v13, v15  }
.LBB2_68:
0x316: {  	v11 =	vsel vm1, v13, v11  }
0x317: {  	v10 =	vadd.f32 v10, v6;
	v11 =	vsel vm2, v11, v12  }
0x318: {  	v11 =	vsel vm3, v11, v9  }
0x319: {  	v9 =	vnsel vm9, $0xFF61B1E6, v9;
	v11 =	vsel vm8, s5, v11  }
0x31a: {  	v9 =	vsel vm4, v11, v9  }
0x31b: {  	s20 =	spop (v2sf);
	v9 =	vsel vm5, v9, v10;
	v10 =	vpop (erf)  }
0x31c: {  	s22 =	sadd.s32 @p0 $0x10, s22;
	s20 =	sshll.u32 s20, $0x1;
	v9 =	vmul.f32 v10, v9  }
0x31d: {  	s19 =	smov.u32 @p0 s22;
	s20 =	sand.u32 $0x1FFFFFFE, s20  }
0x31e: {  	s20 =	sadd.s32 s7, s20;
	[tilespmem:s19+$0x0] =	vst v9  }
0x31f: {  	[hbm4b:s20+s2] =	stream.linear.scatter [tilespmem:s19], [sflag:$0x1], $0x10, $0x38;
	[tilespmem:$0xED00] =	vst v63  }
0x320: {  	s18 =	sadd.s32 s21, s18  }
.LBB2_59:
0x321: {  	p0 =	sgt.s32 s18, $0x0  }
.Ltmp52:
0x322: {  	_ = 	snop;
	(pc) =	sbr.rel @!p0 .LBB2_63-.Ltmp52, $1  }
0x323: {  	_ =	sdelay $0x3  }
0x324: {  	p0 =	sne.s32 s18, $0x1  }
.Ltmp53:
0x325: {  	_ = 	snop;
	(pc) =	sbr.rel @!p0 .LBB2_62-.Ltmp53, $3  }
0x326: {  	_ =	sdelay $0x1  }
0x327: {  	_ =	swait.ge [sflag:s16], $0x10  }
0x328: {  	s18 =	sadd.s32 $0xFFFFFFFF, s18;
	[sflag:s16] =	ssyncset.done $0x0  }
.LBB2_61:
0x329: {  	p0 =	sne.s32 s18, $0x1;
	s18 =	sadd.s32 $0xFFFFFFFF, s18;
	[sflag:s16] =	ssyncadd.s32 $0xFFFFFFF0  }
.Ltmp54:
0x32a: {  	(pc) =	sbr.rel @p0 .LBB2_61-.Ltmp54, $3  }
0x32b: {  	_ =	sdelay $0x1  }
0x32c: {  	_ =	swait.ge [sflag:s16], $0x10  }
0x32d: {  	[sflag:s16] =	ssyncset.done $0x0  }
.Ltmp55:
0x32e: {  	_ = 	snop;
	(pc) =	sbr.rel .LBB2_62-.Ltmp55, $1  }
0x32f: {  	_ =	sdelay $0x3  }
.LBB2_45:
.Ltmp56:
0x330: {  	(pc) =	sbr.rel .LBB2_49-.Ltmp56, $2  }
0x331: {  	_ =	sdelay $0x2  }
0x332: {  	s23 =	simm.s32 $0xAD00  }
.LBB2_10:
.Ltmp57:
0x333: {  	(pc) =	sbr.rel .LBB2_57-.Ltmp57, $2  }
0x334: {  	_ =	sdelay $0x2  }
0x335: {  	s23 =	smov.u32 s21  }
.LBB2_53:
.Ltmp58:
0x336: {  	(pc) =	sbr.rel .LBB2_68-.Ltmp58, $2  }
0x337: {  	_ =	sdelay $0x2  }
0x338: {  	s22 =	smov.u32 s19  }
.LBB2_47:
.Ltmp59:
0x339: {  	(pc) =	sbr.rel .LBB2_49-.Ltmp59, $2  }
0x33a: {  	_ =	sdelay $0x2  }
0x33b: {  	s23 =	simm.s32 $0xAD00  }
.LBB2_55:
.Ltmp60:
0x33c: {  	(pc) =	sbr.rel .LBB2_57-.Ltmp60, $2  }
0x33d: {  	_ =	sdelay $0x2  }
0x33e: {  	s23 =	smov.u32 s21  }
.LBB2_66:
.Ltmp61:
0x33f: {  	(pc) =	sbr.rel .LBB2_68-.Ltmp61, $2  }
0x340: {  	_ =	sdelay $0x2  }
0x341: {  	s22 =	smov.u32 s19  }
.LBB2_64:
0x342: {  	_ =	sfence.sel $0x180000  }
0x343: {  	[bflag:$0x0] =	sbarrier.arrive $0xFFFF  }
0x344: {  	p0 =	sne.s32 s1, $0x0;
	_ =	strace $0x90000047  }
0x345: {  	s0 =	sadd.s32 @!p0 $0x100000, s0;
	[bflag:$0x2] =	sbarrier.arrive $0xFFFF  }
0x346: {  	[sflag:s0] =	ssyncadd.tile.s32 @!p0 $0x1;
	_ =	shalt  }
.Lfunc_end2:
_tile_overlayer_lowered:
.L_overlay_start_2:
0x347: {  	(tag) =	ssettag $0x2  }
0x348: {  	s0 =	rddreg [dreg:$0x0];
	s2 =	stileid.u32  }
0x349: {  	s1 =	rddreg [dreg:$0x1];
	p0 =	sne.s32 s2, $0x0  }
0x34a: {  	s3 =	rddreg [dreg:$0x2];
	[bflag:$0x3] =	sbarrier.arrive $0xFFFF;
	s2 =	simm.s32 @!p0 $0x1C02  }
0x34b: {  	[timem:s3], [sflag:s2] =	dma.local @!p0 [hbm:s0], s1  }
0x34c: {  	s0 =	simm.s32 @!p0 $0x2  }
0x34d: {  	_ =	swait.ge @!p0 [sflag:s0], s1  }
0x34e: {  	s1 =	ssub.s32 @!p0 $0x0, s1;
	[sflag:s0] =	ssyncset.done @!p0 $0x0  }
0x34f: {  	[sflag:s0] =	ssyncadd.s32 @!p0 s1  }
0x350: {  	[bflag:$0x3] =	sbarrier.arrive $0xFFFF  }
0x351: {  	_ =	shalt  }

</sc_bundles>
